<compile_context>
chip_gen: v7x
topology: tpu7x:2x2x1
jax: 0.10.2.dev20260603
libtpu: 0.0.44.dev20260713+nightly
codegen_flags: <defaults>
</compile_context>

<pallas_src>
import functools

import jax
import jax.numpy as jnp
from jax import lax
from jax.experimental import pallas as pl
from jax.experimental.pallas import tpu as pltpu
from jax.experimental.pallas import tpu_sc as plsc

N = 10000
NP = 10240
E = 320000
D = 128
D_DENSE = 256
D_OUT = 64
NC = 2
NS = 16
NW = NC * NS
EPW = E // NW
C = 125
NCHUNK = EPW // C
SLAB = NP // NS

_mesh = dict(core_axis_name="c", subcore_axis_name="s")


@functools.partial(
    pl.kernel,
    out_type=jax.ShapeDtypeStruct((NC, NP), jnp.float32),
    mesh=plsc.VectorSubcoreMesh(**_mesh),
    scratch_types=[
        pltpu.VMEM((NCHUNK, C), jnp.int32),
        pltpu.VMEM((128,), jnp.float32),
        pltpu.VMEM_SHARED((NP,), jnp.float32),
        pltpu.SemaphoreType.DMA,
        pltpu.SemaphoreType.DMA,
    ],
)
def _deg_parts(ei_hbm, zrow_hbm, out_hbm, dsti, onesb, acc, ss0, ss1):
    cid = lax.axis_index("c")
    sid = lax.axis_index("s")
    wid = sid * NC + cid
    ones16 = jnp.ones((16,), jnp.float32)
    for j in range(8):
        onesb[pl.ds(j * 16, 16)] = ones16
    ones = onesb.at[pl.ds(0, C)]
    pltpu.sync_copy(ei_hbm.at[1, wid], dsti)
    col0 = sid * SLAB
    pltpu.sync_copy(zrow_hbm, acc.at[pl.ds(col0, SLAB)])
    plsc.subcore_barrier()

    pltpu.async_copy(ones, acc.at[dsti.at[0]], ss0, add=True)
    pltpu.async_copy(ones, acc.at[dsti.at[1]], ss1, add=True)

    def cbody(t, _):
        i = 2 * t
        pltpu.make_async_copy(ones, acc.at[dsti.at[i]], ss0).wait()
        pltpu.async_copy(ones, acc.at[dsti.at[i + 2]], ss0, add=True)
        pltpu.make_async_copy(ones, acc.at[dsti.at[i + 1]], ss1).wait()
        pltpu.async_copy(ones, acc.at[dsti.at[i + 3]], ss1, add=True)
        return 0
    lax.fori_loop(0, NCHUNK // 2 - 1, cbody, 0)
    pltpu.make_async_copy(ones, acc.at[dsti.at[NCHUNK - 2]], ss0).wait()
    pltpu.make_async_copy(ones, acc.at[dsti.at[NCHUNK - 1]], ss1).wait()

    plsc.subcore_barrier()
    pltpu.sync_copy(acc.at[pl.ds(col0, SLAB)], out_hbm.at[cid, pl.ds(col0, SLAB)])


@functools.partial(
    pl.kernel,
    out_type=jax.ShapeDtypeStruct((NC * NP, D), jnp.float32),
    mesh=plsc.VectorSubcoreMesh(**_mesh),
    scratch_types=[
        pltpu.VMEM((NCHUNK, C), jnp.int32),
        pltpu.VMEM((C,), jnp.int32),
        pltpu.VMEM((C,), jnp.int32),
        pltpu.VMEM((C, D), jnp.float32),
        pltpu.VMEM((C, D), jnp.float32),
        pltpu.VMEM_SHARED((NP, D), jnp.float32),
        pltpu.SemaphoreType.DMA,
        pltpu.SemaphoreType.DMA,
        pltpu.SemaphoreType.DMA,
        pltpu.SemaphoreType.DMA,
        pltpu.SemaphoreType.DMA,
        pltpu.SemaphoreType.DMA,
    ],
)
def _edge_agg(hs_hbm, ei_hbm, zslab_hbm, out_hbm,
              dsti, srcb0, srcb1, rows0, rows1, acc, gs0, gs1, ss0, ss1, is0, is1):
    cid = lax.axis_index("c")
    sid = lax.axis_index("s")
    wid = sid * NC + cid
    r0 = sid * SLAB
    pltpu.sync_copy(ei_hbm.at[1, wid], dsti)
    pltpu.sync_copy(ei_hbm.at[0, wid, 0], srcb0)
    pltpu.async_copy(hs_hbm.at[srcb0], rows0, gs0)
    pltpu.sync_copy(ei_hbm.at[0, wid, 1], srcb1)
    pltpu.async_copy(hs_hbm.at[srcb1], rows1, gs1)
    pltpu.sync_copy(zslab_hbm, acc.at[pl.ds(r0, SLAB)])
    plsc.subcore_barrier()

    def cbody(t, _):
        i = 2 * t
        pltpu.make_async_copy(hs_hbm.at[srcb0], rows0, gs0).wait()
        pltpu.async_copy(ei_hbm.at[0, wid, i + 2], srcb0, is0)
        pltpu.async_copy(rows0, acc.at[dsti.at[i]], ss0, add=True)
        pltpu.make_async_copy(rows0, acc.at[dsti.at[i]], ss0).wait()
        pltpu.make_async_copy(ei_hbm.at[0, wid, i + 2], srcb0, is0).wait()
        pltpu.async_copy(hs_hbm.at[srcb0], rows0, gs0)
        pltpu.make_async_copy(hs_hbm.at[srcb1], rows1, gs1).wait()
        pltpu.async_copy(ei_hbm.at[0, wid, i + 3], srcb1, is1)
        pltpu.async_copy(rows1, acc.at[dsti.at[i + 1]], ss1, add=True)
        pltpu.make_async_copy(rows1, acc.at[dsti.at[i + 1]], ss1).wait()
        pltpu.make_async_copy(ei_hbm.at[0, wid, i + 3], srcb1, is1).wait()
        pltpu.async_copy(hs_hbm.at[srcb1], rows1, gs1)
        return 0
    lax.fori_loop(0, NCHUNK // 2 - 1, cbody, 0)

    i = NCHUNK - 2
    pltpu.make_async_copy(hs_hbm.at[srcb0], rows0, gs0).wait()
    pltpu.async_copy(rows0, acc.at[dsti.at[i]], ss0, add=True)
    pltpu.make_async_copy(rows0, acc.at[dsti.at[i]], ss0).wait()
    pltpu.make_async_copy(hs_hbm.at[srcb1], rows1, gs1).wait()
    pltpu.async_copy(rows1, acc.at[dsti.at[i + 1]], ss1, add=True)
    pltpu.make_async_copy(rows1, acc.at[dsti.at[i + 1]], ss1).wait()

    plsc.subcore_barrier()
    pltpu.sync_copy(acc.at[pl.ds(r0, SLAB)], out_hbm.at[pl.ds(cid * NP + r0, SLAB)])


R = 2000
GRID = N // R


def _dis_body(parts_ref, out_ref):
    p = parts_ref[...]
    out_ref[...] = jnp.transpose(lax.rsqrt(p[0:1, :] + p[1:2, :] + 1.0))


_dis_call = pl.pallas_call(
    _dis_body,
    out_shape=jax.ShapeDtypeStruct((NP, 1), jnp.float32),
)


def _stage0_body(x_ref, w_ref, dis_ref, hs_ref):
    hw = jnp.dot(x_ref[...], w_ref[...], preferred_element_type=jnp.float32)
    hs_ref[...] = hw * dis_ref[...]


_stage0_call = pl.pallas_call(
    _stage0_body,
    grid=(GRID,),
    in_specs=[
        pl.BlockSpec((R, D), lambda i: (i, 0)),
        pl.BlockSpec((D, D), lambda i: (0, 0)),
        pl.BlockSpec((R, 1), lambda i: (i, 0)),
    ],
    out_specs=pl.BlockSpec((R, D), lambda i: (i, 0)),
    out_shape=jax.ShapeDtypeStruct((N, D), jnp.float32),
)


def _ln_relu(conv, g, be):
    a = jnp.maximum(conv, 0.0)
    m = jnp.mean(a, axis=-1, keepdims=True)
    v = jnp.mean((a - m) ** 2, axis=-1, keepdims=True)
    return (a - m) * lax.rsqrt(v + 1e-5) * g + be


def _layer_body(hs_ref, p0_ref, p1_ref, dis_ref, b_ref, g_ref, be_ref, wn_ref,
                hsn_ref):
    dis = dis_ref[...]
    agg = p0_ref[0] + p1_ref[0]
    conv = dis * (agg + hs_ref[...]) + b_ref[...]
    h = _ln_relu(conv, g_ref[...], be_ref[...])
    hwn = jnp.dot(h, wn_ref[...], preferred_element_type=jnp.float32)
    hsn_ref[...] = hwn * dis


_layer_call = pl.pallas_call(
    _layer_body,
    grid=(GRID,),
    in_specs=[
        pl.BlockSpec((R, D), lambda i: (i, 0)),
        pl.BlockSpec((1, R, D), lambda i: (0, i, 0)),
        pl.BlockSpec((1, R, D), lambda i: (1, i, 0)),
        pl.BlockSpec((R, 1), lambda i: (i, 0)),
        pl.BlockSpec((1, D), lambda i: (0, 0)),
        pl.BlockSpec((1, D), lambda i: (0, 0)),
        pl.BlockSpec((1, D), lambda i: (0, 0)),
        pl.BlockSpec((D, D), lambda i: (0, 0)),
    ],
    out_specs=pl.BlockSpec((R, D), lambda i: (i, 0)),
    out_shape=jax.ShapeDtypeStruct((N, D), jnp.float32),
)


def _final_body(hs_ref, p0_ref, p1_ref, dis_ref, b_ref, g_ref, be_ref,
                wp1_ref, bp1_ref, wp2_ref, bp2_ref, wp3_ref, bp3_ref,
                emb_ref, logp_ref):
    dis = dis_ref[...]
    agg = p0_ref[0] + p1_ref[0]
    conv = dis * (agg + hs_ref[...]) + b_ref[...]
    emb_ref[...] = conv
    h = _ln_relu(conv, g_ref[...], be_ref[...])
    h = jnp.dot(h, wp1_ref[...], preferred_element_type=jnp.float32) + bp1_ref[...]
    h = jnp.dot(h, wp2_ref[...], preferred_element_type=jnp.float32) + bp2_ref[...]
    h = jnp.dot(h, wp3_ref[...], preferred_element_type=jnp.float32) + bp3_ref[...]
    mx = jnp.max(h, axis=-1, keepdims=True)
    sh = h - mx
    lse = jnp.log(jnp.sum(jnp.exp(sh), axis=-1, keepdims=True))
    logp_ref[...] = sh - lse


_final_call = pl.pallas_call(
    _final_body,
    grid=(GRID,),
    in_specs=[
        pl.BlockSpec((R, D), lambda i: (i, 0)),
        pl.BlockSpec((1, R, D), lambda i: (0, i, 0)),
        pl.BlockSpec((1, R, D), lambda i: (1, i, 0)),
        pl.BlockSpec((R, 1), lambda i: (i, 0)),
        pl.BlockSpec((1, D), lambda i: (0, 0)),
        pl.BlockSpec((1, D), lambda i: (0, 0)),
        pl.BlockSpec((1, D), lambda i: (0, 0)),
        pl.BlockSpec((D, D_DENSE), lambda i: (0, 0)),
        pl.BlockSpec((1, D_DENSE), lambda i: (0, 0)),
        pl.BlockSpec((D_DENSE, D), lambda i: (0, 0)),
        pl.BlockSpec((1, D), lambda i: (0, 0)),
        pl.BlockSpec((D, D_OUT), lambda i: (0, 0)),
        pl.BlockSpec((1, D_OUT), lambda i: (0, 0)),
    ],
    out_specs=[
        pl.BlockSpec((R, D), lambda i: (i, 0)),
        pl.BlockSpec((R, D_OUT), lambda i: (i, 0)),
    ],
    out_shape=[
        jax.ShapeDtypeStruct((N, D), jnp.float32),
        jax.ShapeDtypeStruct((N, D_OUT), jnp.float32),
    ],
)


def kernel(x, edge_index, edge_attr, batch, W1, b1, g1, be1, W2, b2, g2, be2,
           W3, b3, g3, be3, Wp1, bp1, Wp2, bp2, Wp3, bp3):
    ei_pk = edge_index.reshape(2, NW, NCHUNK, C)

    deg_parts = _deg_parts(ei_pk, jnp.zeros((SLAB,), jnp.float32))
    dis = _dis_call(deg_parts)

    zslab = jnp.zeros((SLAB, D), jnp.float32)

    b1r, g1r, be1r = b1.reshape(1, D), g1.reshape(1, D), be1.reshape(1, D)
    b2r, g2r, be2r = b2.reshape(1, D), g2.reshape(1, D), be2.reshape(1, D)
    b3r, g3r, be3r = b3.reshape(1, D), g3.reshape(1, D), be3.reshape(1, D)

    hs = _stage0_call(x, W1, dis)
    parts = _edge_agg(hs, ei_pk, zslab).reshape(NC, NP, D)
    hs = _layer_call(hs, parts, parts, dis, b1r, g1r, be1r, W2)
    parts = _edge_agg(hs, ei_pk, zslab).reshape(NC, NP, D)
    hs = _layer_call(hs, parts, parts, dis, b2r, g2r, be2r, W3)
    parts = _edge_agg(hs, ei_pk, zslab).reshape(NC, NP, D)
    emb, logp = _final_call(
        hs, parts, parts, dis, b3r, g3r, be3r,
        Wp1, bp1.reshape(1, D_DENSE), Wp2, bp2.reshape(1, D),
        Wp3, bp3.reshape(1, D_OUT))
    return emb, logp

# --- scband reference (transcript-rebuilt; emitter-appended) ---
"""Pipeline reference for scband-gnn-936302870769 (READ-ONLY COPY).

The authoritative reference and input builder live on the scoring server;
editing this copy changes nothing except your own understanding.
"""

import jax, jax.numpy as jnp
import numpy as np

N = 10000
E = 320000
D_IN = 128
D_HID = 128
D_DENSE = 256
D_OUT = 64
D_EDGE = 16


def _init(key, shape):
    fan_in = shape[0]
    bound = 1.0 / np.sqrt(fan_in)
    return jax.random.uniform(key, shape, jnp.float32, -bound, bound)


def setup_inputs(seed: int = 0):
    key = jax.random.key(seed)
    ks = jax.random.split(key, 16)
    inp = {}
    inp['x'] = jax.random.normal(ks[0], (N, D_IN), dtype=jnp.float32)
    inp['edge_index'] = jax.random.randint(ks[1], (2, E), 0, N)
    inp['edge_attr'] = jax.random.normal(ks[2], (E, D_EDGE), dtype=jnp.float32)
    inp['batch'] = jnp.zeros((N,), dtype=jnp.int32)
    # GCNConv layers: conv1 + 2 stacked convs
    inp['W1'] = _init(ks[3], (D_IN, D_HID)); inp['b1'] = jnp.zeros((D_HID,), jnp.float32)
    inp['g1'] = jnp.ones((D_HID,), jnp.float32); inp['be1'] = jnp.zeros((D_HID,), jnp.float32)
    inp['W2'] = _init(ks[4], (D_HID, D_HID)); inp['b2'] = jnp.zeros((D_HID,), jnp.float32)
    inp['g2'] = jnp.ones((D_HID,), jnp.float32); inp['be2'] = jnp.zeros((D_HID,), jnp.float32)
    inp['W3'] = _init(ks[5], (D_HID, D_HID)); inp['b3'] = jnp.zeros((D_HID,), jnp.float32)
    inp['g3'] = jnp.ones((D_HID,), jnp.float32); inp['be3'] = jnp.zeros((D_HID,), jnp.float32)
    # post_mp: Linear(128,256) -> Linear(256,128) -> Linear(128,64)
    inp['Wp1'] = _init(ks[6], (D_HID, D_DENSE)); inp['bp1'] = _init(ks[7], (D_DENSE,))
    inp['Wp2'] = _init(ks[8], (D_DENSE, D_DENSE // 2)); inp['bp2'] = _init(ks[9], (D_DENSE // 2,))
    inp['Wp3'] = _init(ks[10], (D_DENSE // 2, D_OUT)); inp['bp3'] = _init(ks[11], (D_OUT,))
    return inp


def _gcn_conv(h, W, b, src, dst):
    # PyG GCNConv: add self loops, symmetric normalization D^-1/2 (A+I) D^-1/2 X W + b
    h = h @ W
    loop = jnp.arange(N)
    si = jnp.concatenate([src, loop])
    di = jnp.concatenate([dst, loop])
    deg = jnp.zeros((N,), h.dtype).at[di].add(1.0)
    dis = jnp.where(deg > 0, jax.lax.rsqrt(deg), 0.0)
    norm = dis[si] * dis[di]
    msg = h[si] * norm[:, None]
    out = jnp.zeros_like(h).at[di].add(msg)
    return out + b


def _ln(h, g, be):
    m = jnp.mean(h, axis=-1, keepdims=True)
    v = jnp.var(h, axis=-1, keepdims=True)
    return (h - m) * jax.lax.rsqrt(v + 1e-5) * g + be


def reference(x, edge_index, edge_attr, batch, W1, b1, g1, be1, W2, b2, g2, be2, W3, b3, g3, be3, Wp1, bp1, Wp2, bp2, Wp3, bp3):
    src = edge_index[0]
    dst = edge_index[1]
    h = _gcn_conv(x, W1, b1, src, dst)
    emb = h
    h = jax.nn.relu(h)
    h = _ln(h, g1, be1)
    # dropout p=0.0 -> no-op
    h = _gcn_conv(h, W2, b2, src, dst)
    emb = h
    h = jax.nn.relu(h)
    h = _ln(h, g2, be2)
    h = _gcn_conv(h, W3, b3, src, dst)
    emb = h
    h = jax.nn.relu(h)
    h = _ln(h, g3, be3)
    # task == 'node' -> no global_mean_pool
    h = h @ Wp1 + bp1
    h = h @ Wp2 + bp2
    h = h @ Wp3 + bp3
    logp = jax.nn.log_softmax(h, axis=1)
    return (emb, logp)

if __name__ == "__main__":
    import jax
    _d = setup_inputs()
    print(jax.jit(kernel)(*tuple(_d.values())))

</pallas_src>

<mosaic_0001>
#map = affine_map<(d0, d1) -> (0, 0)>
#map1 = affine_map<(d0, d1) -> (0, 0, 0, 0)>
module attributes {stable_mosaic.version = 14 : i64} {
  func.func @_edge_agg(%arg0: i32, %arg1: i32, %arg2: memref<10000x128xf32, #tpu.memory_space<hbm>>, %arg3: memref<2x32x80x125xi32, #tpu.memory_space<hbm>>, %arg4: memref<640x128xf32, #tpu.memory_space<hbm>>, %arg5: memref<20480x128xf32, #tpu.memory_space<hbm>>, %arg6: memref<80x125xi32, #tpu.memory_space<vmem>>, %arg7: memref<125xi32, #tpu.memory_space<vmem>>, %arg8: memref<125xi32, #tpu.memory_space<vmem>>, %arg9: memref<125x128xf32, #tpu.memory_space<vmem>>, %arg10: memref<125x128xf32, #tpu.memory_space<vmem>>, %arg11: memref<10240x128xf32, #tpu.memory_space<vmem_shared>>, %arg12: memref<!tpu.dma_semaphore, #tpu.memory_space<semaphore_mem>>, %arg13: memref<!tpu.dma_semaphore, #tpu.memory_space<semaphore_mem>>, %arg14: memref<!tpu.dma_semaphore, #tpu.memory_space<semaphore_mem>>, %arg15: memref<!tpu.dma_semaphore, #tpu.memory_space<semaphore_mem>>, %arg16: memref<!tpu.dma_semaphore, #tpu.memory_space<semaphore_mem>>, %arg17: memref<!tpu.dma_semaphore, #tpu.memory_space<semaphore_mem>>) attributes {dimension_semantics = [#tpu.dimension_semantics<core_parallel>, #tpu.dimension_semantics<subcore_parallel>], iteration_bounds = array<i64: 2, 16>, scalar_prefetch = 0 : i64, scratch_operands = 12 : i64, tpu.core_type = #tpu.core_type<sc_vector_subcore>, window_params = [{transform_indices = #map}, {transform_indices = #map1}, {transform_indices = #map}, {transform_indices = #map}]} {
    %mul3A = arith.constant 2 : i32
    %mul3A_0 = arith.muli %arg1, %mul3A : i32
    %add3A = arith.addi %mul3A_0, %arg0 : i32
    %mul3A_1 = arith.constant 640 : i32
    %mul3A_2 = arith.muli %arg1, %mul3A_1 : i32
    %run_scoped3A = arith.constant 1 : i32
    "tpu.region"() ({
      %run_scoped3A_55 = tpu.sem_alloc : memref<!tpu.dma_semaphore, #tpu.memory_space<semaphore_mem>>
      %dma_start3A_56 = arith.constant 0 : i32
      %dma_start3A_57 = arith.constant 0 : i32
      %dma_start3A_58 = tpu.memref_slice %arg3[%run_scoped3A, %add3A, %dma_start3A_56, %dma_start3A_57] : memref<2x32x80x125xi32, #tpu.memory_space<hbm>> -> memref<1x1x80x125xi32, #tpu.memory_space<hbm>>
      %dma_start3A_59 = tpu.memref_squeeze %dma_start3A_58 : memref<1x1x80x125xi32, #tpu.memory_space<hbm>> -> memref<80x125xi32, #tpu.memory_space<hbm>>
      %dma_start3A_60 = arith.constant 0 : i32
      %dma_start3A_61 = arith.constant 0 : i32
      %dma_start3A_62 = tpu.memref_slice %arg3[%run_scoped3A, %add3A, %dma_start3A_60, %dma_start3A_61] : memref<2x32x80x125xi32, #tpu.memory_space<hbm>> -> memref<1x1x80x125xi32, #tpu.memory_space<hbm>>
      %dma_start3A_63 = tpu.memref_squeeze %dma_start3A_62 : memref<1x1x80x125xi32, #tpu.memory_space<hbm>> -> memref<80x125xi32, #tpu.memory_space<hbm>>
      tpu.enqueue_dma source(%dma_start3A_63 : memref<80x125xi32, #tpu.memory_space<hbm>>) target(%arg6 : memref<80x125xi32, #tpu.memory_space<vmem>>) target_semaphore(%run_scoped3A_55 : memref<!tpu.dma_semaphore, #tpu.memory_space<semaphore_mem>>)
      %dma_wait3A_64 = arith.constant 0 : i32
      %dma_wait3A_65 = arith.constant 0 : i32
      %dma_wait3A_66 = tpu.memref_slice %arg3[%run_scoped3A, %add3A, %dma_wait3A_64, %dma_wait3A_65] : memref<2x32x80x125xi32, #tpu.memory_space<hbm>> -> memref<1x1x80x125xi32, #tpu.memory_space<hbm>>
      %dma_wait3A_67 = tpu.memref_squeeze %dma_wait3A_66 : memref<1x1x80x125xi32, #tpu.memory_space<hbm>> -> memref<80x125xi32, #tpu.memory_space<hbm>>
      %dma_wait3A_68 = arith.constant 0 : i32
      %dma_wait3A_69 = arith.constant 0 : i32
      %dma_wait3A_70 = tpu.memref_slice %arg3[%run_scoped3A, %add3A, %dma_wait3A_68, %dma_wait3A_69] : memref<2x32x80x125xi32, #tpu.memory_space<hbm>> -> memref<1x1x80x125xi32, #tpu.memory_space<hbm>>
      %dma_wait3A_71 = tpu.memref_squeeze %dma_wait3A_70 : memref<1x1x80x125xi32, #tpu.memory_space<hbm>> -> memref<80x125xi32, #tpu.memory_space<hbm>>
      tpu.wait_dma2 semaphore(%run_scoped3A_55 : memref<!tpu.dma_semaphore, #tpu.memory_space<semaphore_mem>>) src(%dma_wait3A_71 : memref<80x125xi32, #tpu.memory_space<hbm>>) dst(%arg6 : memref<80x125xi32, #tpu.memory_space<vmem>>)
      tpu.yield
    }) : () -> ()
    %run_scoped3A_3 = arith.constant 0 : i32
    %run_scoped3A_4 = arith.constant 0 : i32
    "tpu.region"() ({
      %run_scoped3A_55 = tpu.sem_alloc : memref<!tpu.dma_semaphore, #tpu.memory_space<semaphore_mem>>
      %dma_start3A_56 = arith.constant 0 : i32
      %dma_start3A_57 = tpu.memref_slice %arg3[%run_scoped3A_3, %add3A, %run_scoped3A_4, %dma_start3A_56] : memref<2x32x80x125xi32, #tpu.memory_space<hbm>> -> memref<1x1x1x125xi32, #tpu.memory_space<hbm>>
      %dma_start3A_58 = tpu.memref_squeeze %dma_start3A_57 : memref<1x1x1x125xi32, #tpu.memory_space<hbm>> -> memref<125xi32, #tpu.memory_space<hbm>>
      %dma_start3A_59 = arith.constant 0 : i32
      %dma_start3A_60 = tpu.memref_slice %arg3[%run_scoped3A_3, %add3A, %run_scoped3A_4, %dma_start3A_59] : memref<2x32x80x125xi32, #tpu.memory_space<hbm>> -> memref<1x1x1x125xi32, #tpu.memory_space<hbm>>
      %dma_start3A_61 = tpu.memref_squeeze %dma_start3A_60 : memref<1x1x1x125xi32, #tpu.memory_space<hbm>> -> memref<125xi32, #tpu.memory_space<hbm>>
      tpu.enqueue_dma source(%dma_start3A_61 : memref<125xi32, #tpu.memory_space<hbm>>) target(%arg7 : memref<125xi32, #tpu.memory_space<vmem>>) target_semaphore(%run_scoped3A_55 : memref<!tpu.dma_semaphore, #tpu.memory_space<semaphore_mem>>)
      %dma_wait3A_62 = arith.constant 0 : i32
      %dma_wait3A_63 = tpu.memref_slice %arg3[%run_scoped3A_3, %add3A, %run_scoped3A_4, %dma_wait3A_62] : memref<2x32x80x125xi32, #tpu.memory_space<hbm>> -> memref<1x1x1x125xi32, #tpu.memory_space<hbm>>
      %dma_wait3A_64 = tpu.memref_squeeze %dma_wait3A_63 : memref<1x1x1x125xi32, #tpu.memory_space<hbm>> -> memref<125xi32, #tpu.memory_space<hbm>>
      %dma_wait3A_65 = arith.constant 0 : i32
      %dma_wait3A_66 = tpu.memref_slice %arg3[%run_scoped3A_3, %add3A, %run_scoped3A_4, %dma_wait3A_65] : memref<2x32x80x125xi32, #tpu.memory_space<hbm>> -> memref<1x1x1x125xi32, #tpu.memory_space<hbm>>
      %dma_wait3A_67 = tpu.memref_squeeze %dma_wait3A_66 : memref<1x1x1x125xi32, #tpu.memory_space<hbm>> -> memref<125xi32, #tpu.memory_space<hbm>>
      tpu.wait_dma2 semaphore(%run_scoped3A_55 : memref<!tpu.dma_semaphore, #tpu.memory_space<semaphore_mem>>) src(%dma_wait3A_67 : memref<125xi32, #tpu.memory_space<hbm>>) dst(%arg7 : memref<125xi32, #tpu.memory_space<vmem>>)
      tpu.yield
    }) : () -> ()
    %dma_start3A = arith.constant 0 : i32
    %dma_start3A_5 = arith.constant 0 : i32
    %dma_start3A_6 = tpu.memref_slice %arg2[%dma_start3A, %dma_start3A_5] : memref<10000x128xf32, #tpu.memory_space<hbm>> -> memref<10000x128xf32, #tpu.memory_space<hbm>>
    tpu.enqueue_indirect_dma source(%dma_start3A_6 : memref<10000x128xf32, #tpu.memory_space<hbm>>) target(%arg9 : memref<125x128xf32, #tpu.memory_space<vmem>>) offsets(%arg7 : memref<125xi32, #tpu.memory_space<vmem>>) semaphore(%arg12 : memref<!tpu.dma_semaphore, #tpu.memory_space<semaphore_mem>>)
    %run_scoped3A_7 = arith.constant 0 : i32
    %run_scoped3A_8 = arith.constant 1 : i32
    "tpu.region"() ({
      %run_scoped3A_55 = tpu.sem_alloc : memref<!tpu.dma_semaphore, #tpu.memory_space<semaphore_mem>>
      %dma_start3A_56 = arith.constant 0 : i32
      %dma_start3A_57 = tpu.memref_slice %arg3[%run_scoped3A_7, %add3A, %run_scoped3A_8, %dma_start3A_56] : memref<2x32x80x125xi32, #tpu.memory_space<hbm>> -> memref<1x1x1x125xi32, #tpu.memory_space<hbm>>
      %dma_start3A_58 = tpu.memref_squeeze %dma_start3A_57 : memref<1x1x1x125xi32, #tpu.memory_space<hbm>> -> memref<125xi32, #tpu.memory_space<hbm>>
      %dma_start3A_59 = arith.constant 0 : i32
      %dma_start3A_60 = tpu.memref_slice %arg3[%run_scoped3A_7, %add3A, %run_scoped3A_8, %dma_start3A_59] : memref<2x32x80x125xi32, #tpu.memory_space<hbm>> -> memref<1x1x1x125xi32, #tpu.memory_space<hbm>>
      %dma_start3A_61 = tpu.memref_squeeze %dma_start3A_60 : memref<1x1x1x125xi32, #tpu.memory_space<hbm>> -> memref<125xi32, #tpu.memory_space<hbm>>
      tpu.enqueue_dma source(%dma_start3A_61 : memref<125xi32, #tpu.memory_space<hbm>>) target(%arg8 : memref<125xi32, #tpu.memory_space<vmem>>) target_semaphore(%run_scoped3A_55 : memref<!tpu.dma_semaphore, #tpu.memory_space<semaphore_mem>>)
      %dma_wait3A_62 = arith.constant 0 : i32
      %dma_wait3A_63 = tpu.memref_slice %arg3[%run_scoped3A_7, %add3A, %run_scoped3A_8, %dma_wait3A_62] : memref<2x32x80x125xi32, #tpu.memory_space<hbm>> -> memref<1x1x1x125xi32, #tpu.memory_space<hbm>>
      %dma_wait3A_64 = tpu.memref_squeeze %dma_wait3A_63 : memref<1x1x1x125xi32, #tpu.memory_space<hbm>> -> memref<125xi32, #tpu.memory_space<hbm>>
      %dma_wait3A_65 = arith.constant 0 : i32
      %dma_wait3A_66 = tpu.memref_slice %arg3[%run_scoped3A_7, %add3A, %run_scoped3A_8, %dma_wait3A_65] : memref<2x32x80x125xi32, #tpu.memory_space<hbm>> -> memref<1x1x1x125xi32, #tpu.memory_space<hbm>>
      %dma_wait3A_67 = tpu.memref_squeeze %dma_wait3A_66 : memref<1x1x1x125xi32, #tpu.memory_space<hbm>> -> memref<125xi32, #tpu.memory_space<hbm>>
      tpu.wait_dma2 semaphore(%run_scoped3A_55 : memref<!tpu.dma_semaphore, #tpu.memory_space<semaphore_mem>>) src(%dma_wait3A_67 : memref<125xi32, #tpu.memory_space<hbm>>) dst(%arg8 : memref<125xi32, #tpu.memory_space<vmem>>)
      tpu.yield
    }) : () -> ()
    %dma_start3A_9 = arith.constant 0 : i32
    %dma_start3A_10 = arith.constant 0 : i32
    %dma_start3A_11 = tpu.memref_slice %arg2[%dma_start3A_9, %dma_start3A_10] : memref<10000x128xf32, #tpu.memory_space<hbm>> -> memref<10000x128xf32, #tpu.memory_space<hbm>>
    tpu.enqueue_indirect_dma source(%dma_start3A_11 : memref<10000x128xf32, #tpu.memory_space<hbm>>) target(%arg10 : memref<125x128xf32, #tpu.memory_space<vmem>>) offsets(%arg8 : memref<125xi32, #tpu.memory_space<vmem>>) semaphore(%arg13 : memref<!tpu.dma_semaphore, #tpu.memory_space<semaphore_mem>>)
    "tpu.region"() ({
      %run_scoped3A_55 = tpu.sem_alloc : memref<!tpu.dma_semaphore, #tpu.memory_space<semaphore_mem>>
      %dma_start3A_56 = arith.constant 0 : i32
      %dma_start3A_57 = tpu.memref_slice %arg11[%mul3A_2, %dma_start3A_56] : memref<10240x128xf32, #tpu.memory_space<vmem_shared>> -> memref<640x128xf32, #tpu.memory_space<vmem_shared>>
      tpu.enqueue_dma source(%arg4 : memref<640x128xf32, #tpu.memory_space<hbm>>) target(%dma_start3A_57 : memref<640x128xf32, #tpu.memory_space<vmem_shared>>) target_semaphore(%run_scoped3A_55 : memref<!tpu.dma_semaphore, #tpu.memory_space<semaphore_mem>>)
      %dma_wait3A_58 = arith.constant 0 : i32
      %dma_wait3A_59 = tpu.memref_slice %arg11[%mul3A_2, %dma_wait3A_58] : memref<10240x128xf32, #tpu.memory_space<vmem_shared>> -> memref<640x128xf32, #tpu.memory_space<vmem_shared>>
      tpu.wait_dma2 semaphore(%run_scoped3A_55 : memref<!tpu.dma_semaphore, #tpu.memory_space<semaphore_mem>>) src(%arg4 : memref<640x128xf32, #tpu.memory_space<hbm>>) dst(%dma_wait3A_59 : memref<640x128xf32, #tpu.memory_space<vmem_shared>>)
      tpu.yield
    }) : () -> ()
    %barrier3A = arith.constant 0 : index
    tpu.barrier barrier_id(%barrier3A)
    %scan3A = arith.constant 0 : i32
    %scan3A_12 = arith.constant 0 : i32
    %scan3A_13 = arith.constant 39 : i32
    %scan3A_14 = arith.addi %scan3A_12, %scan3A_13 : i32
    %scan3A_15 = arith.constant 1 : i32
    %scan3A_16 = scf.for %scan3A_55 = %scan3A_12 to %scan3A_14 step %scan3A_15 iter_args(%scan3A_56 = %scan3A) -> (i32)  : i32 {
      %mul3A_57 = arith.constant 2 : i32
      %mul3A_58 = arith.muli %mul3A_57, %scan3A_55 : i32
      %dma_wait3A_59 = arith.constant 0 : i32
      %dma_wait3A_60 = arith.constant 0 : i32
      %dma_wait3A_61 = tpu.memref_slice %arg2[%dma_wait3A_59, %dma_wait3A_60] : memref<10000x128xf32, #tpu.memory_space<hbm>> -> memref<10000x128xf32, #tpu.memory_space<hbm>>
      tpu.wait_indirect_dma semaphore(%arg12 : memref<!tpu.dma_semaphore, #tpu.memory_space<semaphore_mem>>) src(%dma_wait3A_61 : memref<10000x128xf32, #tpu.memory_space<hbm>>) dst(%arg9 : memref<125x128xf32, #tpu.memory_space<vmem>>)
      %add3A_62 = arith.constant 2 : i32
      %add3A_63 = arith.addi %mul3A_58, %add3A_62 : i32
      %dma_start3A_64 = arith.constant 0 : i32
      %dma_start3A_65 = arith.constant 0 : i32
      %dma_start3A_66 = tpu.memref_slice %arg3[%dma_start3A_64, %add3A, %add3A_63, %dma_start3A_65] : memref<2x32x80x125xi32, #tpu.memory_space<hbm>> -> memref<1x1x1x125xi32, #tpu.memory_space<hbm>>
      %dma_start3A_67 = tpu.memref_squeeze %dma_start3A_66 : memref<1x1x1x125xi32, #tpu.memory_space<hbm>> -> memref<125xi32, #tpu.memory_space<hbm>>
      %dma_start3A_68 = arith.constant 0 : i32
      %dma_start3A_69 = tpu.memref_slice %arg3[%dma_start3A_64, %add3A, %add3A_63, %dma_start3A_68] : memref<2x32x80x125xi32, #tpu.memory_space<hbm>> -> memref<1x1x1x125xi32, #tpu.memory_space<hbm>>
      %dma_start3A_70 = tpu.memref_squeeze %dma_start3A_69 : memref<1x1x1x125xi32, #tpu.memory_space<hbm>> -> memref<125xi32, #tpu.memory_space<hbm>>
      tpu.enqueue_dma source(%dma_start3A_70 : memref<125xi32, #tpu.memory_space<hbm>>) target(%arg7 : memref<125xi32, #tpu.memory_space<vmem>>) target_semaphore(%arg16 : memref<!tpu.dma_semaphore, #tpu.memory_space<semaphore_mem>>)
      %dma_start3A_71 = arith.constant 0 : i32
      %dma_start3A_72 = tpu.memref_slice %arg6[%mul3A_58, %dma_start3A_71] : memref<80x125xi32, #tpu.memory_space<vmem>> -> memref<1x125xi32, #tpu.memory_space<vmem>>
      %dma_start3A_73 = tpu.memref_squeeze %dma_start3A_72 : memref<1x125xi32, #tpu.memory_space<vmem>> -> memref<125xi32, #tpu.memory_space<vmem>>
      %dma_start3A_74 = arith.constant 0 : i32
      %dma_start3A_75 = arith.constant 0 : i32
      %dma_start3A_76 = tpu.memref_slice %arg11[%dma_start3A_74, %dma_start3A_75] : memref<10240x128xf32, #tpu.memory_space<vmem_shared>> -> memref<10240x128xf32, #tpu.memory_space<vmem_shared>>
      tpu.enqueue_indirect_dma source(%arg9 : memref<125x128xf32, #tpu.memory_space<vmem>>) target(%dma_start3A_76 : memref<10240x128xf32, #tpu.memory_space<vmem_shared>>) offsets(%dma_start3A_73 : memref<125xi32, #tpu.memory_space<vmem>>) semaphore(%arg14 : memref<!tpu.dma_semaphore, #tpu.memory_space<semaphore_mem>>) {add = true}
      %dma_wait3A_77 = arith.constant 0 : i32
      %dma_wait3A_78 = tpu.memref_slice %arg6[%mul3A_58, %dma_wait3A_77] : memref<80x125xi32, #tpu.memory_space<vmem>> -> memref<1x125xi32, #tpu.memory_space<vmem>>
      %dma_wait3A_79 = tpu.memref_squeeze %dma_wait3A_78 : memref<1x125xi32, #tpu.memory_space<vmem>> -> memref<125xi32, #tpu.memory_space<vmem>>
      %dma_wait3A_80 = arith.constant 0 : i32
      %dma_wait3A_81 = arith.constant 0 : i32
      %dma_wait3A_82 = tpu.memref_slice %arg11[%dma_wait3A_80, %dma_wait3A_81] : memref<10240x128xf32, #tpu.memory_space<vmem_shared>> -> memref<10240x128xf32, #tpu.memory_space<vmem_shared>>
      tpu.wait_indirect_dma semaphore(%arg14 : memref<!tpu.dma_semaphore, #tpu.memory_space<semaphore_mem>>) src(%arg9 : memref<125x128xf32, #tpu.memory_space<vmem>>) dst(%dma_wait3A_82 : memref<10240x128xf32, #tpu.memory_space<vmem_shared>>)
      %add3A_83 = arith.constant 2 : i32
      %add3A_84 = arith.addi %mul3A_58, %add3A_83 : i32
      %dma_wait3A_85 = arith.constant 0 : i32
      %dma_wait3A_86 = arith.constant 0 : i32
      %dma_wait3A_87 = tpu.memref_slice %arg3[%dma_wait3A_85, %add3A, %add3A_84, %dma_wait3A_86] : memref<2x32x80x125xi32, #tpu.memory_space<hbm>> -> memref<1x1x1x125xi32, #tpu.memory_space<hbm>>
      %dma_wait3A_88 = tpu.memref_squeeze %dma_wait3A_87 : memref<1x1x1x125xi32, #tpu.memory_space<hbm>> -> memref<125xi32, #tpu.memory_space<hbm>>
      %dma_wait3A_89 = arith.constant 0 : i32
      %dma_wait3A_90 = tpu.memref_slice %arg3[%dma_wait3A_85, %add3A, %add3A_84, %dma_wait3A_89] : memref<2x32x80x125xi32, #tpu.memory_space<hbm>> -> memref<1x1x1x125xi32, #tpu.memory_space<hbm>>
      %dma_wait3A_91 = tpu.memref_squeeze %dma_wait3A_90 : memref<1x1x1x125xi32, #tpu.memory_space<hbm>> -> memref<125xi32, #tpu.memory_space<hbm>>
      tpu.wait_dma2 semaphore(%arg16 : memref<!tpu.dma_semaphore, #tpu.memory_space<semaphore_mem>>) src(%dma_wait3A_91 : memref<125xi32, #tpu.memory_space<hbm>>) dst(%arg7 : memref<125xi32, #tpu.memory_space<vmem>>)
      %dma_start3A_92 = arith.constant 0 : i32
      %dma_start3A_93 = arith.constant 0 : i32
      %dma_start3A_94 = tpu.memref_slice %arg2[%dma_start3A_92, %dma_start3A_93] : memref<10000x128xf32, #tpu.memory_space<hbm>> -> memref<10000x128xf32, #tpu.memory_space<hbm>>
      tpu.enqueue_indirect_dma source(%dma_start3A_94 : memref<10000x128xf32, #tpu.memory_space<hbm>>) target(%arg9 : memref<125x128xf32, #tpu.memory_space<vmem>>) offsets(%arg7 : memref<125xi32, #tpu.memory_space<vmem>>) semaphore(%arg12 : memref<!tpu.dma_semaphore, #tpu.memory_space<semaphore_mem>>)
      %dma_wait3A_95 = arith.constant 0 : i32
      %dma_wait3A_96 = arith.constant 0 : i32
      %dma_wait3A_97 = tpu.memref_slice %arg2[%dma_wait3A_95, %dma_wait3A_96] : memref<10000x128xf32, #tpu.memory_space<hbm>> -> memref<10000x128xf32, #tpu.memory_space<hbm>>
      tpu.wait_indirect_dma semaphore(%arg13 : memref<!tpu.dma_semaphore, #tpu.memory_space<semaphore_mem>>) src(%dma_wait3A_97 : memref<10000x128xf32, #tpu.memory_space<hbm>>) dst(%arg10 : memref<125x128xf32, #tpu.memory_space<vmem>>)
      %add3A_98 = arith.constant 3 : i32
      %add3A_99 = arith.addi %mul3A_58, %add3A_98 : i32
      %dma_start3A_100 = arith.constant 0 : i32
      %dma_start3A_101 = arith.constant 0 : i32
      %dma_start3A_102 = tpu.memref_slice %arg3[%dma_start3A_100, %add3A, %add3A_99, %dma_start3A_101] : memref<2x32x80x125xi32, #tpu.memory_space<hbm>> -> memref<1x1x1x125xi32, #tpu.memory_space<hbm>>
      %dma_start3A_103 = tpu.memref_squeeze %dma_start3A_102 : memref<1x1x1x125xi32, #tpu.memory_space<hbm>> -> memref<125xi32, #tpu.memory_space<hbm>>
      %dma_start3A_104 = arith.constant 0 : i32
      %dma_start3A_105 = tpu.memref_slice %arg3[%dma_start3A_100, %add3A, %add3A_99, %dma_start3A_104] : memref<2x32x80x125xi32, #tpu.memory_space<hbm>> -> memref<1x1x1x125xi32, #tpu.memory_space<hbm>>
      %dma_start3A_106 = tpu.memref_squeeze %dma_start3A_105 : memref<1x1x1x125xi32, #tpu.memory_space<hbm>> -> memref<125xi32, #tpu.memory_space<hbm>>
      tpu.enqueue_dma source(%dma_start3A_106 : memref<125xi32, #tpu.memory_space<hbm>>) target(%arg8 : memref<125xi32, #tpu.memory_space<vmem>>) target_semaphore(%arg17 : memref<!tpu.dma_semaphore, #tpu.memory_space<semaphore_mem>>)
      %add3A_107 = arith.constant 1 : i32
      %add3A_108 = arith.addi %mul3A_58, %add3A_107 : i32
      %dma_start3A_109 = arith.constant 0 : i32
      %dma_start3A_110 = tpu.memref_slice %arg6[%add3A_108, %dma_start3A_109] : memref<80x125xi32, #tpu.memory_space<vmem>> -> memref<1x125xi32, #tpu.memory_space<vmem>>
      %dma_start3A_111 = tpu.memref_squeeze %dma_start3A_110 : memref<1x125xi32, #tpu.memory_space<vmem>> -> memref<125xi32, #tpu.memory_space<vmem>>
      %dma_start3A_112 = arith.constant 0 : i32
      %dma_start3A_113 = arith.constant 0 : i32
      %dma_start3A_114 = tpu.memref_slice %arg11[%dma_start3A_112, %dma_start3A_113] : memref<10240x128xf32, #tpu.memory_space<vmem_shared>> -> memref<10240x128xf32, #tpu.memory_space<vmem_shared>>
      tpu.enqueue_indirect_dma source(%arg10 : memref<125x128xf32, #tpu.memory_space<vmem>>) target(%dma_start3A_114 : memref<10240x128xf32, #tpu.memory_space<vmem_shared>>) offsets(%dma_start3A_111 : memref<125xi32, #tpu.memory_space<vmem>>) semaphore(%arg15 : memref<!tpu.dma_semaphore, #tpu.memory_space<semaphore_mem>>) {add = true}
      %add3A_115 = arith.constant 1 : i32
      %add3A_116 = arith.addi %mul3A_58, %add3A_115 : i32
      %dma_wait3A_117 = arith.constant 0 : i32
      %dma_wait3A_118 = tpu.memref_slice %arg6[%add3A_116, %dma_wait3A_117] : memref<80x125xi32, #tpu.memory_space<vmem>> -> memref<1x125xi32, #tpu.memory_space<vmem>>
      %dma_wait3A_119 = tpu.memref_squeeze %dma_wait3A_118 : memref<1x125xi32, #tpu.memory_space<vmem>> -> memref<125xi32, #tpu.memory_space<vmem>>
      %dma_wait3A_120 = arith.constant 0 : i32
      %dma_wait3A_121 = arith.constant 0 : i32
      %dma_wait3A_122 = tpu.memref_slice %arg11[%dma_wait3A_120, %dma_wait3A_121] : memref<10240x128xf32, #tpu.memory_space<vmem_shared>> -> memref<10240x128xf32, #tpu.memory_space<vmem_shared>>
      tpu.wait_indirect_dma semaphore(%arg15 : memref<!tpu.dma_semaphore, #tpu.memory_space<semaphore_mem>>) src(%arg10 : memref<125x128xf32, #tpu.memory_space<vmem>>) dst(%dma_wait3A_122 : memref<10240x128xf32, #tpu.memory_space<vmem_shared>>)
      %add3A_123 = arith.constant 3 : i32
      %add3A_124 = arith.addi %mul3A_58, %add3A_123 : i32
      %dma_wait3A_125 = arith.constant 0 : i32
      %dma_wait3A_126 = arith.constant 0 : i32
      %dma_wait3A_127 = tpu.memref_slice %arg3[%dma_wait3A_125, %add3A, %add3A_124, %dma_wait3A_126] : memref<2x32x80x125xi32, #tpu.memory_space<hbm>> -> memref<1x1x1x125xi32, #tpu.memory_space<hbm>>
      %dma_wait3A_128 = tpu.memref_squeeze %dma_wait3A_127 : memref<1x1x1x125xi32, #tpu.memory_space<hbm>> -> memref<125xi32, #tpu.memory_space<hbm>>
      %dma_wait3A_129 = arith.constant 0 : i32
      %dma_wait3A_130 = tpu.memref_slice %arg3[%dma_wait3A_125, %add3A, %add3A_124, %dma_wait3A_129] : memref<2x32x80x125xi32, #tpu.memory_space<hbm>> -> memref<1x1x1x125xi32, #tpu.memory_space<hbm>>
      %dma_wait3A_131 = tpu.memref_squeeze %dma_wait3A_130 : memref<1x1x1x125xi32, #tpu.memory_space<hbm>> -> memref<125xi32, #tpu.memory_space<hbm>>
      tpu.wait_dma2 semaphore(%arg17 : memref<!tpu.dma_semaphore, #tpu.memory_space<semaphore_mem>>) src(%dma_wait3A_131 : memref<125xi32, #tpu.memory_space<hbm>>) dst(%arg8 : memref<125xi32, #tpu.memory_space<vmem>>)
      %dma_start3A_132 = arith.constant 0 : i32
      %dma_start3A_133 = arith.constant 0 : i32
      %dma_start3A_134 = tpu.memref_slice %arg2[%dma_start3A_132, %dma_start3A_133] : memref<10000x128xf32, #tpu.memory_space<hbm>> -> memref<10000x128xf32, #tpu.memory_space<hbm>>
      tpu.enqueue_indirect_dma source(%dma_start3A_134 : memref<10000x128xf32, #tpu.memory_space<hbm>>) target(%arg10 : memref<125x128xf32, #tpu.memory_space<vmem>>) offsets(%arg8 : memref<125xi32, #tpu.memory_space<vmem>>) semaphore(%arg13 : memref<!tpu.dma_semaphore, #tpu.memory_space<semaphore_mem>>)
      %scan3A_135 = arith.constant 0 : i32
      scf.yield %scan3A_135 : i32
    }
    %scan3A_17 = arith.constant 39 : i32
    %dma_wait3A = arith.constant 0 : i32
    %dma_wait3A_18 = arith.constant 0 : i32
    %dma_wait3A_19 = tpu.memref_slice %arg2[%dma_wait3A, %dma_wait3A_18] : memref<10000x128xf32, #tpu.memory_space<hbm>> -> memref<10000x128xf32, #tpu.memory_space<hbm>>
    tpu.wait_indirect_dma semaphore(%arg12 : memref<!tpu.dma_semaphore, #tpu.memory_space<semaphore_mem>>) src(%dma_wait3A_19 : memref<10000x128xf32, #tpu.memory_space<hbm>>) dst(%arg9 : memref<125x128xf32, #tpu.memory_space<vmem>>)
    %dma_start3A_20 = arith.constant 78 : i32
    %dma_start3A_21 = arith.constant 0 : i32
    %dma_start3A_22 = tpu.memref_slice %arg6[%dma_start3A_20, %dma_start3A_21] : memref<80x125xi32, #tpu.memory_space<vmem>> -> memref<1x125xi32, #tpu.memory_space<vmem>>
    %dma_start3A_23 = tpu.memref_squeeze %dma_start3A_22 : memref<1x125xi32, #tpu.memory_space<vmem>> -> memref<125xi32, #tpu.memory_space<vmem>>
    %dma_start3A_24 = arith.constant 0 : i32
    %dma_start3A_25 = arith.constant 0 : i32
    %dma_start3A_26 = tpu.memref_slice %arg11[%dma_start3A_24, %dma_start3A_25] : memref<10240x128xf32, #tpu.memory_space<vmem_shared>> -> memref<10240x128xf32, #tpu.memory_space<vmem_shared>>
    tpu.enqueue_indirect_dma source(%arg9 : memref<125x128xf32, #tpu.memory_space<vmem>>) target(%dma_start3A_26 : memref<10240x128xf32, #tpu.memory_space<vmem_shared>>) offsets(%dma_start3A_23 : memref<125xi32, #tpu.memory_space<vmem>>) semaphore(%arg14 : memref<!tpu.dma_semaphore, #tpu.memory_space<semaphore_mem>>) {add = true}
    %dma_wait3A_27 = arith.constant 78 : i32
    %dma_wait3A_28 = arith.constant 0 : i32
    %dma_wait3A_29 = tpu.memref_slice %arg6[%dma_wait3A_27, %dma_wait3A_28] : memref<80x125xi32, #tpu.memory_space<vmem>> -> memref<1x125xi32, #tpu.memory_space<vmem>>
    %dma_wait3A_30 = tpu.memref_squeeze %dma_wait3A_29 : memref<1x125xi32, #tpu.memory_space<vmem>> -> memref<125xi32, #tpu.memory_space<vmem>>
    %dma_wait3A_31 = arith.constant 0 : i32
    %dma_wait3A_32 = arith.constant 0 : i32
    %dma_wait3A_33 = tpu.memref_slice %arg11[%dma_wait3A_31, %dma_wait3A_32] : memref<10240x128xf32, #tpu.memory_space<vmem_shared>> -> memref<10240x128xf32, #tpu.memory_space<vmem_shared>>
    tpu.wait_indirect_dma semaphore(%arg14 : memref<!tpu.dma_semaphore, #tpu.memory_space<semaphore_mem>>) src(%arg9 : memref<125x128xf32, #tpu.memory_space<vmem>>) dst(%dma_wait3A_33 : memref<10240x128xf32, #tpu.memory_space<vmem_shared>>)
    %dma_wait3A_34 = arith.constant 0 : i32
    %dma_wait3A_35 = arith.constant 0 : i32
    %dma_wait3A_36 = tpu.memref_slice %arg2[%dma_wait3A_34, %dma_wait3A_35] : memref<10000x128xf32, #tpu.memory_space<hbm>> -> memref<10000x128xf32, #tpu.memory_space<hbm>>
    tpu.wait_indirect_dma semaphore(%arg13 : memref<!tpu.dma_semaphore, #tpu.memory_space<semaphore_mem>>) src(%dma_wait3A_36 : memref<10000x128xf32, #tpu.memory_space<hbm>>) dst(%arg10 : memref<125x128xf32, #tpu.memory_space<vmem>>)
    %dma_start3A_37 = arith.constant 79 : i32
    %dma_start3A_38 = arith.constant 0 : i32
    %dma_start3A_39 = tpu.memref_slice %arg6[%dma_start3A_37, %dma_start3A_38] : memref<80x125xi32, #tpu.memory_space<vmem>> -> memref<1x125xi32, #tpu.memory_space<vmem>>
    %dma_start3A_40 = tpu.memref_squeeze %dma_start3A_39 : memref<1x125xi32, #tpu.memory_space<vmem>> -> memref<125xi32, #tpu.memory_space<vmem>>
    %dma_start3A_41 = arith.constant 0 : i32
    %dma_start3A_42 = arith.constant 0 : i32
    %dma_start3A_43 = tpu.memref_slice %arg11[%dma_start3A_41, %dma_start3A_42] : memref<10240x128xf32, #tpu.memory_space<vmem_shared>> -> memref<10240x128xf32, #tpu.memory_space<vmem_shared>>
    tpu.enqueue_indirect_dma source(%arg10 : memref<125x128xf32, #tpu.memory_space<vmem>>) target(%dma_start3A_43 : memref<10240x128xf32, #tpu.memory_space<vmem_shared>>) offsets(%dma_start3A_40 : memref<125xi32, #tpu.memory_space<vmem>>) semaphore(%arg15 : memref<!tpu.dma_semaphore, #tpu.memory_space<semaphore_mem>>) {add = true}
    %dma_wait3A_44 = arith.constant 79 : i32
    %dma_wait3A_45 = arith.constant 0 : i32
    %dma_wait3A_46 = tpu.memref_slice %arg6[%dma_wait3A_44, %dma_wait3A_45] : memref<80x125xi32, #tpu.memory_space<vmem>> -> memref<1x125xi32, #tpu.memory_space<vmem>>
    %dma_wait3A_47 = tpu.memref_squeeze %dma_wait3A_46 : memref<1x125xi32, #tpu.memory_space<vmem>> -> memref<125xi32, #tpu.memory_space<vmem>>
    %dma_wait3A_48 = arith.constant 0 : i32
    %dma_wait3A_49 = arith.constant 0 : i32
    %dma_wait3A_50 = tpu.memref_slice %arg11[%dma_wait3A_48, %dma_wait3A_49] : memref<10240x128xf32, #tpu.memory_space<vmem_shared>> -> memref<10240x128xf32, #tpu.memory_space<vmem_shared>>
    tpu.wait_indirect_dma semaphore(%arg15 : memref<!tpu.dma_semaphore, #tpu.memory_space<semaphore_mem>>) src(%arg10 : memref<125x128xf32, #tpu.memory_space<vmem>>) dst(%dma_wait3A_50 : memref<10240x128xf32, #tpu.memory_space<vmem_shared>>)
    %barrier3A_51 = arith.constant 0 : index
    tpu.barrier barrier_id(%barrier3A_51)
    %mul3A_52 = arith.constant 10240 : i32
    %mul3A_53 = arith.muli %arg0, %mul3A_52 : i32
    %add3A_54 = arith.addi %mul3A_53, %mul3A_2 : i32
    "tpu.region"() ({
      %run_scoped3A_55 = tpu.sem_alloc : memref<!tpu.dma_semaphore, #tpu.memory_space<semaphore_mem>>
      %dma_start3A_56 = arith.constant 0 : i32
      %dma_start3A_57 = tpu.memref_slice %arg5[%add3A_54, %dma_start3A_56] : memref<20480x128xf32, #tpu.memory_space<hbm>> -> memref<640x128xf32, #tpu.memory_space<hbm>>
      %dma_start3A_58 = arith.constant 0 : i32
      %dma_start3A_59 = tpu.memref_slice %arg11[%mul3A_2, %dma_start3A_58] : memref<10240x128xf32, #tpu.memory_space<vmem_shared>> -> memref<640x128xf32, #tpu.memory_space<vmem_shared>>
      tpu.enqueue_dma source(%dma_start3A_59 : memref<640x128xf32, #tpu.memory_space<vmem_shared>>) target(%dma_start3A_57 : memref<640x128xf32, #tpu.memory_space<hbm>>) target_semaphore(%run_scoped3A_55 : memref<!tpu.dma_semaphore, #tpu.memory_space<semaphore_mem>>)
      %dma_wait3A_60 = arith.constant 0 : i32
      %dma_wait3A_61 = tpu.memref_slice %arg5[%add3A_54, %dma_wait3A_60] : memref<20480x128xf32, #tpu.memory_space<hbm>> -> memref<640x128xf32, #tpu.memory_space<hbm>>
      %dma_wait3A_62 = arith.constant 0 : i32
      %dma_wait3A_63 = tpu.memref_slice %arg11[%mul3A_2, %dma_wait3A_62] : memref<10240x128xf32, #tpu.memory_space<vmem_shared>> -> memref<640x128xf32, #tpu.memory_space<vmem_shared>>
      tpu.wait_dma2 semaphore(%run_scoped3A_55 : memref<!tpu.dma_semaphore, #tpu.memory_space<semaphore_mem>>) src(%dma_wait3A_63 : memref<640x128xf32, #tpu.memory_space<vmem_shared>>) dst(%dma_wait3A_61 : memref<640x128xf32, #tpu.memory_space<hbm>>)
      tpu.yield
    }) : () -> ()
    return
  }
}

#map = affine_map<(d0, d1) -> (0, 0)>
#map1 = affine_map<(d0, d1) -> (0, 0, 0, 0)>
module attributes {stable_mosaic.version = 14 : i64} {
  func.func @_edge_agg(%arg0: i32, %arg1: i32, %arg2: memref<10000x128xf32, #tpu.memory_space<hbm>>, %arg3: memref<2x32x80x125xi32, #tpu.memory_space<hbm>>, %arg4: memref<640x128xf32, #tpu.memory_space<hbm>>, %arg5: memref<20480x128xf32, #tpu.memory_space<hbm>>, %arg6: memref<80x125xi32, #tpu.memory_space<vmem>>, %arg7: memref<125xi32, #tpu.memory_space<vmem>>, %arg8: memref<125xi32, #tpu.memory_space<vmem>>, %arg9: memref<125x128xf32, #tpu.memory_space<vmem>>, %arg10: memref<125x128xf32, #tpu.memory_space<vmem>>, %arg11: memref<10240x128xf32, #tpu.memory_space<vmem_shared>>, %arg12: memref<!tpu.dma_semaphore, #tpu.memory_space<semaphore_mem>>, %arg13: memref<!tpu.dma_semaphore, #tpu.memory_space<semaphore_mem>>, %arg14: memref<!tpu.dma_semaphore, #tpu.memory_space<semaphore_mem>>, %arg15: memref<!tpu.dma_semaphore, #tpu.memory_space<semaphore_mem>>, %arg16: memref<!tpu.dma_semaphore, #tpu.memory_space<semaphore_mem>>, %arg17: memref<!tpu.dma_semaphore, #tpu.memory_space<semaphore_mem>>) attributes {dimension_semantics = [#tpu.dimension_semantics<core_parallel>, #tpu.dimension_semantics<subcore_parallel>], iteration_bounds = array<i64: 2, 16>, scalar_prefetch = 0 : i64, scratch_operands = 12 : i64, tpu.core_type = #tpu.core_type<sc_vector_subcore>, window_params = [{transform_indices = #map}, {transform_indices = #map1}, {transform_indices = #map}, {transform_indices = #map}]} {
    %mul3A = arith.constant 2 : i32
    %mul3A_0 = arith.muli %arg1, %mul3A : i32
    %add3A = arith.addi %mul3A_0, %arg0 : i32
    %mul3A_1 = arith.constant 640 : i32
    %mul3A_2 = arith.muli %arg1, %mul3A_1 : i32
    %run_scoped3A = arith.constant 1 : i32
    "tpu.region"() ({
      %run_scoped3A_55 = tpu.sem_alloc : memref<!tpu.dma_semaphore, #tpu.memory_space<semaphore_mem>>
      %dma_start3A_56 = arith.constant 0 : i32
      %dma_start3A_57 = arith.constant 0 : i32
      %dma_start3A_58 = tpu.memref_slice %arg3[%run_scoped3A, %add3A, %dma_start3A_56, %dma_start3A_57] : memref<2x32x80x125xi32, #tpu.memory_space<hbm>> -> memref<1x1x80x125xi32, #tpu.memory_space<hbm>>
      %dma_start3A_59 = tpu.memref_squeeze %dma_start3A_58 : memref<1x1x80x125xi32, #tpu.memory_space<hbm>> -> memref<80x125xi32, #tpu.memory_space<hbm>>
      %dma_start3A_60 = arith.constant 0 : i32
      %dma_start3A_61 = arith.constant 0 : i32
      %dma_start3A_62 = tpu.memref_slice %arg3[%run_scoped3A, %add3A, %dma_start3A_60, %dma_start3A_61] : memref<2x32x80x125xi32, #tpu.memory_space<hbm>> -> memref<1x1x80x125xi32, #tpu.memory_space<hbm>>
      %dma_start3A_63 = tpu.memref_squeeze %dma_start3A_62 : memref<1x1x80x125xi32, #tpu.memory_space<hbm>> -> memref<80x125xi32, #tpu.memory_space<hbm>>
      tpu.enqueue_dma source(%dma_start3A_63 : memref<80x125xi32, #tpu.memory_space<hbm>>) target(%arg6 : memref<80x125xi32, #tpu.memory_space<vmem>>) target_semaphore(%run_scoped3A_55 : memref<!tpu.dma_semaphore, #tpu.memory_space<semaphore_mem>>)
      %dma_wait3A_64 = arith.constant 0 : i32
      %dma_wait3A_65 = arith.constant 0 : i32
      %dma_wait3A_66 = tpu.memref_slice %arg3[%run_scoped3A, %add3A, %dma_wait3A_64, %dma_wait3A_65] : memref<2x32x80x125xi32, #tpu.memory_space<hbm>> -> memref<1x1x80x125xi32, #tpu.memory_space<hbm>>
      %dma_wait3A_67 = tpu.memref_squeeze %dma_wait3A_66 : memref<1x1x80x125xi32, #tpu.memory_space<hbm>> -> memref<80x125xi32, #tpu.memory_space<hbm>>
      %dma_wait3A_68 = arith.constant 0 : i32
      %dma_wait3A_69 = arith.constant 0 : i32
      %dma_wait3A_70 = tpu.memref_slice %arg3[%run_scoped3A, %add3A, %dma_wait3A_68, %dma_wait3A_69] : memref<2x32x80x125xi32, #tpu.memory_space<hbm>> -> memref<1x1x80x125xi32, #tpu.memory_space<hbm>>
      %dma_wait3A_71 = tpu.memref_squeeze %dma_wait3A_70 : memref<1x1x80x125xi32, #tpu.memory_space<hbm>> -> memref<80x125xi32, #tpu.memory_space<hbm>>
      tpu.wait_dma2 semaphore(%run_scoped3A_55 : memref<!tpu.dma_semaphore, #tpu.memory_space<semaphore_mem>>) src(%dma_wait3A_71 : memref<80x125xi32, #tpu.memory_space<hbm>>) dst(%arg6 : memref<80x125xi32, #tpu.memory_space<vmem>>)
      tpu.yield
    }) : () -> ()
    %run_scoped3A_3 = arith.constant 0 : i32
    %run_scoped3A_4 = arith.constant 0 : i32
    "tpu.region"() ({
      %run_scoped3A_55 = tpu.sem_alloc : memref<!tpu.dma_semaphore, #tpu.memory_space<semaphore_mem>>
      %dma_start3A_56 = arith.constant 0 : i32
      %dma_start3A_57 = tpu.memref_slice %arg3[%run_scoped3A_3, %add3A, %run_scoped3A_4, %dma_start3A_56] : memref<2x32x80x125xi32, #tpu.memory_space<hbm>> -> memref<1x1x1x125xi32, #tpu.memory_space<hbm>>
      %dma_start3A_58 = tpu.memref_squeeze %dma_start3A_57 : memref<1x1x1x125xi32, #tpu.memory_space<hbm>> -> memref<125xi32, #tpu.memory_space<hbm>>
      %dma_start3A_59 = arith.constant 0 : i32
      %dma_start3A_60 = tpu.memref_slice %arg3[%run_scoped3A_3, %add3A, %run_scoped3A_4, %dma_start3A_59] : memref<2x32x80x125xi32, #tpu.memory_space<hbm>> -> memref<1x1x1x125xi32, #tpu.memory_space<hbm>>
      %dma_start3A_61 = tpu.memref_squeeze %dma_start3A_60 : memref<1x1x1x125xi32, #tpu.memory_space<hbm>> -> memref<125xi32, #tpu.memory_space<hbm>>
      tpu.enqueue_dma source(%dma_start3A_61 : memref<125xi32, #tpu.memory_space<hbm>>) target(%arg7 : memref<125xi32, #tpu.memory_space<vmem>>) target_semaphore(%run_scoped3A_55 : memref<!tpu.dma_semaphore, #tpu.memory_space<semaphore_mem>>)
      %dma_wait3A_62 = arith.constant 0 : i32
      %dma_wait3A_63 = tpu.memref_slice %arg3[%run_scoped3A_3, %add3A, %run_scoped3A_4, %dma_wait3A_62] : memref<2x32x80x125xi32, #tpu.memory_space<hbm>> -> memref<1x1x1x125xi32, #tpu.memory_space<hbm>>
      %dma_wait3A_64 = tpu.memref_squeeze %dma_wait3A_63 : memref<1x1x1x125xi32, #tpu.memory_space<hbm>> -> memref<125xi32, #tpu.memory_space<hbm>>
      %dma_wait3A_65 = arith.constant 0 : i32
      %dma_wait3A_66 = tpu.memref_slice %arg3[%run_scoped3A_3, %add3A, %run_scoped3A_4, %dma_wait3A_65] : memref<2x32x80x125xi32, #tpu.memory_space<hbm>> -> memref<1x1x1x125xi32, #tpu.memory_space<hbm>>
      %dma_wait3A_67 = tpu.memref_squeeze %dma_wait3A_66 : memref<1x1x1x125xi32, #tpu.memory_space<hbm>> -> memref<125xi32, #tpu.memory_space<hbm>>
      tpu.wait_dma2 semaphore(%run_scoped3A_55 : memref<!tpu.dma_semaphore, #tpu.memory_space<semaphore_mem>>) src(%dma_wait3A_67 : memref<125xi32, #tpu.memory_space<hbm>>) dst(%arg7 : memref<125xi32, #tpu.memory_space<vmem>>)
      tpu.yield
    }) : () -> ()
    %dma_start3A = arith.constant 0 : i32
    %dma_start3A_5 = arith.constant 0 : i32
    %dma_start3A_6 = tpu.memref_slice %arg2[%dma_start3A, %dma_start3A_5] : memref<10000x128xf32, #tpu.memory_space<hbm>> -> memref<10000x128xf32, #tpu.memory_space<hbm>>
    tpu.enqueue_indirect_dma source(%dma_start3A_6 : memref<10000x128xf32, #tpu.memory_space<hbm>>) target(%arg9 : memref<125x128xf32, #tpu.memory_space<vmem>>) offsets(%arg7 : memref<125xi32, #tpu.memory_space<vmem>>) semaphore(%arg12 : memref<!tpu.dma_semaphore, #tpu.memory_space<semaphore_mem>>)
    %run_scoped3A_7 = arith.constant 0 : i32
    %run_scoped3A_8 = arith.constant 1 : i32
    "tpu.region"() ({
      %run_scoped3A_55 = tpu.sem_alloc : memref<!tpu.dma_semaphore, #tpu.memory_space<semaphore_mem>>
      %dma_start3A_56 = arith.constant 0 : i32
      %dma_start3A_57 = tpu.memref_slice %arg3[%run_scoped3A_7, %add3A, %run_scoped3A_8, %dma_start3A_56] : memref<2x32x80x125xi32, #tpu.memory_space<hbm>> -> memref<1x1x1x125xi32, #tpu.memory_space<hbm>>
      %dma_start3A_58 = tpu.memref_squeeze %dma_start3A_57 : memref<1x1x1x125xi32, #tpu.memory_space<hbm>> -> memref<125xi32, #tpu.memory_space<hbm>>
      %dma_start3A_59 = arith.constant 0 : i32
      %dma_start3A_60 = tpu.memref_slice %arg3[%run_scoped3A_7, %add3A, %run_scoped3A_8, %dma_start3A_59] : memref<2x32x80x125xi32, #tpu.memory_space<hbm>> -> memref<1x1x1x125xi32, #tpu.memory_space<hbm>>
      %dma_start3A_61 = tpu.memref_squeeze %dma_start3A_60 : memref<1x1x1x125xi32, #tpu.memory_space<hbm>> -> memref<125xi32, #tpu.memory_space<hbm>>
      tpu.enqueue_dma source(%dma_start3A_61 : memref<125xi32, #tpu.memory_space<hbm>>) target(%arg8 : memref<125xi32, #tpu.memory_space<vmem>>) target_semaphore(%run_scoped3A_55 : memref<!tpu.dma_semaphore, #tpu.memory_space<semaphore_mem>>)
      %dma_wait3A_62 = arith.constant 0 : i32
      %dma_wait3A_63 = tpu.memref_slice %arg3[%run_scoped3A_7, %add3A, %run_scoped3A_8, %dma_wait3A_62] : memref<2x32x80x125xi32, #tpu.memory_space<hbm>> -> memref<1x1x1x125xi32, #tpu.memory_space<hbm>>
      %dma_wait3A_64 = tpu.memref_squeeze %dma_wait3A_63 : memref<1x1x1x125xi32, #tpu.memory_space<hbm>> -> memref<125xi32, #tpu.memory_space<hbm>>
      %dma_wait3A_65 = arith.constant 0 : i32
      %dma_wait3A_66 = tpu.memref_slice %arg3[%run_scoped3A_7, %add3A, %run_scoped3A_8, %dma_wait3A_65] : memref<2x32x80x125xi32, #tpu.memory_space<hbm>> -> memref<1x1x1x125xi32, #tpu.memory_space<hbm>>
      %dma_wait3A_67 = tpu.memref_squeeze %dma_wait3A_66 : memref<1x1x1x125xi32, #tpu.memory_space<hbm>> -> memref<125xi32, #tpu.memory_space<hbm>>
      tpu.wait_dma2 semaphore(%run_scoped3A_55 : memref<!tpu.dma_semaphore, #tpu.memory_space<semaphore_mem>>) src(%dma_wait3A_67 : memref<125xi32, #tpu.memory_space<hbm>>) dst(%arg8 : memref<125xi32, #tpu.memory_space<vmem>>)
      tpu.yield
    }) : () -> ()
    %dma_start3A_9 = arith.constant 0 : i32
    %dma_start3A_10 = arith.constant 0 : i32
    %dma_start3A_11 = tpu.memref_slice %arg2[%dma_start3A_9, %dma_start3A_10] : memref<10000x128xf32, #tpu.memory_space<hbm>> -> memref<10000x128xf32, #tpu.memory_space<hbm>>
    tpu.enqueue_indirect_dma source(%dma_start3A_11 : memref<10000x128xf32, #tpu.memory_space<hbm>>) target(%arg10 : memref<125x128xf32, #tpu.memory_space<vmem>>) offsets(%arg8 : memref<125xi32, #tpu.memory_space<vmem>>) semaphore(%arg13 : memref<!tpu.dma_semaphore, #tpu.memory_space<semaphore_mem>>)
    "tpu.region"() ({
      %run_scoped3A_55 = tpu.sem_alloc : memref<!tpu.dma_semaphore, #tpu.memory_space<semaphore_mem>>
      %dma_start3A_56 = arith.constant 0 : i32
      %dma_start3A_57 = tpu.memref_slice %arg11[%mul3A_2, %dma_start3A_56] : memref<10240x128xf32, #tpu.memory_space<vmem_shared>> -> memref<640x128xf32, #tpu.memory_space<vmem_shared>>
      tpu.enqueue_dma source(%arg4 : memref<640x128xf32, #tpu.memory_space<hbm>>) target(%dma_start3A_57 : memref<640x128xf32, #tpu.memory_space<vmem_shared>>) target_semaphore(%run_scoped3A_55 : memref<!tpu.dma_semaphore, #tpu.memory_space<semaphore_mem>>)
      %dma_wait3A_58 = arith.constant 0 : i32
      %dma_wait3A_59 = tpu.memref_slice %arg11[%mul3A_2, %dma_wait3A_58] : memref<10240x128xf32, #tpu.memory_space<vmem_shared>> -> memref<640x128xf32, #tpu.memory_space<vmem_shared>>
      tpu.wait_dma2 semaphore(%run_scoped3A_55 : memref<!tpu.dma_semaphore, #tpu.memory_space<semaphore_mem>>) src(%arg4 : memref<640x128xf32, #tpu.memory_space<hbm>>) dst(%dma_wait3A_59 : memref<640x128xf32, #tpu.memory_space<vmem_shared>>)
      tpu.yield
    }) : () -> ()
    %barrier3A = arith.constant 0 : index
    tpu.barrier barrier_id(%barrier3A)
    %scan3A = arith.constant 0 : i32
    %scan3A_12 = arith.constant 0 : i32
    %scan3A_13 = arith.constant 39 : i32
    %scan3A_14 = arith.addi %scan3A_12, %scan3A_13 : i32
    %scan3A_15 = arith.constant 1 : i32
    %scan3A_16 = scf.for %scan3A_55 = %scan3A_12 to %scan3A_14 step %scan3A_15 iter_args(%scan3A_56 = %scan3A) -> (i32)  : i32 {
      %mul3A_57 = arith.constant 2 : i32
      %mul3A_58 = arith.muli %mul3A_57, %scan3A_55 : i32
      %dma_wait3A_59 = arith.constant 0 : i32
      %dma_wait3A_60 = arith.constant 0 : i32
      %dma_wait3A_61 = tpu.memref_slice %arg2[%dma_wait3A_59, %dma_wait3A_60] : memref<10000x128xf32, #tpu.memory_space<hbm>> -> memref<10000x128xf32, #tpu.memory_space<hbm>>
      tpu.wait_indirect_dma semaphore(%arg12 : memref<!tpu.dma_semaphore, #tpu.memory_space<semaphore_mem>>) src(%dma_wait3A_61 : memref<10000x128xf32, #tpu.memory_space<hbm>>) dst(%arg9 : memref<125x128xf32, #tpu.memory_space<vmem>>)
      %add3A_62 = arith.constant 2 : i32
      %add3A_63 = arith.addi %mul3A_58, %add3A_62 : i32
      %dma_start3A_64 = arith.constant 0 : i32
      %dma_start3A_65 = arith.constant 0 : i32
      %dma_start3A_66 = tpu.memref_slice %arg3[%dma_start3A_64, %add3A, %add3A_63, %dma_start3A_65] : memref<2x32x80x125xi32, #tpu.memory_space<hbm>> -> memref<1x1x1x125xi32, #tpu.memory_space<hbm>>
      %dma_start3A_67 = tpu.memref_squeeze %dma_start3A_66 : memref<1x1x1x125xi32, #tpu.memory_space<hbm>> -> memref<125xi32, #tpu.memory_space<hbm>>
      %dma_start3A_68 = arith.constant 0 : i32
      %dma_start3A_69 = tpu.memref_slice %arg3[%dma_start3A_64, %add3A, %add3A_63, %dma_start3A_68] : memref<2x32x80x125xi32, #tpu.memory_space<hbm>> -> memref<1x1x1x125xi32, #tpu.memory_space<hbm>>
      %dma_start3A_70 = tpu.memref_squeeze %dma_start3A_69 : memref<1x1x1x125xi32, #tpu.memory_space<hbm>> -> memref<125xi32, #tpu.memory_space<hbm>>
      tpu.enqueue_dma source(%dma_start3A_70 : memref<125xi32, #tpu.memory_space<hbm>>) target(%arg7 : memref<125xi32, #tpu.memory_space<vmem>>) target_semaphore(%arg16 : memref<!tpu.dma_semaphore, #tpu.memory_space<semaphore_mem>>)
      %dma_start3A_71 = arith.constant 0 : i32
      %dma_start3A_72 = tpu.memref_slice %arg6[%mul3A_58, %dma_start3A_71] : memref<80x125xi32, #tpu.memory_space<vmem>> -> memref<1x125xi32, #tpu.memory_space<vmem>>
      %dma_start3A_73 = tpu.memref_squeeze %dma_start3A_72 : memref<1x125xi32, #tpu.memory_space<vmem>> -> memref<125xi32, #tpu.memory_space<vmem>>
      %dma_start3A_74 = arith.constant 0 : i32
      %dma_start3A_75 = arith.constant 0 : i32
      %dma_start3A_76 = tpu.memref_slice %arg11[%dma_start3A_74, %dma_start3A_75] : memref<10240x128xf32, #tpu.memory_space<vmem_shared>> -> memref<10240x128xf32, #tpu.memory_space<vmem_shared>>
      tpu.enqueue_indirect_dma source(%arg9 : memref<125x128xf32, #tpu.memory_space<vmem>>) target(%dma_start3A_76 : memref<10240x128xf32, #tpu.memory_space<vmem_shared>>) offsets(%dma_start3A_73 : memref<125xi32, #tpu.memory_space<vmem>>) semaphore(%arg14 : memref<!tpu.dma_semaphore, #tpu.memory_space<semaphore_mem>>) {add = true}
      %dma_wait3A_77 = arith.constant 0 : i32
      %dma_wait3A_78 = tpu.memref_slice %arg6[%mul3A_58, %dma_wait3A_77] : memref<80x125xi32, #tpu.memory_space<vmem>> -> memref<1x125xi32, #tpu.memory_space<vmem>>
      %dma_wait3A_79 = tpu.memref_squeeze %dma_wait3A_78 : memref<1x125xi32, #tpu.memory_space<vmem>> -> memref<125xi32, #tpu.memory_space<vmem>>
      %dma_wait3A_80 = arith.constant 0 : i32
      %dma_wait3A_81 = arith.constant 0 : i32
      %dma_wait3A_82 = tpu.memref_slice %arg11[%dma_wait3A_80, %dma_wait3A_81] : memref<10240x128xf32, #tpu.memory_space<vmem_shared>> -> memref<10240x128xf32, #tpu.memory_space<vmem_shared>>
      tpu.wait_indirect_dma semaphore(%arg14 : memref<!tpu.dma_semaphore, #tpu.memory_space<semaphore_mem>>) src(%arg9 : memref<125x128xf32, #tpu.memory_space<vmem>>) dst(%dma_wait3A_82 : memref<10240x128xf32, #tpu.memory_space<vmem_shared>>)
      %add3A_83 = arith.constant 2 : i32
      %add3A_84 = arith.addi %mul3A_58, %add3A_83 : i32
      %dma_wait3A_85 = arith.constant 0 : i32
      %dma_wait3A_86 = arith.constant 0 : i32
      %dma_wait3A_87 = tpu.memref_slice %arg3[%dma_wait3A_85, %add3A, %add3A_84, %dma_wait3A_86] : memref<2x32x80x125xi32, #tpu.memory_space<hbm>> -> memref<1x1x1x125xi32, #tpu.memory_space<hbm>>
      %dma_wait3A_88 = tpu.memref_squeeze %dma_wait3A_87 : memref<1x1x1x125xi32, #tpu.memory_space<hbm>> -> memref<125xi32, #tpu.memory_space<hbm>>
      %dma_wait3A_89 = arith.constant 0 : i32
      %dma_wait3A_90 = tpu.memref_slice %arg3[%dma_wait3A_85, %add3A, %add3A_84, %dma_wait3A_89] : memref<2x32x80x125xi32, #tpu.memory_space<hbm>> -> memref<1x1x1x125xi32, #tpu.memory_space<hbm>>
      %dma_wait3A_91 = tpu.memref_squeeze %dma_wait3A_90 : memref<1x1x1x125xi32, #tpu.memory_space<hbm>> -> memref<125xi32, #tpu.memory_space<hbm>>
      tpu.wait_dma2 semaphore(%arg16 : memref<!tpu.dma_semaphore, #tpu.memory_space<semaphore_mem>>) src(%dma_wait3A_91 : memref<125xi32, #tpu.memory_space<hbm>>) dst(%arg7 : memref<125xi32, #tpu.memory_space<vmem>>)
      %dma_start3A_92 = arith.constant 0 : i32
      %dma_start3A_93 = arith.constant 0 : i32
      %dma_start3A_94 = tpu.memref_slice %arg2[%dma_start3A_92, %dma_start3A_93] : memref<10000x128xf32, #tpu.memory_space<hbm>> -> memref<10000x128xf32, #tpu.memory_space<hbm>>
      tpu.enqueue_indirect_dma source(%dma_start3A_94 : memref<10000x128xf32, #tpu.memory_space<hbm>>) target(%arg9 : memref<125x128xf32, #tpu.memory_space<vmem>>) offsets(%arg7 : memref<125xi32, #tpu.memory_space<vmem>>) semaphore(%arg12 : memref<!tpu.dma_semaphore, #tpu.memory_space<semaphore_mem>>)
      %dma_wait3A_95 = arith.constant 0 : i32
      %dma_wait3A_96 = arith.constant 0 : i32
      %dma_wait3A_97 = tpu.memref_slice %arg2[%dma_wait3A_95, %dma_wait3A_96] : memref<10000x128xf32, #tpu.memory_space<hbm>> -> memref<10000x128xf32, #tpu.memory_space<hbm>>
      tpu.wait_indirect_dma semaphore(%arg13 : memref<!tpu.dma_semaphore, #tpu.memory_space<semaphore_mem>>) src(%dma_wait3A_97 : memref<10000x128xf32, #tpu.memory_space<hbm>>) dst(%arg10 : memref<125x128xf32, #tpu.memory_space<vmem>>)
      %add3A_98 = arith.constant 3 : i32
      %add3A_99 = arith.addi %mul3A_58, %add3A_98 : i32
      %dma_start3A_100 = arith.constant 0 : i32
      %dma_start3A_101 = arith.constant 0 : i32
      %dma_start3A_102 = tpu.memref_slice %arg3[%dma_start3A_100, %add3A, %add3A_99, %dma_start3A_101] : memref<2x32x80x125xi32, #tpu.memory_space<hbm>> -> memref<1x1x1x125xi32, #tpu.memory_space<hbm>>
      %dma_start3A_103 = tpu.memref_squeeze %dma_start3A_102 : memref<1x1x1x125xi32, #tpu.memory_space<hbm>> -> memref<125xi32, #tpu.memory_space<hbm>>
      %dma_start3A_104 = arith.constant 0 : i32
      %dma_start3A_105 = tpu.memref_slice %arg3[%dma_start3A_100, %add3A, %add3A_99, %dma_start3A_104] : memref<2x32x80x125xi32, #tpu.memory_space<hbm>> -> memref<1x1x1x125xi32, #tpu.memory_space<hbm>>
      %dma_start3A_106 = tpu.memref_squeeze %dma_start3A_105 : memref<1x1x1x125xi32, #tpu.memory_space<hbm>> -> memref<125xi32, #tpu.memory_space<hbm>>
      tpu.enqueue_dma source(%dma_start3A_106 : memref<125xi32, #tpu.memory_space<hbm>>) target(%arg8 : memref<125xi32, #tpu.memory_space<vmem>>) target_semaphore(%arg17 : memref<!tpu.dma_semaphore, #tpu.memory_space<semaphore_mem>>)
      %add3A_107 = arith.constant 1 : i32
      %add3A_108 = arith.addi %mul3A_58, %add3A_107 : i32
      %dma_start3A_109 = arith.constant 0 : i32
      %dma_start3A_110 = tpu.memref_slice %arg6[%add3A_108, %dma_start3A_109] : memref<80x125xi32, #tpu.memory_space<vmem>> -> memref<1x125xi32, #tpu.memory_space<vmem>>
      %dma_start3A_111 = tpu.memref_squeeze %dma_start3A_110 : memref<1x125xi32, #tpu.memory_space<vmem>> -> memref<125xi32, #tpu.memory_space<vmem>>
      %dma_start3A_112 = arith.constant 0 : i32
      %dma_start3A_113 = arith.constant 0 : i32
      %dma_start3A_114 = tpu.memref_slice %arg11[%dma_start3A_112, %dma_start3A_113] : memref<10240x128xf32, #tpu.memory_space<vmem_shared>> -> memref<10240x128xf32, #tpu.memory_space<vmem_shared>>
      tpu.enqueue_indirect_dma source(%arg10 : memref<125x128xf32, #tpu.memory_space<vmem>>) target(%dma_start3A_114 : memref<10240x128xf32, #tpu.memory_space<vmem_shared>>) offsets(%dma_start3A_111 : memref<125xi32, #tpu.memory_space<vmem>>) semaphore(%arg15 : memref<!tpu.dma_semaphore, #tpu.memory_space<semaphore_mem>>) {add = true}
      %add3A_115 = arith.constant 1 : i32
      %add3A_116 = arith.addi %mul3A_58, %add3A_115 : i32
      %dma_wait3A_117 = arith.constant 0 : i32
      %dma_wait3A_118 = tpu.memref_slice %arg6[%add3A_116, %dma_wait3A_117] : memref<80x125xi32, #tpu.memory_space<vmem>> -> memref<1x125xi32, #tpu.memory_space<vmem>>
      %dma_wait3A_119 = tpu.memref_squeeze %dma_wait3A_118 : memref<1x125xi32, #tpu.memory_space<vmem>> -> memref<125xi32, #tpu.memory_space<vmem>>
      %dma_wait3A_120 = arith.constant 0 : i32
      %dma_wait3A_121 = arith.constant 0 : i32
      %dma_wait3A_122 = tpu.memref_slice %arg11[%dma_wait3A_120, %dma_wait3A_121] : memref<10240x128xf32, #tpu.memory_space<vmem_shared>> -> memref<10240x128xf32, #tpu.memory_space<vmem_shared>>
      tpu.wait_indirect_dma semaphore(%arg15 : memref<!tpu.dma_semaphore, #tpu.memory_space<semaphore_mem>>) src(%arg10 : memref<125x128xf32, #tpu.memory_space<vmem>>) dst(%dma_wait3A_122 : memref<10240x128xf32, #tpu.memory_space<vmem_shared>>)
      %add3A_123 = arith.constant 3 : i32
      %add3A_124 = arith.addi %mul3A_58, %add3A_123 : i32
      %dma_wait3A_125 = arith.constant 0 : i32
      %dma_wait3A_126 = arith.constant 0 : i32
      %dma_wait3A_127 = tpu.memref_slice %arg3[%dma_wait3A_125, %add3A, %add3A_124, %dma_wait3A_126] : memref<2x32x80x125xi32, #tpu.memory_space<hbm>> -> memref<1x1x1x125xi32, #tpu.memory_space<hbm>>
      %dma_wait3A_128 = tpu.memref_squeeze %dma_wait3A_127 : memref<1x1x1x125xi32, #tpu.memory_space<hbm>> -> memref<125xi32, #tpu.memory_space<hbm>>
      %dma_wait3A_129 = arith.constant 0 : i32
      %dma_wait3A_130 = tpu.memref_slice %arg3[%dma_wait3A_125, %add3A, %add3A_124, %dma_wait3A_129] : memref<2x32x80x125xi32, #tpu.memory_space<hbm>> -> memref<1x1x1x125xi32, #tpu.memory_space<hbm>>
      %dma_wait3A_131 = tpu.memref_squeeze %dma_wait3A_130 : memref<1x1x1x125xi32, #tpu.memory_space<hbm>> -> memref<125xi32, #tpu.memory_space<hbm>>
      tpu.wait_dma2 semaphore(%arg17 : memref<!tpu.dma_semaphore, #tpu.memory_space<semaphore_mem>>) src(%dma_wait3A_131 : memref<125xi32, #tpu.memory_space<hbm>>) dst(%arg8 : memref<125xi32, #tpu.memory_space<vmem>>)
      %dma_start3A_132 = arith.constant 0 : i32
      %dma_start3A_133 = arith.constant 0 : i32
      %dma_start3A_134 = tpu.memref_slice %arg2[%dma_start3A_132, %dma_start3A_133] : memref<10000x128xf32, #tpu.memory_space<hbm>> -> memref<10000x128xf32, #tpu.memory_space<hbm>>
      tpu.enqueue_indirect_dma source(%dma_start3A_134 : memref<10000x128xf32, #tpu.memory_space<hbm>>) target(%arg10 : memref<125x128xf32, #tpu.memory_space<vmem>>) offsets(%arg8 : memref<125xi32, #tpu.memory_space<vmem>>) semaphore(%arg13 : memref<!tpu.dma_semaphore, #tpu.memory_space<semaphore_mem>>)
      %scan3A_135 = arith.constant 0 : i32
      scf.yield %scan3A_135 : i32
    }
    %scan3A_17 = arith.constant 39 : i32
    %dma_wait3A = arith.constant 0 : i32
    %dma_wait3A_18 = arith.constant 0 : i32
    %dma_wait3A_19 = tpu.memref_slice %arg2[%dma_wait3A, %dma_wait3A_18] : memref<10000x128xf32, #tpu.memory_space<hbm>> -> memref<10000x128xf32, #tpu.memory_space<hbm>>
    tpu.wait_indirect_dma semaphore(%arg12 : memref<!tpu.dma_semaphore, #tpu.memory_space<semaphore_mem>>) src(%dma_wait3A_19 : memref<10000x128xf32, #tpu.memory_space<hbm>>) dst(%arg9 : memref<125x128xf32, #tpu.memory_space<vmem>>)
    %dma_start3A_20 = arith.constant 78 : i32
    %dma_start3A_21 = arith.constant 0 : i32
    %dma_start3A_22 = tpu.memref_slice %arg6[%dma_start3A_20, %dma_start3A_21] : memref<80x125xi32, #tpu.memory_space<vmem>> -> memref<1x125xi32, #tpu.memory_space<vmem>>
    %dma_start3A_23 = tpu.memref_squeeze %dma_start3A_22 : memref<1x125xi32, #tpu.memory_space<vmem>> -> memref<125xi32, #tpu.memory_space<vmem>>
    %dma_start3A_24 = arith.constant 0 : i32
    %dma_start3A_25 = arith.constant 0 : i32
    %dma_start3A_26 = tpu.memref_slice %arg11[%dma_start3A_24, %dma_start3A_25] : memref<10240x128xf32, #tpu.memory_space<vmem_shared>> -> memref<10240x128xf32, #tpu.memory_space<vmem_shared>>
    tpu.enqueue_indirect_dma source(%arg9 : memref<125x128xf32, #tpu.memory_space<vmem>>) target(%dma_start3A_26 : memref<10240x128xf32, #tpu.memory_space<vmem_shared>>) offsets(%dma_start3A_23 : memref<125xi32, #tpu.memory_space<vmem>>) semaphore(%arg14 : memref<!tpu.dma_semaphore, #tpu.memory_space<semaphore_mem>>) {add = true}
    %dma_wait3A_27 = arith.constant 78 : i32
    %dma_wait3A_28 = arith.constant 0 : i32
    %dma_wait3A_29 = tpu.memref_slice %arg6[%dma_wait3A_27, %dma_wait3A_28] : memref<80x125xi32, #tpu.memory_space<vmem>> -> memref<1x125xi32, #tpu.memory_space<vmem>>
    %dma_wait3A_30 = tpu.memref_squeeze %dma_wait3A_29 : memref<1x125xi32, #tpu.memory_space<vmem>> -> memref<125xi32, #tpu.memory_space<vmem>>
    %dma_wait3A_31 = arith.constant 0 : i32
    %dma_wait3A_32 = arith.constant 0 : i32
    %dma_wait3A_33 = tpu.memref_slice %arg11[%dma_wait3A_31, %dma_wait3A_32] : memref<10240x128xf32, #tpu.memory_space<vmem_shared>> -> memref<10240x128xf32, #tpu.memory_space<vmem_shared>>
    tpu.wait_indirect_dma semaphore(%arg14 : memref<!tpu.dma_semaphore, #tpu.memory_space<semaphore_mem>>) src(%arg9 : memref<125x128xf32, #tpu.memory_space<vmem>>) dst(%dma_wait3A_33 : memref<10240x128xf32, #tpu.memory_space<vmem_shared>>)
    %dma_wait3A_34 = arith.constant 0 : i32
    %dma_wait3A_35 = arith.constant 0 : i32
    %dma_wait3A_36 = tpu.memref_slice %arg2[%dma_wait3A_34, %dma_wait3A_35] : memref<10000x128xf32, #tpu.memory_space<hbm>> -> memref<10000x128xf32, #tpu.memory_space<hbm>>
    tpu.wait_indirect_dma semaphore(%arg13 : memref<!tpu.dma_semaphore, #tpu.memory_space<semaphore_mem>>) src(%dma_wait3A_36 : memref<10000x128xf32, #tpu.memory_space<hbm>>) dst(%arg10 : memref<125x128xf32, #tpu.memory_space<vmem>>)
    %dma_start3A_37 = arith.constant 79 : i32
    %dma_start3A_38 = arith.constant 0 : i32
    %dma_start3A_39 = tpu.memref_slice %arg6[%dma_start3A_37, %dma_start3A_38] : memref<80x125xi32, #tpu.memory_space<vmem>> -> memref<1x125xi32, #tpu.memory_space<vmem>>
    %dma_start3A_40 = tpu.memref_squeeze %dma_start3A_39 : memref<1x125xi32, #tpu.memory_space<vmem>> -> memref<125xi32, #tpu.memory_space<vmem>>
    %dma_start3A_41 = arith.constant 0 : i32
    %dma_start3A_42 = arith.constant 0 : i32
    %dma_start3A_43 = tpu.memref_slice %arg11[%dma_start3A_41, %dma_start3A_42] : memref<10240x128xf32, #tpu.memory_space<vmem_shared>> -> memref<10240x128xf32, #tpu.memory_space<vmem_shared>>
    tpu.enqueue_indirect_dma source(%arg10 : memref<125x128xf32, #tpu.memory_space<vmem>>) target(%dma_start3A_43 : memref<10240x128xf32, #tpu.memory_space<vmem_shared>>) offsets(%dma_start3A_40 : memref<125xi32, #tpu.memory_space<vmem>>) semaphore(%arg15 : memref<!tpu.dma_semaphore, #tpu.memory_space<semaphore_mem>>) {add = true}
    %dma_wait3A_44 = arith.constant 79 : i32
    %dma_wait3A_45 = arith.constant 0 : i32
    %dma_wait3A_46 = tpu.memref_slice %arg6[%dma_wait3A_44, %dma_wait3A_45] : memref<80x125xi32, #tpu.memory_space<vmem>> -> memref<1x125xi32, #tpu.memory_space<vmem>>
    %dma_wait3A_47 = tpu.memref_squeeze %dma_wait3A_46 : memref<1x125xi32, #tpu.memory_space<vmem>> -> memref<125xi32, #tpu.memory_space<vmem>>
    %dma_wait3A_48 = arith.constant 0 : i32
    %dma_wait3A_49 = arith.constant 0 : i32
    %dma_wait3A_50 = tpu.memref_slice %arg11[%dma_wait3A_48, %dma_wait3A_49] : memref<10240x128xf32, #tpu.memory_space<vmem_shared>> -> memref<10240x128xf32, #tpu.memory_space<vmem_shared>>
    tpu.wait_indirect_dma semaphore(%arg15 : memref<!tpu.dma_semaphore, #tpu.memory_space<semaphore_mem>>) src(%arg10 : memref<125x128xf32, #tpu.memory_space<vmem>>) dst(%dma_wait3A_50 : memref<10240x128xf32, #tpu.memory_space<vmem_shared>>)
    %barrier3A_51 = arith.constant 0 : index
    tpu.barrier barrier_id(%barrier3A_51)
    %mul3A_52 = arith.constant 10240 : i32
    %mul3A_53 = arith.muli %arg0, %mul3A_52 : i32
    %add3A_54 = arith.addi %mul3A_53, %mul3A_2 : i32
    "tpu.region"() ({
      %run_scoped3A_55 = tpu.sem_alloc : memref<!tpu.dma_semaphore, #tpu.memory_space<semaphore_mem>>
      %dma_start3A_56 = arith.constant 0 : i32
      %dma_start3A_57 = tpu.memref_slice %arg5[%add3A_54, %dma_start3A_56] : memref<20480x128xf32, #tpu.memory_space<hbm>> -> memref<640x128xf32, #tpu.memory_space<hbm>>
      %dma_start3A_58 = arith.constant 0 : i32
      %dma_start3A_59 = tpu.memref_slice %arg11[%mul3A_2, %dma_start3A_58] : memref<10240x128xf32, #tpu.memory_space<vmem_shared>> -> memref<640x128xf32, #tpu.memory_space<vmem_shared>>
      tpu.enqueue_dma source(%dma_start3A_59 : memref<640x128xf32, #tpu.memory_space<vmem_shared>>) target(%dma_start3A_57 : memref<640x128xf32, #tpu.memory_space<hbm>>) target_semaphore(%run_scoped3A_55 : memref<!tpu.dma_semaphore, #tpu.memory_space<semaphore_mem>>)
      %dma_wait3A_60 = arith.constant 0 : i32
      %dma_wait3A_61 = tpu.memref_slice %arg5[%add3A_54, %dma_wait3A_60] : memref<20480x128xf32, #tpu.memory_space<hbm>> -> memref<640x128xf32, #tpu.memory_space<hbm>>
      %dma_wait3A_62 = arith.constant 0 : i32
      %dma_wait3A_63 = tpu.memref_slice %arg11[%mul3A_2, %dma_wait3A_62] : memref<10240x128xf32, #tpu.memory_space<vmem_shared>> -> memref<640x128xf32, #tpu.memory_space<vmem_shared>>
      tpu.wait_dma2 semaphore(%run_scoped3A_55 : memref<!tpu.dma_semaphore, #tpu.memory_space<semaphore_mem>>) src(%dma_wait3A_63 : memref<640x128xf32, #tpu.memory_space<vmem_shared>>) dst(%dma_wait3A_61 : memref<640x128xf32, #tpu.memory_space<hbm>>)
      tpu.yield
    }) : () -> ()
    return
  }
}

#map = affine_map<(d0, d1) -> (0, 0)>
#map1 = affine_map<(d0, d1) -> (0, 0, 0, 0)>
module attributes {stable_mosaic.version = 14 : i64} {
  func.func @_edge_agg(%arg0: i32, %arg1: i32, %arg2: memref<10000x128xf32, #tpu.memory_space<hbm>>, %arg3: memref<2x32x80x125xi32, #tpu.memory_space<hbm>>, %arg4: memref<640x128xf32, #tpu.memory_space<hbm>>, %arg5: memref<20480x128xf32, #tpu.memory_space<hbm>>, %arg6: memref<80x125xi32, #tpu.memory_space<vmem>>, %arg7: memref<125xi32, #tpu.memory_space<vmem>>, %arg8: memref<125xi32, #tpu.memory_space<vmem>>, %arg9: memref<125x128xf32, #tpu.memory_space<vmem>>, %arg10: memref<125x128xf32, #tpu.memory_space<vmem>>, %arg11: memref<10240x128xf32, #tpu.memory_space<vmem_shared>>, %arg12: memref<!tpu.dma_semaphore, #tpu.memory_space<semaphore_mem>>, %arg13: memref<!tpu.dma_semaphore, #tpu.memory_space<semaphore_mem>>, %arg14: memref<!tpu.dma_semaphore, #tpu.memory_space<semaphore_mem>>, %arg15: memref<!tpu.dma_semaphore, #tpu.memory_space<semaphore_mem>>, %arg16: memref<!tpu.dma_semaphore, #tpu.memory_space<semaphore_mem>>, %arg17: memref<!tpu.dma_semaphore, #tpu.memory_space<semaphore_mem>>) attributes {dimension_semantics = [#tpu.dimension_semantics<core_parallel>, #tpu.dimension_semantics<subcore_parallel>], iteration_bounds = array<i64: 2, 16>, scalar_prefetch = 0 : i64, scratch_operands = 12 : i64, tpu.core_type = #tpu.core_type<sc_vector_subcore>, window_params = [{transform_indices = #map}, {transform_indices = #map1}, {transform_indices = #map}, {transform_indices = #map}]} {
    %mul3A = arith.constant 2 : i32
    %mul3A_0 = arith.muli %arg1, %mul3A : i32
    %add3A = arith.addi %mul3A_0, %arg0 : i32
    %mul3A_1 = arith.constant 640 : i32
    %mul3A_2 = arith.muli %arg1, %mul3A_1 : i32
    %run_scoped3A = arith.constant 1 : i32
    "tpu.region"() ({
      %run_scoped3A_55 = tpu.sem_alloc : memref<!tpu.dma_semaphore, #tpu.memory_space<semaphore_mem>>
      %dma_start3A_56 = arith.constant 0 : i32
      %dma_start3A_57 = arith.constant 0 : i32
      %dma_start3A_58 = tpu.memref_slice %arg3[%run_scoped3A, %add3A, %dma_start3A_56, %dma_start3A_57] : memref<2x32x80x125xi32, #tpu.memory_space<hbm>> -> memref<1x1x80x125xi32, #tpu.memory_space<hbm>>
      %dma_start3A_59 = tpu.memref_squeeze %dma_start3A_58 : memref<1x1x80x125xi32, #tpu.memory_space<hbm>> -> memref<80x125xi32, #tpu.memory_space<hbm>>
      %dma_start3A_60 = arith.constant 0 : i32
      %dma_start3A_61 = arith.constant 0 : i32
      %dma_start3A_62 = tpu.memref_slice %arg3[%run_scoped3A, %add3A, %dma_start3A_60, %dma_start3A_61] : memref<2x32x80x125xi32, #tpu.memory_space<hbm>> -> memref<1x1x80x125xi32, #tpu.memory_space<hbm>>
      %dma_start3A_63 = tpu.memref_squeeze %dma_start3A_62 : memref<1x1x80x125xi32, #tpu.memory_space<hbm>> -> memref<80x125xi32, #tpu.memory_space<hbm>>
      tpu.enqueue_dma source(%dma_start3A_63 : memref<80x125xi32, #tpu.memory_space<hbm>>) target(%arg6 : memref<80x125xi32, #tpu.memory_space<vmem>>) target_semaphore(%run_scoped3A_55 : memref<!tpu.dma_semaphore, #tpu.memory_space<semaphore_mem>>)
      %dma_wait3A_64 = arith.constant 0 : i32
      %dma_wait3A_65 = arith.constant 0 : i32
      %dma_wait3A_66 = tpu.memref_slice %arg3[%run_scoped3A, %add3A, %dma_wait3A_64, %dma_wait3A_65] : memref<2x32x80x125xi32, #tpu.memory_space<hbm>> -> memref<1x1x80x125xi32, #tpu.memory_space<hbm>>
      %dma_wait3A_67 = tpu.memref_squeeze %dma_wait3A_66 : memref<1x1x80x125xi32, #tpu.memory_space<hbm>> -> memref<80x125xi32, #tpu.memory_space<hbm>>
      %dma_wait3A_68 = arith.constant 0 : i32
      %dma_wait3A_69 = arith.constant 0 : i32
      %dma_wait3A_70 = tpu.memref_slice %arg3[%run_scoped3A, %add3A, %dma_wait3A_68, %dma_wait3A_69] : memref<2x32x80x125xi32, #tpu.memory_space<hbm>> -> memref<1x1x80x125xi32, #tpu.memory_space<hbm>>
      %dma_wait3A_71 = tpu.memref_squeeze %dma_wait3A_70 : memref<1x1x80x125xi32, #tpu.memory_space<hbm>> -> memref<80x125xi32, #tpu.memory_space<hbm>>
      tpu.wait_dma2 semaphore(%run_scoped3A_55 : memref<!tpu.dma_semaphore, #tpu.memory_space<semaphore_mem>>) src(%dma_wait3A_71 : memref<80x125xi32, #tpu.memory_space<hbm>>) dst(%arg6 : memref<80x125xi32, #tpu.memory_space<vmem>>)
      tpu.yield
    }) : () -> ()
    %run_scoped3A_3 = arith.constant 0 : i32
    %run_scoped3A_4 = arith.constant 0 : i32
    "tpu.region"() ({
      %run_scoped3A_55 = tpu.sem_alloc : memref<!tpu.dma_semaphore, #tpu.memory_space<semaphore_mem>>
      %dma_start3A_56 = arith.constant 0 : i32
      %dma_start3A_57 = tpu.memref_slice %arg3[%run_scoped3A_3, %add3A, %run_scoped3A_4, %dma_start3A_56] : memref<2x32x80x125xi32, #tpu.memory_space<hbm>> -> memref<1x1x1x125xi32, #tpu.memory_space<hbm>>
      %dma_start3A_58 = tpu.memref_squeeze %dma_start3A_57 : memref<1x1x1x125xi32, #tpu.memory_space<hbm>> -> memref<125xi32, #tpu.memory_space<hbm>>
      %dma_start3A_59 = arith.constant 0 : i32
      %dma_start3A_60 = tpu.memref_slice %arg3[%run_scoped3A_3, %add3A, %run_scoped3A_4, %dma_start3A_59] : memref<2x32x80x125xi32, #tpu.memory_space<hbm>> -> memref<1x1x1x125xi32, #tpu.memory_space<hbm>>
      %dma_start3A_61 = tpu.memref_squeeze %dma_start3A_60 : memref<1x1x1x125xi32, #tpu.memory_space<hbm>> -> memref<125xi32, #tpu.memory_space<hbm>>
      tpu.enqueue_dma source(%dma_start3A_61 : memref<125xi32, #tpu.memory_space<hbm>>) target(%arg7 : memref<125xi32, #tpu.memory_space<vmem>>) target_semaphore(%run_scoped3A_55 : memref<!tpu.dma_semaphore, #tpu.memory_space<semaphore_mem>>)
      %dma_wait3A_62 = arith.constant 0 : i32
      %dma_wait3A_63 = tpu.memref_slice %arg3[%run_scoped3A_3, %add3A, %run_scoped3A_4, %dma_wait3A_62] : memref<2x32x80x125xi32, #tpu.memory_space<hbm>> -> memref<1x1x1x125xi32, #tpu.memory_space<hbm>>
      %dma_wait3A_64 = tpu.memref_squeeze %dma_wait3A_63 : memref<1x1x1x125xi32, #tpu.memory_space<hbm>> -> memref<125xi32, #tpu.memory_space<hbm>>
      %dma_wait3A_65 = arith.constant 0 : i32
      %dma_wait3A_66 = tpu.memref_slice %arg3[%run_scoped3A_3, %add3A, %run_scoped3A_4, %dma_wait3A_65] : memref<2x32x80x125xi32, #tpu.memory_space<hbm>> -> memref<1x1x1x125xi32, #tpu.memory_space<hbm>>
      %dma_wait3A_67 = tpu.memref_squeeze %dma_wait3A_66 : memref<1x1x1x125xi32, #tpu.memory_space<hbm>> -> memref<125xi32, #tpu.memory_space<hbm>>
      tpu.wait_dma2 semaphore(%run_scoped3A_55 : memref<!tpu.dma_semaphore, #tpu.memory_space<semaphore_mem>>) src(%dma_wait3A_67 : memref<125xi32, #tpu.memory_space<hbm>>) dst(%arg7 : memref<125xi32, #tpu.memory_space<vmem>>)
      tpu.yield
    }) : () -> ()
    %dma_start3A = arith.constant 0 : i32
    %dma_start3A_5 = arith.constant 0 : i32
    %dma_start3A_6 = tpu.memref_slice %arg2[%dma_start3A, %dma_start3A_5] : memref<10000x128xf32, #tpu.memory_space<hbm>> -> memref<10000x128xf32, #tpu.memory_space<hbm>>
    tpu.enqueue_indirect_dma source(%dma_start3A_6 : memref<10000x128xf32, #tpu.memory_space<hbm>>) target(%arg9 : memref<125x128xf32, #tpu.memory_space<vmem>>) offsets(%arg7 : memref<125xi32, #tpu.memory_space<vmem>>) semaphore(%arg12 : memref<!tpu.dma_semaphore, #tpu.memory_space<semaphore_mem>>)
    %run_scoped3A_7 = arith.constant 0 : i32
    %run_scoped3A_8 = arith.constant 1 : i32
    "tpu.region"() ({
      %run_scoped3A_55 = tpu.sem_alloc : memref<!tpu.dma_semaphore, #tpu.memory_space<semaphore_mem>>
      %dma_start3A_56 = arith.constant 0 : i32
      %dma_start3A_57 = tpu.memref_slice %arg3[%run_scoped3A_7, %add3A, %run_scoped3A_8, %dma_start3A_56] : memref<2x32x80x125xi32, #tpu.memory_space<hbm>> -> memref<1x1x1x125xi32, #tpu.memory_space<hbm>>
      %dma_start3A_58 = tpu.memref_squeeze %dma_start3A_57 : memref<1x1x1x125xi32, #tpu.memory_space<hbm>> -> memref<125xi32, #tpu.memory_space<hbm>>
      %dma_start3A_59 = arith.constant 0 : i32
      %dma_start3A_60 = tpu.memref_slice %arg3[%run_scoped3A_7, %add3A, %run_scoped3A_8, %dma_start3A_59] : memref<2x32x80x125xi32, #tpu.memory_space<hbm>> -> memref<1x1x1x125xi32, #tpu.memory_space<hbm>>
      %dma_start3A_61 = tpu.memref_squeeze %dma_start3A_60 : memref<1x1x1x125xi32, #tpu.memory_space<hbm>> -> memref<125xi32, #tpu.memory_space<hbm>>
      tpu.enqueue_dma source(%dma_start3A_61 : memref<125xi32, #tpu.memory_space<hbm>>) target(%arg8 : memref<125xi32, #tpu.memory_space<vmem>>) target_semaphore(%run_scoped3A_55 : memref<!tpu.dma_semaphore, #tpu.memory_space<semaphore_mem>>)
      %dma_wait3A_62 = arith.constant 0 : i32
      %dma_wait3A_63 = tpu.memref_slice %arg3[%run_scoped3A_7, %add3A, %run_scoped3A_8, %dma_wait3A_62] : memref<2x32x80x125xi32, #tpu.memory_space<hbm>> -> memref<1x1x1x125xi32, #tpu.memory_space<hbm>>
      %dma_wait3A_64 = tpu.memref_squeeze %dma_wait3A_63 : memref<1x1x1x125xi32, #tpu.memory_space<hbm>> -> memref<125xi32, #tpu.memory_space<hbm>>
      %dma_wait3A_65 = arith.constant 0 : i32
      %dma_wait3A_66 = tpu.memref_slice %arg3[%run_scoped3A_7, %add3A, %run_scoped3A_8, %dma_wait3A_65] : memref<2x32x80x125xi32, #tpu.memory_space<hbm>> -> memref<1x1x1x125xi32, #tpu.memory_space<hbm>>
      %dma_wait3A_67 = tpu.memref_squeeze %dma_wait3A_66 : memref<1x1x1x125xi32, #tpu.memory_space<hbm>> -> memref<125xi32, #tpu.memory_space<hbm>>
      tpu.wait_dma2 semaphore(%run_scoped3A_55 : memref<!tpu.dma_semaphore, #tpu.memory_space<semaphore_mem>>) src(%dma_wait3A_67 : memref<125xi32, #tpu.memory_space<hbm>>) dst(%arg8 : memref<125xi32, #tpu.memory_space<vmem>>)
      tpu.yield
    }) : () -> ()
    %dma_start3A_9 = arith.constant 0 : i32
    %dma_start3A_10 = arith.constant 0 : i32
    %dma_start3A_11 = tpu.memref_slice %arg2[%dma_start3A_9, %dma_start3A_10] : memref<10000x128xf32, #tpu.memory_space<hbm>> -> memref<10000x128xf32, #tpu.memory_space<hbm>>
    tpu.enqueue_indirect_dma source(%dma_start3A_11 : memref<10000x128xf32, #tpu.memory_space<hbm>>) target(%arg10 : memref<125x128xf32, #tpu.memory_space<vmem>>) offsets(%arg8 : memref<125xi32, #tpu.memory_space<vmem>>) semaphore(%arg13 : memref<!tpu.dma_semaphore, #tpu.memory_space<semaphore_mem>>)
    "tpu.region"() ({
      %run_scoped3A_55 = tpu.sem_alloc : memref<!tpu.dma_semaphore, #tpu.memory_space<semaphore_mem>>
      %dma_start3A_56 = arith.constant 0 : i32
      %dma_start3A_57 = tpu.memref_slice %arg11[%mul3A_2, %dma_start3A_56] : memref<10240x128xf32, #tpu.memory_space<vmem_shared>> -> memref<640x128xf32, #tpu.memory_space<vmem_shared>>
      tpu.enqueue_dma source(%arg4 : memref<640x128xf32, #tpu.memory_space<hbm>>) target(%dma_start3A_57 : memref<640x128xf32, #tpu.memory_space<vmem_shared>>) target_semaphore(%run_scoped3A_55 : memref<!tpu.dma_semaphore, #tpu.memory_space<semaphore_mem>>)
      %dma_wait3A_58 = arith.constant 0 : i32
      %dma_wait3A_59 = tpu.memref_slice %arg11[%mul3A_2, %dma_wait3A_58] : memref<10240x128xf32, #tpu.memory_space<vmem_shared>> -> memref<640x128xf32, #tpu.memory_space<vmem_shared>>
      tpu.wait_dma2 semaphore(%run_scoped3A_55 : memref<!tpu.dma_semaphore, #tpu.memory_space<semaphore_mem>>) src(%arg4 : memref<640x128xf32, #tpu.memory_space<hbm>>) dst(%dma_wait3A_59 : memref<640x128xf32, #tpu.memory_space<vmem_shared>>)
      tpu.yield
    }) : () -> ()
    %barrier3A = arith.constant 0 : index
    tpu.barrier barrier_id(%barrier3A)
    %scan3A = arith.constant 0 : i32
    %scan3A_12 = arith.constant 0 : i32
    %scan3A_13 = arith.constant 39 : i32
    %scan3A_14 = arith.addi %scan3A_12, %scan3A_13 : i32
    %scan3A_15 = arith.constant 1 : i32
    %scan3A_16 = scf.for %scan3A_55 = %scan3A_12 to %scan3A_14 step %scan3A_15 iter_args(%scan3A_56 = %scan3A) -> (i32)  : i32 {
      %mul3A_57 = arith.constant 2 : i32
      %mul3A_58 = arith.muli %mul3A_57, %scan3A_55 : i32
      %dma_wait3A_59 = arith.constant 0 : i32
      %dma_wait3A_60 = arith.constant 0 : i32
      %dma_wait3A_61 = tpu.memref_slice %arg2[%dma_wait3A_59, %dma_wait3A_60] : memref<10000x128xf32, #tpu.memory_space<hbm>> -> memref<10000x128xf32, #tpu.memory_space<hbm>>
      tpu.wait_indirect_dma semaphore(%arg12 : memref<!tpu.dma_semaphore, #tpu.memory_space<semaphore_mem>>) src(%dma_wait3A_61 : memref<10000x128xf32, #tpu.memory_space<hbm>>) dst(%arg9 : memref<125x128xf32, #tpu.memory_space<vmem>>)
      %add3A_62 = arith.constant 2 : i32
      %add3A_63 = arith.addi %mul3A_58, %add3A_62 : i32
      %dma_start3A_64 = arith.constant 0 : i32
      %dma_start3A_65 = arith.constant 0 : i32
      %dma_start3A_66 = tpu.memref_slice %arg3[%dma_start3A_64, %add3A, %add3A_63, %dma_start3A_65] : memref<2x32x80x125xi32, #tpu.memory_space<hbm>> -> memref<1x1x1x125xi32, #tpu.memory_space<hbm>>
      %dma_start3A_67 = tpu.memref_squeeze %dma_start3A_66 : memref<1x1x1x125xi32, #tpu.memory_space<hbm>> -> memref<125xi32, #tpu.memory_space<hbm>>
      %dma_start3A_68 = arith.constant 0 : i32
      %dma_start3A_69 = tpu.memref_slice %arg3[%dma_start3A_64, %add3A, %add3A_63, %dma_start3A_68] : memref<2x32x80x125xi32, #tpu.memory_space<hbm>> -> memref<1x1x1x125xi32, #tpu.memory_space<hbm>>
      %dma_start3A_70 = tpu.memref_squeeze %dma_start3A_69 : memref<1x1x1x125xi32, #tpu.memory_space<hbm>> -> memref<125xi32, #tpu.memory_space<hbm>>
      tpu.enqueue_dma source(%dma_start3A_70 : memref<125xi32, #tpu.memory_space<hbm>>) target(%arg7 : memref<125xi32, #tpu.memory_space<vmem>>) target_semaphore(%arg16 : memref<!tpu.dma_semaphore, #tpu.memory_space<semaphore_mem>>)
      %dma_start3A_71 = arith.constant 0 : i32
      %dma_start3A_72 = tpu.memref_slice %arg6[%mul3A_58, %dma_start3A_71] : memref<80x125xi32, #tpu.memory_space<vmem>> -> memref<1x125xi32, #tpu.memory_space<vmem>>
      %dma_start3A_73 = tpu.memref_squeeze %dma_start3A_72 : memref<1x125xi32, #tpu.memory_space<vmem>> -> memref<125xi32, #tpu.memory_space<vmem>>
      %dma_start3A_74 = arith.constant 0 : i32
      %dma_start3A_75 = arith.constant 0 : i32
      %dma_start3A_76 = tpu.memref_slice %arg11[%dma_start3A_74, %dma_start3A_75] : memref<10240x128xf32, #tpu.memory_space<vmem_shared>> -> memref<10240x128xf32, #tpu.memory_space<vmem_shared>>
      tpu.enqueue_indirect_dma source(%arg9 : memref<125x128xf32, #tpu.memory_space<vmem>>) target(%dma_start3A_76 : memref<10240x128xf32, #tpu.memory_space<vmem_shared>>) offsets(%dma_start3A_73 : memref<125xi32, #tpu.memory_space<vmem>>) semaphore(%arg14 : memref<!tpu.dma_semaphore, #tpu.memory_space<semaphore_mem>>) {add = true}
      %dma_wait3A_77 = arith.constant 0 : i32
      %dma_wait3A_78 = tpu.memref_slice %arg6[%mul3A_58, %dma_wait3A_77] : memref<80x125xi32, #tpu.memory_space<vmem>> -> memref<1x125xi32, #tpu.memory_space<vmem>>
      %dma_wait3A_79 = tpu.memref_squeeze %dma_wait3A_78 : memref<1x125xi32, #tpu.memory_space<vmem>> -> memref<125xi32, #tpu.memory_space<vmem>>
      %dma_wait3A_80 = arith.constant 0 : i32
      %dma_wait3A_81 = arith.constant 0 : i32
      %dma_wait3A_82 = tpu.memref_slice %arg11[%dma_wait3A_80, %dma_wait3A_81] : memref<10240x128xf32, #tpu.memory_space<vmem_shared>> -> memref<10240x128xf32, #tpu.memory_space<vmem_shared>>
      tpu.wait_indirect_dma semaphore(%arg14 : memref<!tpu.dma_semaphore, #tpu.memory_space<semaphore_mem>>) src(%arg9 : memref<125x128xf32, #tpu.memory_space<vmem>>) dst(%dma_wait3A_82 : memref<10240x128xf32, #tpu.memory_space<vmem_shared>>)
      %add3A_83 = arith.constant 2 : i32
      %add3A_84 = arith.addi %mul3A_58, %add3A_83 : i32
      %dma_wait3A_85 = arith.constant 0 : i32
      %dma_wait3A_86 = arith.constant 0 : i32
      %dma_wait3A_87 = tpu.memref_slice %arg3[%dma_wait3A_85, %add3A, %add3A_84, %dma_wait3A_86] : memref<2x32x80x125xi32, #tpu.memory_space<hbm>> -> memref<1x1x1x125xi32, #tpu.memory_space<hbm>>
      %dma_wait3A_88 = tpu.memref_squeeze %dma_wait3A_87 : memref<1x1x1x125xi32, #tpu.memory_space<hbm>> -> memref<125xi32, #tpu.memory_space<hbm>>
      %dma_wait3A_89 = arith.constant 0 : i32
      %dma_wait3A_90 = tpu.memref_slice %arg3[%dma_wait3A_85, %add3A, %add3A_84, %dma_wait3A_89] : memref<2x32x80x125xi32, #tpu.memory_space<hbm>> -> memref<1x1x1x125xi32, #tpu.memory_space<hbm>>
      %dma_wait3A_91 = tpu.memref_squeeze %dma_wait3A_90 : memref<1x1x1x125xi32, #tpu.memory_space<hbm>> -> memref<125xi32, #tpu.memory_space<hbm>>
      tpu.wait_dma2 semaphore(%arg16 : memref<!tpu.dma_semaphore, #tpu.memory_space<semaphore_mem>>) src(%dma_wait3A_91 : memref<125xi32, #tpu.memory_space<hbm>>) dst(%arg7 : memref<125xi32, #tpu.memory_space<vmem>>)
      %dma_start3A_92 = arith.constant 0 : i32
      %dma_start3A_93 = arith.constant 0 : i32
      %dma_start3A_94 = tpu.memref_slice %arg2[%dma_start3A_92, %dma_start3A_93] : memref<10000x128xf32, #tpu.memory_space<hbm>> -> memref<10000x128xf32, #tpu.memory_space<hbm>>
      tpu.enqueue_indirect_dma source(%dma_start3A_94 : memref<10000x128xf32, #tpu.memory_space<hbm>>) target(%arg9 : memref<125x128xf32, #tpu.memory_space<vmem>>) offsets(%arg7 : memref<125xi32, #tpu.memory_space<vmem>>) semaphore(%arg12 : memref<!tpu.dma_semaphore, #tpu.memory_space<semaphore_mem>>)
      %dma_wait3A_95 = arith.constant 0 : i32
      %dma_wait3A_96 = arith.constant 0 : i32
      %dma_wait3A_97 = tpu.memref_slice %arg2[%dma_wait3A_95, %dma_wait3A_96] : memref<10000x128xf32, #tpu.memory_space<hbm>> -> memref<10000x128xf32, #tpu.memory_space<hbm>>
      tpu.wait_indirect_dma semaphore(%arg13 : memref<!tpu.dma_semaphore, #tpu.memory_space<semaphore_mem>>) src(%dma_wait3A_97 : memref<10000x128xf32, #tpu.memory_space<hbm>>) dst(%arg10 : memref<125x128xf32, #tpu.memory_space<vmem>>)
      %add3A_98 = arith.constant 3 : i32
      %add3A_99 = arith.addi %mul3A_58, %add3A_98 : i32
      %dma_start3A_100 = arith.constant 0 : i32
      %dma_start3A_101 = arith.constant 0 : i32
      %dma_start3A_102 = tpu.memref_slice %arg3[%dma_start3A_100, %add3A, %add3A_99, %dma_start3A_101] : memref<2x32x80x125xi32, #tpu.memory_space<hbm>> -> memref<1x1x1x125xi32, #tpu.memory_space<hbm>>
      %dma_start3A_103 = tpu.memref_squeeze %dma_start3A_102 : memref<1x1x1x125xi32, #tpu.memory_space<hbm>> -> memref<125xi32, #tpu.memory_space<hbm>>
      %dma_start3A_104 = arith.constant 0 : i32
      %dma_start3A_105 = tpu.memref_slice %arg3[%dma_start3A_100, %add3A, %add3A_99, %dma_start3A_104] : memref<2x32x80x125xi32, #tpu.memory_space<hbm>> -> memref<1x1x1x125xi32, #tpu.memory_space<hbm>>
      %dma_start3A_106 = tpu.memref_squeeze %dma_start3A_105 : memref<1x1x1x125xi32, #tpu.memory_space<hbm>> -> memref<125xi32, #tpu.memory_space<hbm>>
      tpu.enqueue_dma source(%dma_start3A_106 : memref<125xi32, #tpu.memory_space<hbm>>) target(%arg8 : memref<125xi32, #tpu.memory_space<vmem>>) target_semaphore(%arg17 : memref<!tpu.dma_semaphore, #tpu.memory_space<semaphore_mem>>)
      %add3A_107 = arith.constant 1 : i32
      %add3A_108 = arith.addi %mul3A_58, %add3A_107 : i32
      %dma_start3A_109 = arith.constant 0 : i32
      %dma_start3A_110 = tpu.memref_slice %arg6[%add3A_108, %dma_start3A_109] : memref<80x125xi32, #tpu.memory_space<vmem>> -> memref<1x125xi32, #tpu.memory_space<vmem>>
      %dma_start3A_111 = tpu.memref_squeeze %dma_start3A_110 : memref<1x125xi32, #tpu.memory_space<vmem>> -> memref<125xi32, #tpu.memory_space<vmem>>
      %dma_start3A_112 = arith.constant 0 : i32
      %dma_start3A_113 = arith.constant 0 : i32
      %dma_start3A_114 = tpu.memref_slice %arg11[%dma_start3A_112, %dma_start3A_113] : memref<10240x128xf32, #tpu.memory_space<vmem_shared>> -> memref<10240x128xf32, #tpu.memory_space<vmem_shared>>
      tpu.enqueue_indirect_dma source(%arg10 : memref<125x128xf32, #tpu.memory_space<vmem>>) target(%dma_start3A_114 : memref<10240x128xf32, #tpu.memory_space<vmem_shared>>) offsets(%dma_start3A_111 : memref<125xi32, #tpu.memory_space<vmem>>) semaphore(%arg15 : memref<!tpu.dma_semaphore, #tpu.memory_space<semaphore_mem>>) {add = true}
      %add3A_115 = arith.constant 1 : i32
      %add3A_116 = arith.addi %mul3A_58, %add3A_115 : i32
      %dma_wait3A_117 = arith.constant 0 : i32
      %dma_wait3A_118 = tpu.memref_slice %arg6[%add3A_116, %dma_wait3A_117] : memref<80x125xi32, #tpu.memory_space<vmem>> -> memref<1x125xi32, #tpu.memory_space<vmem>>
      %dma_wait3A_119 = tpu.memref_squeeze %dma_wait3A_118 : memref<1x125xi32, #tpu.memory_space<vmem>> -> memref<125xi32, #tpu.memory_space<vmem>>
      %dma_wait3A_120 = arith.constant 0 : i32
      %dma_wait3A_121 = arith.constant 0 : i32
      %dma_wait3A_122 = tpu.memref_slice %arg11[%dma_wait3A_120, %dma_wait3A_121] : memref<10240x128xf32, #tpu.memory_space<vmem_shared>> -> memref<10240x128xf32, #tpu.memory_space<vmem_shared>>
      tpu.wait_indirect_dma semaphore(%arg15 : memref<!tpu.dma_semaphore, #tpu.memory_space<semaphore_mem>>) src(%arg10 : memref<125x128xf32, #tpu.memory_space<vmem>>) dst(%dma_wait3A_122 : memref<10240x128xf32, #tpu.memory_space<vmem_shared>>)
      %add3A_123 = arith.constant 3 : i32
      %add3A_124 = arith.addi %mul3A_58, %add3A_123 : i32
      %dma_wait3A_125 = arith.constant 0 : i32
      %dma_wait3A_126 = arith.constant 0 : i32
      %dma_wait3A_127 = tpu.memref_slice %arg3[%dma_wait3A_125, %add3A, %add3A_124, %dma_wait3A_126] : memref<2x32x80x125xi32, #tpu.memory_space<hbm>> -> memref<1x1x1x125xi32, #tpu.memory_space<hbm>>
      %dma_wait3A_128 = tpu.memref_squeeze %dma_wait3A_127 : memref<1x1x1x125xi32, #tpu.memory_space<hbm>> -> memref<125xi32, #tpu.memory_space<hbm>>
      %dma_wait3A_129 = arith.constant 0 : i32
      %dma_wait3A_130 = tpu.memref_slice %arg3[%dma_wait3A_125, %add3A, %add3A_124, %dma_wait3A_129] : memref<2x32x80x125xi32, #tpu.memory_space<hbm>> -> memref<1x1x1x125xi32, #tpu.memory_space<hbm>>
      %dma_wait3A_131 = tpu.memref_squeeze %dma_wait3A_130 : memref<1x1x1x125xi32, #tpu.memory_space<hbm>> -> memref<125xi32, #tpu.memory_space<hbm>>
      tpu.wait_dma2 semaphore(%arg17 : memref<!tpu.dma_semaphore, #tpu.memory_space<semaphore_mem>>) src(%dma_wait3A_131 : memref<125xi32, #tpu.memory_space<hbm>>) dst(%arg8 : memref<125xi32, #tpu.memory_space<vmem>>)
      %dma_start3A_132 = arith.constant 0 : i32
      %dma_start3A_133 = arith.constant 0 : i32
      %dma_start3A_134 = tpu.memref_slice %arg2[%dma_start3A_132, %dma_start3A_133] : memref<10000x128xf32, #tpu.memory_space<hbm>> -> memref<10000x128xf32, #tpu.memory_space<hbm>>
      tpu.enqueue_indirect_dma source(%dma_start3A_134 : memref<10000x128xf32, #tpu.memory_space<hbm>>) target(%arg10 : memref<125x128xf32, #tpu.memory_space<vmem>>) offsets(%arg8 : memref<125xi32, #tpu.memory_space<vmem>>) semaphore(%arg13 : memref<!tpu.dma_semaphore, #tpu.memory_space<semaphore_mem>>)
      %scan3A_135 = arith.constant 0 : i32
      scf.yield %scan3A_135 : i32
    }
    %scan3A_17 = arith.constant 39 : i32
    %dma_wait3A = arith.constant 0 : i32
    %dma_wait3A_18 = arith.constant 0 : i32
    %dma_wait3A_19 = tpu.memref_slice %arg2[%dma_wait3A, %dma_wait3A_18] : memref<10000x128xf32, #tpu.memory_space<hbm>> -> memref<10000x128xf32, #tpu.memory_space<hbm>>
    tpu.wait_indirect_dma semaphore(%arg12 : memref<!tpu.dma_semaphore, #tpu.memory_space<semaphore_mem>>) src(%dma_wait3A_19 : memref<10000x128xf32, #tpu.memory_space<hbm>>) dst(%arg9 : memref<125x128xf32, #tpu.memory_space<vmem>>)
    %dma_start3A_20 = arith.constant 78 : i32
    %dma_start3A_21 = arith.constant 0 : i32
    %dma_start3A_22 = tpu.memref_slice %arg6[%dma_start3A_20, %dma_start3A_21] : memref<80x125xi32, #tpu.memory_space<vmem>> -> memref<1x125xi32, #tpu.memory_space<vmem>>
    %dma_start3A_23 = tpu.memref_squeeze %dma_start3A_22 : memref<1x125xi32, #tpu.memory_space<vmem>> -> memref<125xi32, #tpu.memory_space<vmem>>
    %dma_start3A_24 = arith.constant 0 : i32
    %dma_start3A_25 = arith.constant 0 : i32
    %dma_start3A_26 = tpu.memref_slice %arg11[%dma_start3A_24, %dma_start3A_25] : memref<10240x128xf32, #tpu.memory_space<vmem_shared>> -> memref<10240x128xf32, #tpu.memory_space<vmem_shared>>
    tpu.enqueue_indirect_dma source(%arg9 : memref<125x128xf32, #tpu.memory_space<vmem>>) target(%dma_start3A_26 : memref<10240x128xf32, #tpu.memory_space<vmem_shared>>) offsets(%dma_start3A_23 : memref<125xi32, #tpu.memory_space<vmem>>) semaphore(%arg14 : memref<!tpu.dma_semaphore, #tpu.memory_space<semaphore_mem>>) {add = true}
    %dma_wait3A_27 = arith.constant 78 : i32
    %dma_wait3A_28 = arith.constant 0 : i32
    %dma_wait3A_29 = tpu.memref_slice %arg6[%dma_wait3A_27, %dma_wait3A_28] : memref<80x125xi32, #tpu.memory_space<vmem>> -> memref<1x125xi32, #tpu.memory_space<vmem>>
    %dma_wait3A_30 = tpu.memref_squeeze %dma_wait3A_29 : memref<1x125xi32, #tpu.memory_space<vmem>> -> memref<125xi32, #tpu.memory_space<vmem>>
    %dma_wait3A_31 = arith.constant 0 : i32
    %dma_wait3A_32 = arith.constant 0 : i32
    %dma_wait3A_33 = tpu.memref_slice %arg11[%dma_wait3A_31, %dma_wait3A_32] : memref<10240x128xf32, #tpu.memory_space<vmem_shared>> -> memref<10240x128xf32, #tpu.memory_space<vmem_shared>>
    tpu.wait_indirect_dma semaphore(%arg14 : memref<!tpu.dma_semaphore, #tpu.memory_space<semaphore_mem>>) src(%arg9 : memref<125x128xf32, #tpu.memory_space<vmem>>) dst(%dma_wait3A_33 : memref<10240x128xf32, #tpu.memory_space<vmem_shared>>)
    %dma_wait3A_34 = arith.constant 0 : i32
    %dma_wait3A_35 = arith.constant 0 : i32
    %dma_wait3A_36 = tpu.memref_slice %arg2[%dma_wait3A_34, %dma_wait3A_35] : memref<10000x128xf32, #tpu.memory_space<hbm>> -> memref<10000x128xf32, #tpu.memory_space<hbm>>
    tpu.wait_indirect_dma semaphore(%arg13 : memref<!tpu.dma_semaphore, #tpu.memory_space<semaphore_mem>>) src(%dma_wait3A_36 : memref<10000x128xf32, #tpu.memory_space<hbm>>) dst(%arg10 : memref<125x128xf32, #tpu.memory_space<vmem>>)
    %dma_start3A_37 = arith.constant 79 : i32
    %dma_start3A_38 = arith.constant 0 : i32
    %dma_start3A_39 = tpu.memref_slice %arg6[%dma_start3A_37, %dma_start3A_38] : memref<80x125xi32, #tpu.memory_space<vmem>> -> memref<1x125xi32, #tpu.memory_space<vmem>>
    %dma_start3A_40 = tpu.memref_squeeze %dma_start3A_39 : memref<1x125xi32, #tpu.memory_space<vmem>> -> memref<125xi32, #tpu.memory_space<vmem>>
    %dma_start3A_41 = arith.constant 0 : i32
    %dma_start3A_42 = arith.constant 0 : i32
    %dma_start3A_43 = tpu.memref_slice %arg11[%dma_start3A_41, %dma_start3A_42] : memref<10240x128xf32, #tpu.memory_space<vmem_shared>> -> memref<10240x128xf32, #tpu.memory_space<vmem_shared>>
    tpu.enqueue_indirect_dma source(%arg10 : memref<125x128xf32, #tpu.memory_space<vmem>>) target(%dma_start3A_43 : memref<10240x128xf32, #tpu.memory_space<vmem_shared>>) offsets(%dma_start3A_40 : memref<125xi32, #tpu.memory_space<vmem>>) semaphore(%arg15 : memref<!tpu.dma_semaphore, #tpu.memory_space<semaphore_mem>>) {add = true}
    %dma_wait3A_44 = arith.constant 79 : i32
    %dma_wait3A_45 = arith.constant 0 : i32
    %dma_wait3A_46 = tpu.memref_slice %arg6[%dma_wait3A_44, %dma_wait3A_45] : memref<80x125xi32, #tpu.memory_space<vmem>> -> memref<1x125xi32, #tpu.memory_space<vmem>>
    %dma_wait3A_47 = tpu.memref_squeeze %dma_wait3A_46 : memref<1x125xi32, #tpu.memory_space<vmem>> -> memref<125xi32, #tpu.memory_space<vmem>>
    %dma_wait3A_48 = arith.constant 0 : i32
    %dma_wait3A_49 = arith.constant 0 : i32
    %dma_wait3A_50 = tpu.memref_slice %arg11[%dma_wait3A_48, %dma_wait3A_49] : memref<10240x128xf32, #tpu.memory_space<vmem_shared>> -> memref<10240x128xf32, #tpu.memory_space<vmem_shared>>
    tpu.wait_indirect_dma semaphore(%arg15 : memref<!tpu.dma_semaphore, #tpu.memory_space<semaphore_mem>>) src(%arg10 : memref<125x128xf32, #tpu.memory_space<vmem>>) dst(%dma_wait3A_50 : memref<10240x128xf32, #tpu.memory_space<vmem_shared>>)
    %barrier3A_51 = arith.constant 0 : index
    tpu.barrier barrier_id(%barrier3A_51)
    %mul3A_52 = arith.constant 10240 : i32
    %mul3A_53 = arith.muli %arg0, %mul3A_52 : i32
    %add3A_54 = arith.addi %mul3A_53, %mul3A_2 : i32
    "tpu.region"() ({
      %run_scoped3A_55 = tpu.sem_alloc : memref<!tpu.dma_semaphore, #tpu.memory_space<semaphore_mem>>
      %dma_start3A_56 = arith.constant 0 : i32
      %dma_start3A_57 = tpu.memref_slice %arg5[%add3A_54, %dma_start3A_56] : memref<20480x128xf32, #tpu.memory_space<hbm>> -> memref<640x128xf32, #tpu.memory_space<hbm>>
      %dma_start3A_58 = arith.constant 0 : i32
      %dma_start3A_59 = tpu.memref_slice %arg11[%mul3A_2, %dma_start3A_58] : memref<10240x128xf32, #tpu.memory_space<vmem_shared>> -> memref<640x128xf32, #tpu.memory_space<vmem_shared>>
      tpu.enqueue_dma source(%dma_start3A_59 : memref<640x128xf32, #tpu.memory_space<vmem_shared>>) target(%dma_start3A_57 : memref<640x128xf32, #tpu.memory_space<hbm>>) target_semaphore(%run_scoped3A_55 : memref<!tpu.dma_semaphore, #tpu.memory_space<semaphore_mem>>)
      %dma_wait3A_60 = arith.constant 0 : i32
      %dma_wait3A_61 = tpu.memref_slice %arg5[%add3A_54, %dma_wait3A_60] : memref<20480x128xf32, #tpu.memory_space<hbm>> -> memref<640x128xf32, #tpu.memory_space<hbm>>
      %dma_wait3A_62 = arith.constant 0 : i32
      %dma_wait3A_63 = tpu.memref_slice %arg11[%mul3A_2, %dma_wait3A_62] : memref<10240x128xf32, #tpu.memory_space<vmem_shared>> -> memref<640x128xf32, #tpu.memory_space<vmem_shared>>
      tpu.wait_dma2 semaphore(%run_scoped3A_55 : memref<!tpu.dma_semaphore, #tpu.memory_space<semaphore_mem>>) src(%dma_wait3A_63 : memref<640x128xf32, #tpu.memory_space<vmem_shared>>) dst(%dma_wait3A_61 : memref<640x128xf32, #tpu.memory_space<hbm>>)
      tpu.yield
    }) : () -> ()
    return
  }
}

#map = affine_map<(d0, d1) -> (0, 0, 0, 0)>
#map1 = affine_map<(d0, d1) -> (0)>
#map2 = affine_map<(d0, d1) -> (0, 0)>
module attributes {stable_mosaic.version = 14 : i64} {
  func.func @_deg_parts(%arg0: i32, %arg1: i32, %arg2: memref<2x32x80x125xi32, #tpu.memory_space<hbm>>, %arg3: memref<640xf32, #tpu.memory_space<hbm>>, %arg4: memref<2x10240xf32, #tpu.memory_space<hbm>>, %arg5: memref<80x125xi32, #tpu.memory_space<vmem>>, %arg6: memref<128xf32, #tpu.memory_space<vmem>>, %arg7: memref<10240xf32, #tpu.memory_space<vmem_shared>>, %arg8: memref<!tpu.dma_semaphore, #tpu.memory_space<semaphore_mem>>, %arg9: memref<!tpu.dma_semaphore, #tpu.memory_space<semaphore_mem>>) attributes {dimension_semantics = [#tpu.dimension_semantics<core_parallel>, #tpu.dimension_semantics<subcore_parallel>], iteration_bounds = array<i64: 2, 16>, scalar_prefetch = 0 : i64, scratch_operands = 5 : i64, tpu.core_type = #tpu.core_type<sc_vector_subcore>, window_params = [{transform_indices = #map}, {transform_indices = #map1}, {transform_indices = #map2}]} {
    %mul3A = arith.constant 2 : i32
    %mul3A_0 = arith.muli %arg1, %mul3A : i32
    %add3A = arith.addi %mul3A_0, %arg0 : i32
    %broadcast_in_dim3A = arith.constant 1.000000e+00 : f32
    %broadcast_in_dim3A_1 = vector.broadcast %broadcast_in_dim3A : f32 to vector<16xf32>
    %swap3A = arith.constant 0 : index
    %swap3A_2 = tpu.vector_load %arg6[%swap3A] {strides = array<i32>} : memref<128xf32, #tpu.memory_space<vmem>>, vector<16xf32>,
    %swap3A_3 = vector.shape_cast %swap3A_2 : vector<16xf32> to vector<16xf32>
    %swap3A_4 = vector.shape_cast %broadcast_in_dim3A_1 : vector<16xf32> to vector<16xf32>
    tpu.vector_store %arg6[%swap3A], %swap3A_4 {strides = array<i32>} : memref<128xf32, #tpu.memory_space<vmem>>, vector<16xf32>,
    %swap3A_5 = arith.constant 16 : index
    %swap3A_6 = tpu.vector_load %arg6[%swap3A_5] {strides = array<i32>} : memref<128xf32, #tpu.memory_space<vmem>>, vector<16xf32>,
    %swap3A_7 = vector.shape_cast %swap3A_6 : vector<16xf32> to vector<16xf32>
    %swap3A_8 = vector.shape_cast %broadcast_in_dim3A_1 : vector<16xf32> to vector<16xf32>
    tpu.vector_store %arg6[%swap3A_5], %swap3A_8 {strides = array<i32>} : memref<128xf32, #tpu.memory_space<vmem>>, vector<16xf32>,
    %swap3A_9 = arith.constant 32 : index
    %swap3A_10 = tpu.vector_load %arg6[%swap3A_9] {strides = array<i32>} : memref<128xf32, #tpu.memory_space<vmem>>, vector<16xf32>,
    %swap3A_11 = vector.shape_cast %swap3A_10 : vector<16xf32> to vector<16xf32>
    %swap3A_12 = vector.shape_cast %broadcast_in_dim3A_1 : vector<16xf32> to vector<16xf32>
    tpu.vector_store %arg6[%swap3A_9], %swap3A_12 {strides = array<i32>} : memref<128xf32, #tpu.memory_space<vmem>>, vector<16xf32>,
    %swap3A_13 = arith.constant 48 : index
    %swap3A_14 = tpu.vector_load %arg6[%swap3A_13] {strides = array<i32>} : memref<128xf32, #tpu.memory_space<vmem>>, vector<16xf32>,
    %swap3A_15 = vector.shape_cast %swap3A_14 : vector<16xf32> to vector<16xf32>
    %swap3A_16 = vector.shape_cast %broadcast_in_dim3A_1 : vector<16xf32> to vector<16xf32>
    tpu.vector_store %arg6[%swap3A_13], %swap3A_16 {strides = array<i32>} : memref<128xf32, #tpu.memory_space<vmem>>, vector<16xf32>,
    %swap3A_17 = arith.constant 64 : index
    %swap3A_18 = tpu.vector_load %arg6[%swap3A_17] {strides = array<i32>} : memref<128xf32, #tpu.memory_space<vmem>>, vector<16xf32>,
    %swap3A_19 = vector.shape_cast %swap3A_18 : vector<16xf32> to vector<16xf32>
    %swap3A_20 = vector.shape_cast %broadcast_in_dim3A_1 : vector<16xf32> to vector<16xf32>
    tpu.vector_store %arg6[%swap3A_17], %swap3A_20 {strides = array<i32>} : memref<128xf32, #tpu.memory_space<vmem>>, vector<16xf32>,
    %swap3A_21 = arith.constant 80 : index
    %swap3A_22 = tpu.vector_load %arg6[%swap3A_21] {strides = array<i32>} : memref<128xf32, #tpu.memory_space<vmem>>, vector<16xf32>,
    %swap3A_23 = vector.shape_cast %swap3A_22 : vector<16xf32> to vector<16xf32>
    %swap3A_24 = vector.shape_cast %broadcast_in_dim3A_1 : vector<16xf32> to vector<16xf32>
    tpu.vector_store %arg6[%swap3A_21], %swap3A_24 {strides = array<i32>} : memref<128xf32, #tpu.memory_space<vmem>>, vector<16xf32>,
    %swap3A_25 = arith.constant 96 : index
    %swap3A_26 = tpu.vector_load %arg6[%swap3A_25] {strides = array<i32>} : memref<128xf32, #tpu.memory_space<vmem>>, vector<16xf32>,
    %swap3A_27 = vector.shape_cast %swap3A_26 : vector<16xf32> to vector<16xf32>
    %swap3A_28 = vector.shape_cast %broadcast_in_dim3A_1 : vector<16xf32> to vector<16xf32>
    tpu.vector_store %arg6[%swap3A_25], %swap3A_28 {strides = array<i32>} : memref<128xf32, #tpu.memory_space<vmem>>, vector<16xf32>,
    %swap3A_29 = arith.constant 112 : index
    %swap3A_30 = tpu.vector_load %arg6[%swap3A_29] {strides = array<i32>} : memref<128xf32, #tpu.memory_space<vmem>>, vector<16xf32>,
    %swap3A_31 = vector.shape_cast %swap3A_30 : vector<16xf32> to vector<16xf32>
    %swap3A_32 = vector.shape_cast %broadcast_in_dim3A_1 : vector<16xf32> to vector<16xf32>
    tpu.vector_store %arg6[%swap3A_29], %swap3A_32 {strides = array<i32>} : memref<128xf32, #tpu.memory_space<vmem>>, vector<16xf32>,
    %run_scoped3A = arith.constant 1 : i32
    "tpu.region"() ({
      %run_scoped3A_72 = tpu.sem_alloc : memref<!tpu.dma_semaphore, #tpu.memory_space<semaphore_mem>>
      %dma_start3A_73 = arith.constant 0 : i32
      %dma_start3A_74 = arith.constant 0 : i32
      %dma_start3A_75 = tpu.memref_slice %arg2[%run_scoped3A, %add3A, %dma_start3A_73, %dma_start3A_74] : memref<2x32x80x125xi32, #tpu.memory_space<hbm>> -> memref<1x1x80x125xi32, #tpu.memory_space<hbm>>
      %dma_start3A_76 = tpu.memref_squeeze %dma_start3A_75 : memref<1x1x80x125xi32, #tpu.memory_space<hbm>> -> memref<80x125xi32, #tpu.memory_space<hbm>>
      %dma_start3A_77 = arith.constant 0 : i32
      %dma_start3A_78 = arith.constant 0 : i32
      %dma_start3A_79 = tpu.memref_slice %arg2[%run_scoped3A, %add3A, %dma_start3A_77, %dma_start3A_78] : memref<2x32x80x125xi32, #tpu.memory_space<hbm>> -> memref<1x1x80x125xi32, #tpu.memory_space<hbm>>
      %dma_start3A_80 = tpu.memref_squeeze %dma_start3A_79 : memref<1x1x80x125xi32, #tpu.memory_space<hbm>> -> memref<80x125xi32, #tpu.memory_space<hbm>>
      tpu.enqueue_dma source(%dma_start3A_80 : memref<80x125xi32, #tpu.memory_space<hbm>>) target(%arg5 : memref<80x125xi32, #tpu.memory_space<vmem>>) target_semaphore(%run_scoped3A_72 : memref<!tpu.dma_semaphore, #tpu.memory_space<semaphore_mem>>)
      %dma_wait3A_81 = arith.constant 0 : i32
      %dma_wait3A_82 = arith.constant 0 : i32
      %dma_wait3A_83 = tpu.memref_slice %arg2[%run_scoped3A, %add3A, %dma_wait3A_81, %dma_wait3A_82] : memref<2x32x80x125xi32, #tpu.memory_space<hbm>> -> memref<1x1x80x125xi32, #tpu.memory_space<hbm>>
      %dma_wait3A_84 = tpu.memref_squeeze %dma_wait3A_83 : memref<1x1x80x125xi32, #tpu.memory_space<hbm>> -> memref<80x125xi32, #tpu.memory_space<hbm>>
      %dma_wait3A_85 = arith.constant 0 : i32
      %dma_wait3A_86 = arith.constant 0 : i32
      %dma_wait3A_87 = tpu.memref_slice %arg2[%run_scoped3A, %add3A, %dma_wait3A_85, %dma_wait3A_86] : memref<2x32x80x125xi32, #tpu.memory_space<hbm>> -> memref<1x1x80x125xi32, #tpu.memory_space<hbm>>
      %dma_wait3A_88 = tpu.memref_squeeze %dma_wait3A_87 : memref<1x1x80x125xi32, #tpu.memory_space<hbm>> -> memref<80x125xi32, #tpu.memory_space<hbm>>
      tpu.wait_dma2 semaphore(%run_scoped3A_72 : memref<!tpu.dma_semaphore, #tpu.memory_space<semaphore_mem>>) src(%dma_wait3A_88 : memref<80x125xi32, #tpu.memory_space<hbm>>) dst(%arg5 : memref<80x125xi32, #tpu.memory_space<vmem>>)
      tpu.yield
    }) : () -> ()
    %mul3A_33 = arith.constant 640 : i32
    %mul3A_34 = arith.muli %arg1, %mul3A_33 : i32
    "tpu.region"() ({
      %run_scoped3A_72 = tpu.sem_alloc : memref<!tpu.dma_semaphore, #tpu.memory_space<semaphore_mem>>
      %dma_start3A_73 = tpu.memref_slice %arg7[%mul3A_34] : memref<10240xf32, #tpu.memory_space<vmem_shared>> -> memref<640xf32, #tpu.memory_space<vmem_shared>>
      tpu.enqueue_dma source(%arg3 : memref<640xf32, #tpu.memory_space<hbm>>) target(%dma_start3A_73 : memref<640xf32, #tpu.memory_space<vmem_shared>>) target_semaphore(%run_scoped3A_72 : memref<!tpu.dma_semaphore, #tpu.memory_space<semaphore_mem>>)
      %dma_wait3A_74 = tpu.memref_slice %arg7[%mul3A_34] : memref<10240xf32, #tpu.memory_space<vmem_shared>> -> memref<640xf32, #tpu.memory_space<vmem_shared>>
      tpu.wait_dma2 semaphore(%run_scoped3A_72 : memref<!tpu.dma_semaphore, #tpu.memory_space<semaphore_mem>>) src(%arg3 : memref<640xf32, #tpu.memory_space<hbm>>) dst(%dma_wait3A_74 : memref<640xf32, #tpu.memory_space<vmem_shared>>)
      tpu.yield
    }) : () -> ()
    %barrier3A = arith.constant 0 : index
    tpu.barrier barrier_id(%barrier3A)
    %dma_start3A = arith.constant 0 : i32
    %dma_start3A_35 = arith.constant 0 : i32
    %dma_start3A_36 = tpu.memref_slice %arg6[%dma_start3A_35] : memref<128xf32, #tpu.memory_space<vmem>> -> memref<125xf32, #tpu.memory_space<vmem>>
    %dma_start3A_37 = arith.constant 0 : i32
    %dma_start3A_38 = tpu.memref_slice %arg5[%dma_start3A, %dma_start3A_37] : memref<80x125xi32, #tpu.memory_space<vmem>> -> memref<1x125xi32, #tpu.memory_space<vmem>>
    %dma_start3A_39 = tpu.memref_squeeze %dma_start3A_38 : memref<1x125xi32, #tpu.memory_space<vmem>> -> memref<125xi32, #tpu.memory_space<vmem>>
    %dma_start3A_40 = arith.constant 0 : i32
    %dma_start3A_41 = tpu.memref_slice %arg7[%dma_start3A_40] : memref<10240xf32, #tpu.memory_space<vmem_shared>> -> memref<10240xf32, #tpu.memory_space<vmem_shared>>
    tpu.enqueue_indirect_dma source(%dma_start3A_36 : memref<125xf32, #tpu.memory_space<vmem>>) target(%dma_start3A_41 : memref<10240xf32, #tpu.memory_space<vmem_shared>>) offsets(%dma_start3A_39 : memref<125xi32, #tpu.memory_space<vmem>>) semaphore(%arg8 : memref<!tpu.dma_semaphore, #tpu.memory_space<semaphore_mem>>) {add = true}
    %dma_start3A_42 = arith.constant 1 : i32
    %dma_start3A_43 = arith.constant 0 : i32
    %dma_start3A_44 = tpu.memref_slice %arg6[%dma_start3A_43] : memref<128xf32, #tpu.memory_space<vmem>> -> memref<125xf32, #tpu.memory_space<vmem>>
    %dma_start3A_45 = arith.constant 0 : i32
    %dma_start3A_46 = tpu.memref_slice %arg5[%dma_start3A_42, %dma_start3A_45] : memref<80x125xi32, #tpu.memory_space<vmem>> -> memref<1x125xi32, #tpu.memory_space<vmem>>
    %dma_start3A_47 = tpu.memref_squeeze %dma_start3A_46 : memref<1x125xi32, #tpu.memory_space<vmem>> -> memref<125xi32, #tpu.memory_space<vmem>>
    %dma_start3A_48 = arith.constant 0 : i32
    %dma_start3A_49 = tpu.memref_slice %arg7[%dma_start3A_48] : memref<10240xf32, #tpu.memory_space<vmem_shared>> -> memref<10240xf32, #tpu.memory_space<vmem_shared>>
    tpu.enqueue_indirect_dma source(%dma_start3A_44 : memref<125xf32, #tpu.memory_space<vmem>>) target(%dma_start3A_49 : memref<10240xf32, #tpu.memory_space<vmem_shared>>) offsets(%dma_start3A_47 : memref<125xi32, #tpu.memory_space<vmem>>) semaphore(%arg9 : memref<!tpu.dma_semaphore, #tpu.memory_space<semaphore_mem>>) {add = true}
    %scan3A = arith.constant 0 : i32
    %scan3A_50 = arith.constant 0 : i32
    %scan3A_51 = arith.constant 39 : i32
    %scan3A_52 = arith.addi %scan3A_50, %scan3A_51 : i32
    %scan3A_53 = arith.constant 1 : i32
    %scan3A_54 = scf.for %scan3A_72 = %scan3A_50 to %scan3A_52 step %scan3A_53 iter_args(%scan3A_73 = %scan3A) -> (i32)  : i32 {
      %mul3A_74 = arith.constant 2 : i32
      %mul3A_75 = arith.muli %mul3A_74, %scan3A_72 : i32
      %dma_wait3A_76 = arith.constant 0 : i32
      %dma_wait3A_77 = tpu.memref_slice %arg6[%dma_wait3A_76] : memref<128xf32, #tpu.memory_space<vmem>> -> memref<125xf32, #tpu.memory_space<vmem>>
      %dma_wait3A_78 = arith.constant 0 : i32
      %dma_wait3A_79 = tpu.memref_slice %arg5[%mul3A_75, %dma_wait3A_78] : memref<80x125xi32, #tpu.memory_space<vmem>> -> memref<1x125xi32, #tpu.memory_space<vmem>>
      %dma_wait3A_80 = tpu.memref_squeeze %dma_wait3A_79 : memref<1x125xi32, #tpu.memory_space<vmem>> -> memref<125xi32, #tpu.memory_space<vmem>>
      %dma_wait3A_81 = arith.constant 0 : i32
      %dma_wait3A_82 = tpu.memref_slice %arg7[%dma_wait3A_81] : memref<10240xf32, #tpu.memory_space<vmem_shared>> -> memref<10240xf32, #tpu.memory_space<vmem_shared>>
      tpu.wait_indirect_dma semaphore(%arg8 : memref<!tpu.dma_semaphore, #tpu.memory_space<semaphore_mem>>) src(%dma_wait3A_77 : memref<125xf32, #tpu.memory_space<vmem>>) dst(%dma_wait3A_82 : memref<10240xf32, #tpu.memory_space<vmem_shared>>)
      %add3A_83 = arith.constant 2 : i32
      %add3A_84 = arith.addi %mul3A_75, %add3A_83 : i32
      %dma_start3A_85 = arith.constant 0 : i32
      %dma_start3A_86 = tpu.memref_slice %arg6[%dma_start3A_85] : memref<128xf32, #tpu.memory_space<vmem>> -> memref<125xf32, #tpu.memory_space<vmem>>
      %dma_start3A_87 = arith.constant 0 : i32
      %dma_start3A_88 = tpu.memref_slice %arg5[%add3A_84, %dma_start3A_87] : memref<80x125xi32, #tpu.memory_space<vmem>> -> memref<1x125xi32, #tpu.memory_space<vmem>>
      %dma_start3A_89 = tpu.memref_squeeze %dma_start3A_88 : memref<1x125xi32, #tpu.memory_space<vmem>> -> memref<125xi32, #tpu.memory_space<vmem>>
      %dma_start3A_90 = arith.constant 0 : i32
      %dma_start3A_91 = tpu.memref_slice %arg7[%dma_start3A_90] : memref<10240xf32, #tpu.memory_space<vmem_shared>> -> memref<10240xf32, #tpu.memory_space<vmem_shared>>
      tpu.enqueue_indirect_dma source(%dma_start3A_86 : memref<125xf32, #tpu.memory_space<vmem>>) target(%dma_start3A_91 : memref<10240xf32, #tpu.memory_space<vmem_shared>>) offsets(%dma_start3A_89 : memref<125xi32, #tpu.memory_space<vmem>>) semaphore(%arg8 : memref<!tpu.dma_semaphore, #tpu.memory_space<semaphore_mem>>) {add = true}
      %add3A_92 = arith.constant 1 : i32
      %add3A_93 = arith.addi %mul3A_75, %add3A_92 : i32
      %dma_wait3A_94 = arith.constant 0 : i32
      %dma_wait3A_95 = tpu.memref_slice %arg6[%dma_wait3A_94] : memref<128xf32, #tpu.memory_space<vmem>> -> memref<125xf32, #tpu.memory_space<vmem>>
      %dma_wait3A_96 = arith.constant 0 : i32
      %dma_wait3A_97 = tpu.memref_slice %arg5[%add3A_93, %dma_wait3A_96] : memref<80x125xi32, #tpu.memory_space<vmem>> -> memref<1x125xi32, #tpu.memory_space<vmem>>
      %dma_wait3A_98 = tpu.memref_squeeze %dma_wait3A_97 : memref<1x125xi32, #tpu.memory_space<vmem>> -> memref<125xi32, #tpu.memory_space<vmem>>
      %dma_wait3A_99 = arith.constant 0 : i32
      %dma_wait3A_100 = tpu.memref_slice %arg7[%dma_wait3A_99] : memref<10240xf32, #tpu.memory_space<vmem_shared>> -> memref<10240xf32, #tpu.memory_space<vmem_shared>>
      tpu.wait_indirect_dma semaphore(%arg9 : memref<!tpu.dma_semaphore, #tpu.memory_space<semaphore_mem>>) src(%dma_wait3A_95 : memref<125xf32, #tpu.memory_space<vmem>>) dst(%dma_wait3A_100 : memref<10240xf32, #tpu.memory_space<vmem_shared>>)
      %add3A_101 = arith.constant 3 : i32
      %add3A_102 = arith.addi %mul3A_75, %add3A_101 : i32
      %dma_start3A_103 = arith.constant 0 : i32
      %dma_start3A_104 = tpu.memref_slice %arg6[%dma_start3A_103] : memref<128xf32, #tpu.memory_space<vmem>> -> memref<125xf32, #tpu.memory_space<vmem>>
      %dma_start3A_105 = arith.constant 0 : i32
      %dma_start3A_106 = tpu.memref_slice %arg5[%add3A_102, %dma_start3A_105] : memref<80x125xi32, #tpu.memory_space<vmem>> -> memref<1x125xi32, #tpu.memory_space<vmem>>
      %dma_start3A_107 = tpu.memref_squeeze %dma_start3A_106 : memref<1x125xi32, #tpu.memory_space<vmem>> -> memref<125xi32, #tpu.memory_space<vmem>>
      %dma_start3A_108 = arith.constant 0 : i32
      %dma_start3A_109 = tpu.memref_slice %arg7[%dma_start3A_108] : memref<10240xf32, #tpu.memory_space<vmem_shared>> -> memref<10240xf32, #tpu.memory_space<vmem_shared>>
      tpu.enqueue_indirect_dma source(%dma_start3A_104 : memref<125xf32, #tpu.memory_space<vmem>>) target(%dma_start3A_109 : memref<10240xf32, #tpu.memory_space<vmem_shared>>) offsets(%dma_start3A_107 : memref<125xi32, #tpu.memory_space<vmem>>) semaphore(%arg9 : memref<!tpu.dma_semaphore, #tpu.memory_space<semaphore_mem>>) {add = true}
      %scan3A_110 = arith.constant 0 : i32
      scf.yield %scan3A_110 : i32
    }
    %scan3A_55 = arith.constant 39 : i32
    %dma_wait3A = arith.constant 78 : i32
    %dma_wait3A_56 = arith.constant 0 : i32
    %dma_wait3A_57 = tpu.memref_slice %arg6[%dma_wait3A_56] : memref<128xf32, #tpu.memory_space<vmem>> -> memref<125xf32, #tpu.memory_space<vmem>>
    %dma_wait3A_58 = arith.constant 0 : i32
    %dma_wait3A_59 = tpu.memref_slice %arg5[%dma_wait3A, %dma_wait3A_58] : memref<80x125xi32, #tpu.memory_space<vmem>> -> memref<1x125xi32, #tpu.memory_space<vmem>>
    %dma_wait3A_60 = tpu.memref_squeeze %dma_wait3A_59 : memref<1x125xi32, #tpu.memory_space<vmem>> -> memref<125xi32, #tpu.memory_space<vmem>>
    %dma_wait3A_61 = arith.constant 0 : i32
    %dma_wait3A_62 = tpu.memref_slice %arg7[%dma_wait3A_61] : memref<10240xf32, #tpu.memory_space<vmem_shared>> -> memref<10240xf32, #tpu.memory_space<vmem_shared>>
    tpu.wait_indirect_dma semaphore(%arg8 : memref<!tpu.dma_semaphore, #tpu.memory_space<semaphore_mem>>) src(%dma_wait3A_57 : memref<125xf32, #tpu.memory_space<vmem>>) dst(%dma_wait3A_62 : memref<10240xf32, #tpu.memory_space<vmem_shared>>)
    %dma_wait3A_63 = arith.constant 79 : i32
    %dma_wait3A_64 = arith.constant 0 : i32
    %dma_wait3A_65 = tpu.memref_slice %arg6[%dma_wait3A_64] : memref<128xf32, #tpu.memory_space<vmem>> -> memref<125xf32, #tpu.memory_space<vmem>>
    %dma_wait3A_66 = arith.constant 0 : i32
    %dma_wait3A_67 = tpu.memref_slice %arg5[%dma_wait3A_63, %dma_wait3A_66] : memref<80x125xi32, #tpu.memory_space<vmem>> -> memref<1x125xi32, #tpu.memory_space<vmem>>
    %dma_wait3A_68 = tpu.memref_squeeze %dma_wait3A_67 : memref<1x125xi32, #tpu.memory_space<vmem>> -> memref<125xi32, #tpu.memory_space<vmem>>
    %dma_wait3A_69 = arith.constant 0 : i32
    %dma_wait3A_70 = tpu.memref_slice %arg7[%dma_wait3A_69] : memref<10240xf32, #tpu.memory_space<vmem_shared>> -> memref<10240xf32, #tpu.memory_space<vmem_shared>>
    tpu.wait_indirect_dma semaphore(%arg9 : memref<!tpu.dma_semaphore, #tpu.memory_space<semaphore_mem>>) src(%dma_wait3A_65 : memref<125xf32, #tpu.memory_space<vmem>>) dst(%dma_wait3A_70 : memref<10240xf32, #tpu.memory_space<vmem_shared>>)
    %barrier3A_71 = arith.constant 0 : index
    tpu.barrier barrier_id(%barrier3A_71)
    "tpu.region"() ({
      %run_scoped3A_72 = tpu.sem_alloc : memref<!tpu.dma_semaphore, #tpu.memory_space<semaphore_mem>>
      %dma_start3A_73 = tpu.memref_slice %arg4[%arg0, %mul3A_34] : memref<2x10240xf32, #tpu.memory_space<hbm>> -> memref<1x640xf32, #tpu.memory_space<hbm>>
      %dma_start3A_74 = tpu.memref_squeeze %dma_start3A_73 : memref<1x640xf32, #tpu.memory_space<hbm>> -> memref<640xf32, #tpu.memory_space<hbm>>
      %dma_start3A_75 = tpu.memref_slice %arg7[%mul3A_34] : memref<10240xf32, #tpu.memory_space<vmem_shared>> -> memref<640xf32, #tpu.memory_space<vmem_shared>>
      tpu.enqueue_dma source(%dma_start3A_75 : memref<640xf32, #tpu.memory_space<vmem_shared>>) target(%dma_start3A_74 : memref<640xf32, #tpu.memory_space<hbm>>) target_semaphore(%run_scoped3A_72 : memref<!tpu.dma_semaphore, #tpu.memory_space<semaphore_mem>>)
      %dma_wait3A_76 = tpu.memref_slice %arg4[%arg0, %mul3A_34] : memref<2x10240xf32, #tpu.memory_space<hbm>> -> memref<1x640xf32, #tpu.memory_space<hbm>>
      %dma_wait3A_77 = tpu.memref_squeeze %dma_wait3A_76 : memref<1x640xf32, #tpu.memory_space<hbm>> -> memref<640xf32, #tpu.memory_space<hbm>>
      %dma_wait3A_78 = tpu.memref_slice %arg7[%mul3A_34] : memref<10240xf32, #tpu.memory_space<vmem_shared>> -> memref<640xf32, #tpu.memory_space<vmem_shared>>
      tpu.wait_dma2 semaphore(%run_scoped3A_72 : memref<!tpu.dma_semaphore, #tpu.memory_space<semaphore_mem>>) src(%dma_wait3A_78 : memref<640xf32, #tpu.memory_space<vmem_shared>>) dst(%dma_wait3A_77 : memref<640xf32, #tpu.memory_space<hbm>>)
      tpu.yield
    }) : () -> ()
    return
  }
}

module attributes {stable_mosaic.version = 14 : i64} {
  func.func @_layer_body(%arg0: i32, %arg1: memref<2000x128xf32, #tpu.memory_space<vmem>>, %arg2: memref<1x2000x128xf32, #tpu.memory_space<vmem>>, %arg3: memref<1x2000x128xf32, #tpu.memory_space<vmem>>, %arg4: memref<2000x1xf32, #tpu.memory_space<vmem>>, %arg5: memref<1x128xf32, #tpu.memory_space<vmem>>, %arg6: memref<1x128xf32, #tpu.memory_space<vmem>>, %arg7: memref<1x128xf32, #tpu.memory_space<vmem>>, %arg8: memref<128x128xf32, #tpu.memory_space<vmem>>, %arg9: memref<2000x128xf32, #tpu.memory_space<vmem>>) attributes {dimension_semantics = [#tpu.dimension_semantics<arbitrary>], iteration_bounds = array<i64: 5>, scalar_prefetch = 0 : i64, scratch_operands = 0 : i64, tpu.core_type = #tpu.core_type<tc>, window_params = [{transform_indices = @transform_0, window_bounds = array<i64: 2000, 128>}, {transform_indices = @transform_1, window_bounds = array<i64: 1, 2000, 128>}, {transform_indices = @transform_2, window_bounds = array<i64: 1, 2000, 128>}, {transform_indices = @transform_3, window_bounds = array<i64: 2000, 1>}, {pipeline_mode = #tpu.pipeline_mode<synchronous>, transform_indices = @transform_4, window_bounds = array<i64: 1, 128>}, {pipeline_mode = #tpu.pipeline_mode<synchronous>, transform_indices = @transform_5, window_bounds = array<i64: 1, 128>}, {pipeline_mode = #tpu.pipeline_mode<synchronous>, transform_indices = @transform_6, window_bounds = array<i64: 1, 128>}, {pipeline_mode = #tpu.pipeline_mode<synchronous>, transform_indices = @transform_7, window_bounds = array<i64: 128, 128>}, {transform_indices = @transform_8, window_bounds = array<i64: 2000, 128>}]} {
    %get3A = arith.constant 0 : index
    %get3A_0 = arith.constant 0 : index
    %get3A_1 = vector.load %arg4[%get3A, %get3A_0] : memref<2000x1xf32, #tpu.memory_space<vmem>>, vector<2000x1xf32>
    %get3A_2 = arith.constant 0 : index
    %get3A_3 = arith.constant 0 : index
    %get3A_4 = arith.constant 0 : index
    %get3A_5 = vector.load %arg2[%get3A_2, %get3A_3, %get3A_4] : memref<1x2000x128xf32, #tpu.memory_space<vmem>>, vector<1x2000x128xf32>
    %get3A_6 = vector.shape_cast %get3A_5 : vector<1x2000x128xf32> to vector<2000x128xf32>
    %get3A_7 = arith.constant 0 : index
    %get3A_8 = arith.constant 0 : index
    %get3A_9 = arith.constant 0 : index
    %get3A_10 = vector.load %arg3[%get3A_7, %get3A_8, %get3A_9] : memref<1x2000x128xf32, #tpu.memory_space<vmem>>, vector<1x2000x128xf32>
    %get3A_11 = vector.shape_cast %get3A_10 : vector<1x2000x128xf32> to vector<2000x128xf32>
    %add3A = arith.addf %get3A_6, %get3A_11 : vector<2000x128xf32>
    %get3A_12 = arith.constant 0 : index
    %get3A_13 = arith.constant 0 : index
    %get3A_14 = vector.load %arg1[%get3A_12, %get3A_13] : memref<2000x128xf32, #tpu.memory_space<vmem>>, vector<2000x128xf32>
    %add3A_15 = arith.addf %add3A, %get3A_14 : vector<2000x128xf32>
    %mul3A = vector.broadcast %get3A_1 : vector<2000x1xf32> to vector<2000x128xf32>
    %mul3A_16 = arith.mulf %mul3A, %add3A_15 : vector<2000x128xf32>
    %get3A_17 = arith.constant 0 : index
    %get3A_18 = arith.constant 0 : index
    %get3A_19 = vector.load %arg5[%get3A_17, %get3A_18] : memref<1x128xf32, #tpu.memory_space<vmem>>, vector<1x128xf32>
    %add3A_20 = vector.broadcast %get3A_19 : vector<1x128xf32> to vector<2000x128xf32>
    %add3A_21 = arith.addf %mul3A_16, %add3A_20 : vector<2000x128xf32>
    %get3A_22 = arith.constant 0 : index
    %get3A_23 = arith.constant 0 : index
    %get3A_24 = vector.load %arg6[%get3A_22, %get3A_23] : memref<1x128xf32, #tpu.memory_space<vmem>>, vector<1x128xf32>
    %get3A_25 = arith.constant 0 : index
    %get3A_26 = arith.constant 0 : index
    %get3A_27 = vector.load %arg7[%get3A_25, %get3A_26] : memref<1x128xf32, #tpu.memory_space<vmem>>, vector<1x128xf32>
    %max3A = arith.constant 0.000000e+00 : f32
    %max3A_28 = vector.broadcast %max3A : f32 to vector<2000x128xf32>
    %max3A_29 = arith.maximumf %add3A_21, %max3A_28 : vector<2000x128xf32>
    %reduce_sum3A = arith.constant dense<0.000000e+00> : vector<2000xf32>
    %reduce_sum3A_30 = vector.multi_reduction <add>, %max3A_29, %reduce_sum3A [1] : vector<2000x128xf32> to vector<2000xf32>
    %broadcast_in_dim3A = vector.shape_cast %reduce_sum3A_30 : vector<2000xf32> to vector<2000x1xf32>
    %div3A = arith.constant 1.280000e+02 : f32
    %div3A_31 = vector.broadcast %div3A : f32 to vector<2000x1xf32>
    %div3A_32 = arith.divf %broadcast_in_dim3A, %div3A_31 : vector<2000x1xf32>
    %sub3A = vector.broadcast %div3A_32 : vector<2000x1xf32> to vector<2000x128xf32>
    %sub3A_33 = arith.subf %max3A_29, %sub3A : vector<2000x128xf32>
    %integer_pow3A = arith.mulf %sub3A_33, %sub3A_33 : vector<2000x128xf32>
    %reduce_sum3A_34 = arith.constant dense<0.000000e+00> : vector<2000xf32>
    %reduce_sum3A_35 = vector.multi_reduction <add>, %integer_pow3A, %reduce_sum3A_34 [1] : vector<2000x128xf32> to vector<2000xf32>
    %broadcast_in_dim3A_36 = vector.shape_cast %reduce_sum3A_35 : vector<2000xf32> to vector<2000x1xf32>
    %div3A_37 = arith.constant 1.280000e+02 : f32
    %div3A_38 = vector.broadcast %div3A_37 : f32 to vector<2000x1xf32>
    %div3A_39 = arith.divf %broadcast_in_dim3A_36, %div3A_38 : vector<2000x1xf32>
    %sub3A_40 = vector.broadcast %div3A_32 : vector<2000x1xf32> to vector<2000x128xf32>
    %sub3A_41 = arith.subf %max3A_29, %sub3A_40 : vector<2000x128xf32>
    %add3A_42 = arith.constant 9.99999974E-6 : f32
    %add3A_43 = vector.broadcast %add3A_42 : f32 to vector<2000x1xf32>
    %add3A_44 = arith.addf %div3A_39, %add3A_43 : vector<2000x1xf32>
    %rsqrt3A = math.rsqrt %add3A_44 : vector<2000x1xf32>
    %mul3A_45 = vector.broadcast %rsqrt3A : vector<2000x1xf32> to vector<2000x128xf32>
    %mul3A_46 = arith.mulf %sub3A_41, %mul3A_45 : vector<2000x128xf32>
    %mul3A_47 = vector.broadcast %get3A_24 : vector<1x128xf32> to vector<2000x128xf32>
    %mul3A_48 = arith.mulf %mul3A_46, %mul3A_47 : vector<2000x128xf32>
    %add3A_49 = vector.broadcast %get3A_27 : vector<1x128xf32> to vector<2000x128xf32>
    %add3A_50 = arith.addf %mul3A_48, %add3A_49 : vector<2000x128xf32>
    %get3A_51 = arith.constant 0 : index
    %get3A_52 = arith.constant 0 : index
    %get3A_53 = vector.load %arg8[%get3A_51, %get3A_52] : memref<128x128xf32, #tpu.memory_space<vmem>>, vector<128x128xf32>
    %dot_general3A = arith.constant dense<0.000000e+00> : vector<2000x128xf32>
    %dot_general3A_54 = tpu.matmul %add3A_50, %get3A_53, %dot_general3A {dimension_numbers = #tpu.dot_dimension_numbers<[1], [0], [0], [1], [0, 0, 1, 1], [], []>, transpose_lhs_hint = false} : vector<2000x128xf32>, vector<128x128xf32>, vector<2000x128xf32> -> vector<2000x128xf32>
    %mul3A_55 = vector.broadcast %get3A_1 : vector<2000x1xf32> to vector<2000x128xf32>
    %mul3A_56 = arith.mulf %dot_general3A_54, %mul3A_55 : vector<2000x128xf32>
    %swap3A = arith.constant 0 : index
    %swap3A_57 = arith.constant 0 : index
    %swap3A_58 = vector.load %arg9[%swap3A, %swap3A_57] : memref<2000x128xf32, #tpu.memory_space<vmem>>, vector<2000x128xf32>
    tpu.vector_store %arg9[%swap3A, %swap3A_57], %mul3A_56 {strides = array<i32>} : memref<2000x128xf32, #tpu.memory_space<vmem>>, vector<2000x128xf32>,
    return
  }
  func.func @transform_0(%arg0: i32) -> (i32, i32) {
    %c0_i32 = arith.constant 0 : i32
    %c0_i32_0 = arith.constant 0 : i32
    return %arg0, %c0_i32 : i32, i32
  }
  func.func @transform_1(%arg0: i32) -> (i32, i32, i32) {
    %c0_i32 = arith.constant 0 : i32
    %c0_i32_0 = arith.constant 0 : i32
    %c0_i32_1 = arith.constant 0 : i32
    return %c0_i32, %arg0, %c0_i32_0 : i32, i32, i32
  }
  func.func @transform_2(%arg0: i32) -> (i32, i32, i32) {
    %c1_i32 = arith.constant 1 : i32
    %c0_i32 = arith.constant 0 : i32
    %c0_i32_0 = arith.constant 0 : i32
    return %c1_i32, %arg0, %c0_i32 : i32, i32, i32
  }
  func.func @transform_3(%arg0: i32) -> (i32, i32) {
    %c0_i32 = arith.constant 0 : i32
    %c0_i32_0 = arith.constant 0 : i32
    return %arg0, %c0_i32 : i32, i32
  }
  func.func @transform_4(%arg0: i32) -> (i32, i32) {
    %c0_i32 = arith.constant 0 : i32
    %c0_i32_0 = arith.constant 0 : i32
    %c0_i32_1 = arith.constant 0 : i32
    return %c0_i32, %c0_i32_0 : i32, i32
  }
  func.func @transform_5(%arg0: i32) -> (i32, i32) {
    %c0_i32 = arith.constant 0 : i32
    %c0_i32_0 = arith.constant 0 : i32
    %c0_i32_1 = arith.constant 0 : i32
    return %c0_i32, %c0_i32_0 : i32, i32
  }
  func.func @transform_6(%arg0: i32) -> (i32, i32) {
    %c0_i32 = arith.constant 0 : i32
    %c0_i32_0 = arith.constant 0 : i32
    %c0_i32_1 = arith.constant 0 : i32
    return %c0_i32, %c0_i32_0 : i32, i32
  }
  func.func @transform_7(%arg0: i32) -> (i32, i32) {
    %c0_i32 = arith.constant 0 : i32
    %c0_i32_0 = arith.constant 0 : i32
    %c0_i32_1 = arith.constant 0 : i32
    return %c0_i32, %c0_i32_0 : i32, i32
  }
  func.func @transform_8(%arg0: i32) -> (i32, i32) {
    %c0_i32 = arith.constant 0 : i32
    %c0_i32_0 = arith.constant 0 : i32
    return %arg0, %c0_i32 : i32, i32
  }
}

module attributes {stable_mosaic.version = 14 : i64} {
  func.func @_dis_body(%arg0: memref<2x10240xf32, #tpu.memory_space<vmem>>, %arg1: memref<10240x1xf32, #tpu.memory_space<vmem>>) attributes {dimension_semantics = [], scalar_prefetch = 0 : i64, scratch_operands = 0 : i64, tpu.core_type = #tpu.core_type<tc>} {
    %get3A = arith.constant 0 : index
    %get3A_0 = arith.constant 0 : index
    %get3A_1 = vector.load %arg0[%get3A, %get3A_0] : memref<2x10240xf32, #tpu.memory_space<vmem>>, vector<2x10240xf32>
    %slice3A = vector.extract_strided_slice %get3A_1 {offsets = [0, 0], sizes = [1, 10240], strides = [1, 1]} : vector<2x10240xf32> to vector<1x10240xf32>
    %slice3A_2 = vector.extract_strided_slice %get3A_1 {offsets = [1, 0], sizes = [1, 10240], strides = [1, 1]} : vector<2x10240xf32> to vector<1x10240xf32>
    %add3A = arith.addf %slice3A, %slice3A_2 : vector<1x10240xf32>
    %add3A_3 = arith.constant 1.000000e+00 : f32
    %add3A_4 = vector.broadcast %add3A_3 : f32 to vector<1x10240xf32>
    %add3A_5 = arith.addf %add3A, %add3A_4 : vector<1x10240xf32>
    %rsqrt3A = math.rsqrt %add3A_5 : vector<1x10240xf32>
    %transpose3A = tpu.transpose %rsqrt3A, [1, 0] : vector<1x10240xf32> -> vector<10240x1xf32>
    %swap3A = arith.constant 0 : index
    %swap3A_6 = arith.constant 0 : index
    %swap3A_7 = vector.load %arg1[%swap3A, %swap3A_6] : memref<10240x1xf32, #tpu.memory_space<vmem>>, vector<10240x1xf32>
    tpu.vector_store %arg1[%swap3A, %swap3A_6], %transpose3A {strides = array<i32>} : memref<10240x1xf32, #tpu.memory_space<vmem>>, vector<10240x1xf32>,
    return
  }
}

module attributes {stable_mosaic.version = 14 : i64} {
  func.func @_stage0_body(%arg0: i32, %arg1: memref<2000x128xf32, #tpu.memory_space<vmem>>, %arg2: memref<128x128xf32, #tpu.memory_space<vmem>>, %arg3: memref<2000x1xf32, #tpu.memory_space<vmem>>, %arg4: memref<2000x128xf32, #tpu.memory_space<vmem>>) attributes {dimension_semantics = [#tpu.dimension_semantics<arbitrary>], iteration_bounds = array<i64: 5>, scalar_prefetch = 0 : i64, scratch_operands = 0 : i64, tpu.core_type = #tpu.core_type<tc>, window_params = [{transform_indices = @transform_0, window_bounds = array<i64: 2000, 128>}, {pipeline_mode = #tpu.pipeline_mode<synchronous>, transform_indices = @transform_1, window_bounds = array<i64: 128, 128>}, {transform_indices = @transform_2, window_bounds = array<i64: 2000, 1>}, {transform_indices = @transform_3, window_bounds = array<i64: 2000, 128>}]} {
    %get3A = arith.constant 0 : index
    %get3A_0 = arith.constant 0 : index
    %get3A_1 = vector.load %arg1[%get3A, %get3A_0] : memref<2000x128xf32, #tpu.memory_space<vmem>>, vector<2000x128xf32>
    %get3A_2 = arith.constant 0 : index
    %get3A_3 = arith.constant 0 : index
    %get3A_4 = vector.load %arg2[%get3A_2, %get3A_3] : memref<128x128xf32, #tpu.memory_space<vmem>>, vector<128x128xf32>
    %dot_general3A = arith.constant dense<0.000000e+00> : vector<2000x128xf32>
    %dot_general3A_5 = tpu.matmul %get3A_1, %get3A_4, %dot_general3A {dimension_numbers = #tpu.dot_dimension_numbers<[1], [0], [0], [1], [0, 0, 1, 1], [], []>, transpose_lhs_hint = false} : vector<2000x128xf32>, vector<128x128xf32>, vector<2000x128xf32> -> vector<2000x128xf32>
    %get3A_6 = arith.constant 0 : index
    %get3A_7 = arith.constant 0 : index
    %get3A_8 = vector.load %arg3[%get3A_6, %get3A_7] : memref<2000x1xf32, #tpu.memory_space<vmem>>, vector<2000x1xf32>
    %mul3A = vector.broadcast %get3A_8 : vector<2000x1xf32> to vector<2000x128xf32>
    %mul3A_9 = arith.mulf %dot_general3A_5, %mul3A : vector<2000x128xf32>
    %swap3A = arith.constant 0 : index
    %swap3A_10 = arith.constant 0 : index
    %swap3A_11 = vector.load %arg4[%swap3A, %swap3A_10] : memref<2000x128xf32, #tpu.memory_space<vmem>>, vector<2000x128xf32>
    tpu.vector_store %arg4[%swap3A, %swap3A_10], %mul3A_9 {strides = array<i32>} : memref<2000x128xf32, #tpu.memory_space<vmem>>, vector<2000x128xf32>,
    return
  }
  func.func @transform_0(%arg0: i32) -> (i32, i32) {
    %c0_i32 = arith.constant 0 : i32
    %c0_i32_0 = arith.constant 0 : i32
    return %arg0, %c0_i32 : i32, i32
  }
  func.func @transform_1(%arg0: i32) -> (i32, i32) {
    %c0_i32 = arith.constant 0 : i32
    %c0_i32_0 = arith.constant 0 : i32
    %c0_i32_1 = arith.constant 0 : i32
    return %c0_i32, %c0_i32_0 : i32, i32
  }
  func.func @transform_2(%arg0: i32) -> (i32, i32) {
    %c0_i32 = arith.constant 0 : i32
    %c0_i32_0 = arith.constant 0 : i32
    return %arg0, %c0_i32 : i32, i32
  }
  func.func @transform_3(%arg0: i32) -> (i32, i32) {
    %c0_i32 = arith.constant 0 : i32
    %c0_i32_0 = arith.constant 0 : i32
    return %arg0, %c0_i32 : i32, i32
  }
}

module attributes {stable_mosaic.version = 14 : i64} {
  func.func @_final_body(%arg0: i32, %arg1: memref<2000x128xf32, #tpu.memory_space<vmem>>, %arg2: memref<1x2000x128xf32, #tpu.memory_space<vmem>>, %arg3: memref<1x2000x128xf32, #tpu.memory_space<vmem>>, %arg4: memref<2000x1xf32, #tpu.memory_space<vmem>>, %arg5: memref<1x128xf32, #tpu.memory_space<vmem>>, %arg6: memref<1x128xf32, #tpu.memory_space<vmem>>, %arg7: memref<1x128xf32, #tpu.memory_space<vmem>>, %arg8: memref<128x256xf32, #tpu.memory_space<vmem>>, %arg9: memref<1x256xf32, #tpu.memory_space<vmem>>, %arg10: memref<256x128xf32, #tpu.memory_space<vmem>>, %arg11: memref<1x128xf32, #tpu.memory_space<vmem>>, %arg12: memref<128x64xf32, #tpu.memory_space<vmem>>, %arg13: memref<1x64xf32, #tpu.memory_space<vmem>>, %arg14: memref<2000x128xf32, #tpu.memory_space<vmem>>, %arg15: memref<2000x64xf32, #tpu.memory_space<vmem>>) attributes {dimension_semantics = [#tpu.dimension_semantics<arbitrary>], iteration_bounds = array<i64: 5>, scalar_prefetch = 0 : i64, scratch_operands = 0 : i64, tpu.core_type = #tpu.core_type<tc>, window_params = [{transform_indices = @transform_0, window_bounds = array<i64: 2000, 128>}, {transform_indices = @transform_1, window_bounds = array<i64: 1, 2000, 128>}, {transform_indices = @transform_2, window_bounds = array<i64: 1, 2000, 128>}, {transform_indices = @transform_3, window_bounds = array<i64: 2000, 1>}, {pipeline_mode = #tpu.pipeline_mode<synchronous>, transform_indices = @transform_4, window_bounds = array<i64: 1, 128>}, {pipeline_mode = #tpu.pipeline_mode<synchronous>, transform_indices = @transform_5, window_bounds = array<i64: 1, 128>}, {pipeline_mode = #tpu.pipeline_mode<synchronous>, transform_indices = @transform_6, window_bounds = array<i64: 1, 128>}, {pipeline_mode = #tpu.pipeline_mode<synchronous>, transform_indices = @transform_7, window_bounds = array<i64: 128, 256>}, {pipeline_mode = #tpu.pipeline_mode<synchronous>, transform_indices = @transform_8, window_bounds = array<i64: 1, 256>}, {pipeline_mode = #tpu.pipeline_mode<synchronous>, transform_indices = @transform_9, window_bounds = array<i64: 256, 128>}, {pipeline_mode = #tpu.pipeline_mode<synchronous>, transform_indices = @transform_10, window_bounds = array<i64: 1, 128>}, {pipeline_mode = #tpu.pipeline_mode<synchronous>, transform_indices = @transform_11, window_bounds = array<i64: 128, 64>}, {pipeline_mode = #tpu.pipeline_mode<synchronous>, transform_indices = @transform_12, window_bounds = array<i64: 1, 64>}, {transform_indices = @transform_13, window_bounds = array<i64: 2000, 128>}, {transform_indices = @transform_14, window_bounds = array<i64: 2000, 64>}]} {
    %get3A = arith.constant 0 : index
    %get3A_0 = arith.constant 0 : index
    %get3A_1 = vector.load %arg4[%get3A, %get3A_0] : memref<2000x1xf32, #tpu.memory_space<vmem>>, vector<2000x1xf32>
    %get3A_2 = arith.constant 0 : index
    %get3A_3 = arith.constant 0 : index
    %get3A_4 = arith.constant 0 : index
    %get3A_5 = vector.load %arg2[%get3A_2, %get3A_3, %get3A_4] : memref<1x2000x128xf32, #tpu.memory_space<vmem>>, vector<1x2000x128xf32>
    %get3A_6 = vector.shape_cast %get3A_5 : vector<1x2000x128xf32> to vector<2000x128xf32>
    %get3A_7 = arith.constant 0 : index
    %get3A_8 = arith.constant 0 : index
    %get3A_9 = arith.constant 0 : index
    %get3A_10 = vector.load %arg3[%get3A_7, %get3A_8, %get3A_9] : memref<1x2000x128xf32, #tpu.memory_space<vmem>>, vector<1x2000x128xf32>
    %get3A_11 = vector.shape_cast %get3A_10 : vector<1x2000x128xf32> to vector<2000x128xf32>
    %add3A = arith.addf %get3A_6, %get3A_11 : vector<2000x128xf32>
    %get3A_12 = arith.constant 0 : index
    %get3A_13 = arith.constant 0 : index
    %get3A_14 = vector.load %arg1[%get3A_12, %get3A_13] : memref<2000x128xf32, #tpu.memory_space<vmem>>, vector<2000x128xf32>
    %add3A_15 = arith.addf %add3A, %get3A_14 : vector<2000x128xf32>
    %mul3A = vector.broadcast %get3A_1 : vector<2000x1xf32> to vector<2000x128xf32>
    %mul3A_16 = arith.mulf %mul3A, %add3A_15 : vector<2000x128xf32>
    %get3A_17 = arith.constant 0 : index
    %get3A_18 = arith.constant 0 : index
    %get3A_19 = vector.load %arg5[%get3A_17, %get3A_18] : memref<1x128xf32, #tpu.memory_space<vmem>>, vector<1x128xf32>
    %add3A_20 = vector.broadcast %get3A_19 : vector<1x128xf32> to vector<2000x128xf32>
    %add3A_21 = arith.addf %mul3A_16, %add3A_20 : vector<2000x128xf32>
    %swap3A = arith.constant 0 : index
    %swap3A_22 = arith.constant 0 : index
    %swap3A_23 = vector.load %arg14[%swap3A, %swap3A_22] : memref<2000x128xf32, #tpu.memory_space<vmem>>, vector<2000x128xf32>
    tpu.vector_store %arg14[%swap3A, %swap3A_22], %add3A_21 {strides = array<i32>} : memref<2000x128xf32, #tpu.memory_space<vmem>>, vector<2000x128xf32>,
    %get3A_24 = arith.constant 0 : index
    %get3A_25 = arith.constant 0 : index
    %get3A_26 = vector.load %arg6[%get3A_24, %get3A_25] : memref<1x128xf32, #tpu.memory_space<vmem>>, vector<1x128xf32>
    %get3A_27 = arith.constant 0 : index
    %get3A_28 = arith.constant 0 : index
    %get3A_29 = vector.load %arg7[%get3A_27, %get3A_28] : memref<1x128xf32, #tpu.memory_space<vmem>>, vector<1x128xf32>
    %max3A = arith.constant 0.000000e+00 : f32
    %max3A_30 = vector.broadcast %max3A : f32 to vector<2000x128xf32>
    %max3A_31 = arith.maximumf %add3A_21, %max3A_30 : vector<2000x128xf32>
    %reduce_sum3A = arith.constant dense<0.000000e+00> : vector<2000xf32>
    %reduce_sum3A_32 = vector.multi_reduction <add>, %max3A_31, %reduce_sum3A [1] : vector<2000x128xf32> to vector<2000xf32>
    %broadcast_in_dim3A = vector.shape_cast %reduce_sum3A_32 : vector<2000xf32> to vector<2000x1xf32>
    %div3A = arith.constant 1.280000e+02 : f32
    %div3A_33 = vector.broadcast %div3A : f32 to vector<2000x1xf32>
    %div3A_34 = arith.divf %broadcast_in_dim3A, %div3A_33 : vector<2000x1xf32>
    %sub3A = vector.broadcast %div3A_34 : vector<2000x1xf32> to vector<2000x128xf32>
    %sub3A_35 = arith.subf %max3A_31, %sub3A : vector<2000x128xf32>
    %integer_pow3A = arith.mulf %sub3A_35, %sub3A_35 : vector<2000x128xf32>
    %reduce_sum3A_36 = arith.constant dense<0.000000e+00> : vector<2000xf32>
    %reduce_sum3A_37 = vector.multi_reduction <add>, %integer_pow3A, %reduce_sum3A_36 [1] : vector<2000x128xf32> to vector<2000xf32>
    %broadcast_in_dim3A_38 = vector.shape_cast %reduce_sum3A_37 : vector<2000xf32> to vector<2000x1xf32>
    %div3A_39 = arith.constant 1.280000e+02 : f32
    %div3A_40 = vector.broadcast %div3A_39 : f32 to vector<2000x1xf32>
    %div3A_41 = arith.divf %broadcast_in_dim3A_38, %div3A_40 : vector<2000x1xf32>
    %sub3A_42 = vector.broadcast %div3A_34 : vector<2000x1xf32> to vector<2000x128xf32>
    %sub3A_43 = arith.subf %max3A_31, %sub3A_42 : vector<2000x128xf32>
    %add3A_44 = arith.constant 9.99999974E-6 : f32
    %add3A_45 = vector.broadcast %add3A_44 : f32 to vector<2000x1xf32>
    %add3A_46 = arith.addf %div3A_41, %add3A_45 : vector<2000x1xf32>
    %rsqrt3A = math.rsqrt %add3A_46 : vector<2000x1xf32>
    %mul3A_47 = vector.broadcast %rsqrt3A : vector<2000x1xf32> to vector<2000x128xf32>
    %mul3A_48 = arith.mulf %sub3A_43, %mul3A_47 : vector<2000x128xf32>
    %mul3A_49 = vector.broadcast %get3A_26 : vector<1x128xf32> to vector<2000x128xf32>
    %mul3A_50 = arith.mulf %mul3A_48, %mul3A_49 : vector<2000x128xf32>
    %add3A_51 = vector.broadcast %get3A_29 : vector<1x128xf32> to vector<2000x128xf32>
    %add3A_52 = arith.addf %mul3A_50, %add3A_51 : vector<2000x128xf32>
    %get3A_53 = arith.constant 0 : index
    %get3A_54 = arith.constant 0 : index
    %get3A_55 = vector.load %arg8[%get3A_53, %get3A_54] : memref<128x256xf32, #tpu.memory_space<vmem>>, vector<128x256xf32>
    %dot_general3A = arith.constant dense<0.000000e+00> : vector<2000x256xf32>
    %dot_general3A_56 = tpu.matmul %add3A_52, %get3A_55, %dot_general3A {dimension_numbers = #tpu.dot_dimension_numbers<[1], [0], [0], [1], [0, 0, 1, 1], [], []>, transpose_lhs_hint = false} : vector<2000x128xf32>, vector<128x256xf32>, vector<2000x256xf32> -> vector<2000x256xf32>
    %get3A_57 = arith.constant 0 : index
    %get3A_58 = arith.constant 0 : index
    %get3A_59 = vector.load %arg9[%get3A_57, %get3A_58] : memref<1x256xf32, #tpu.memory_space<vmem>>, vector<1x256xf32>
    %add3A_60 = vector.broadcast %get3A_59 : vector<1x256xf32> to vector<2000x256xf32>
    %add3A_61 = arith.addf %dot_general3A_56, %add3A_60 : vector<2000x256xf32>
    %get3A_62 = arith.constant 0 : index
    %get3A_63 = arith.constant 0 : index
    %get3A_64 = vector.load %arg10[%get3A_62, %get3A_63] : memref<256x128xf32, #tpu.memory_space<vmem>>, vector<256x128xf32>
    %dot_general3A_65 = arith.constant dense<0.000000e+00> : vector<2000x128xf32>
    %dot_general3A_66 = tpu.matmul %add3A_61, %get3A_64, %dot_general3A_65 {dimension_numbers = #tpu.dot_dimension_numbers<[1], [0], [0], [1], [0, 0, 1, 1], [], []>, transpose_lhs_hint = false} : vector<2000x256xf32>, vector<256x128xf32>, vector<2000x128xf32> -> vector<2000x128xf32>
    %get3A_67 = arith.constant 0 : index
    %get3A_68 = arith.constant 0 : index
    %get3A_69 = vector.load %arg11[%get3A_67, %get3A_68] : memref<1x128xf32, #tpu.memory_space<vmem>>, vector<1x128xf32>
    %add3A_70 = vector.broadcast %get3A_69 : vector<1x128xf32> to vector<2000x128xf32>
    %add3A_71 = arith.addf %dot_general3A_66, %add3A_70 : vector<2000x128xf32>
    %get3A_72 = arith.constant 0 : index
    %get3A_73 = arith.constant 0 : index
    %get3A_74 = vector.load %arg12[%get3A_72, %get3A_73] : memref<128x64xf32, #tpu.memory_space<vmem>>, vector<128x64xf32>
    %dot_general3A_75 = arith.constant dense<0.000000e+00> : vector<2000x64xf32>
    %dot_general3A_76 = tpu.matmul %add3A_71, %get3A_74, %dot_general3A_75 {dimension_numbers = #tpu.dot_dimension_numbers<[1], [0], [0], [1], [0, 0, 1, 1], [], []>, transpose_lhs_hint = false} : vector<2000x128xf32>, vector<128x64xf32>, vector<2000x64xf32> -> vector<2000x64xf32>
    %get3A_77 = arith.constant 0 : index
    %get3A_78 = arith.constant 0 : index
    %get3A_79 = vector.load %arg13[%get3A_77, %get3A_78] : memref<1x64xf32, #tpu.memory_space<vmem>>, vector<1x64xf32>
    %add3A_80 = vector.broadcast %get3A_79 : vector<1x64xf32> to vector<2000x64xf32>
    %add3A_81 = arith.addf %dot_general3A_76, %add3A_80 : vector<2000x64xf32>
    %reduce_max3A = arith.constant dense<0xFF800000> : vector<2000xf32>
    %reduce_max3A_82 = vector.multi_reduction <maximumf>, %add3A_81, %reduce_max3A [1] : vector<2000x64xf32> to vector<2000xf32>
    %broadcast_in_dim3A_83 = vector.shape_cast %reduce_max3A_82 : vector<2000xf32> to vector<2000x1xf32>
    %sub3A_84 = vector.broadcast %broadcast_in_dim3A_83 : vector<2000x1xf32> to vector<2000x64xf32>
    %sub3A_85 = arith.subf %add3A_81, %sub3A_84 : vector<2000x64xf32>
    %exp3A = math.exp %sub3A_85 : vector<2000x64xf32>
    %reduce_sum3A_86 = arith.constant dense<0.000000e+00> : vector<2000xf32>
    %reduce_sum3A_87 = vector.multi_reduction <add>, %exp3A, %reduce_sum3A_86 [1] : vector<2000x64xf32> to vector<2000xf32>
    %broadcast_in_dim3A_88 = vector.shape_cast %reduce_sum3A_87 : vector<2000xf32> to vector<2000x1xf32>
    %log3A = math.log %broadcast_in_dim3A_88 : vector<2000x1xf32>
    %sub3A_89 = vector.broadcast %log3A : vector<2000x1xf32> to vector<2000x64xf32>
    %sub3A_90 = arith.subf %sub3A_85, %sub3A_89 : vector<2000x64xf32>
    %swap3A_91 = arith.constant 0 : index
    %swap3A_92 = arith.constant 0 : index
    %swap3A_93 = vector.load %arg15[%swap3A_91, %swap3A_92] : memref<2000x64xf32, #tpu.memory_space<vmem>>, vector<2000x64xf32>
    tpu.vector_store %arg15[%swap3A_91, %swap3A_92], %sub3A_90 {strides = array<i32>} : memref<2000x64xf32, #tpu.memory_space<vmem>>, vector<2000x64xf32>,
    return
  }
  func.func @transform_0(%arg0: i32) -> (i32, i32) {
    %c0_i32 = arith.constant 0 : i32
    %c0_i32_0 = arith.constant 0 : i32
    return %arg0, %c0_i32 : i32, i32
  }
  func.func @transform_1(%arg0: i32) -> (i32, i32, i32) {
    %c0_i32 = arith.constant 0 : i32
    %c0_i32_0 = arith.constant 0 : i32
    %c0_i32_1 = arith.constant 0 : i32
    return %c0_i32, %arg0, %c0_i32_0 : i32, i32, i32
  }
  func.func @transform_2(%arg0: i32) -> (i32, i32, i32) {
    %c1_i32 = arith.constant 1 : i32
    %c0_i32 = arith.constant 0 : i32
    %c0_i32_0 = arith.constant 0 : i32
    return %c1_i32, %arg0, %c0_i32 : i32, i32, i32
  }
  func.func @transform_3(%arg0: i32) -> (i32, i32) {
    %c0_i32 = arith.constant 0 : i32
    %c0_i32_0 = arith.constant 0 : i32
    return %arg0, %c0_i32 : i32, i32
  }
  func.func @transform_4(%arg0: i32) -> (i32, i32) {
    %c0_i32 = arith.constant 0 : i32
    %c0_i32_0 = arith.constant 0 : i32
    %c0_i32_1 = arith.constant 0 : i32
    return %c0_i32, %c0_i32_0 : i32, i32
  }
  func.func @transform_5(%arg0: i32) -> (i32, i32) {
    %c0_i32 = arith.constant 0 : i32
    %c0_i32_0 = arith.constant 0 : i32
    %c0_i32_1 = arith.constant 0 : i32
    return %c0_i32, %c0_i32_0 : i32, i32
  }
  func.func @transform_6(%arg0: i32) -> (i32, i32) {
    %c0_i32 = arith.constant 0 : i32
    %c0_i32_0 = arith.constant 0 : i32
    %c0_i32_1 = arith.constant 0 : i32
    return %c0_i32, %c0_i32_0 : i32, i32
  }
  func.func @transform_7(%arg0: i32) -> (i32, i32) {
    %c0_i32 = arith.constant 0 : i32
    %c0_i32_0 = arith.constant 0 : i32
    %c0_i32_1 = arith.constant 0 : i32
    return %c0_i32, %c0_i32_0 : i32, i32
  }
  func.func @transform_8(%arg0: i32) -> (i32, i32) {
    %c0_i32 = arith.constant 0 : i32
    %c0_i32_0 = arith.constant 0 : i32
    %c0_i32_1 = arith.constant 0 : i32
    return %c0_i32, %c0_i32_0 : i32, i32
  }
  func.func @transform_9(%arg0: i32) -> (i32, i32) {
    %c0_i32 = arith.constant 0 : i32
    %c0_i32_0 = arith.constant 0 : i32
    %c0_i32_1 = arith.constant 0 : i32
    return %c0_i32, %c0_i32_0 : i32, i32
  }
  func.func @transform_10(%arg0: i32) -> (i32, i32) {
    %c0_i32 = arith.constant 0 : i32
    %c0_i32_0 = arith.constant 0 : i32
    %c0_i32_1 = arith.constant 0 : i32
    return %c0_i32, %c0_i32_0 : i32, i32
  }
  func.func @transform_11(%arg0: i32) -> (i32, i32) {
    %c0_i32 = arith.constant 0 : i32
    %c0_i32_0 = arith.constant 0 : i32
    %c0_i32_1 = arith.constant 0 : i32
    return %c0_i32, %c0_i32_0 : i32, i32
  }
  func.func @transform_12(%arg0: i32) -> (i32, i32) {
    %c0_i32 = arith.constant 0 : i32
    %c0_i32_0 = arith.constant 0 : i32
    %c0_i32_1 = arith.constant 0 : i32
    return %c0_i32, %c0_i32_0 : i32, i32
  }
  func.func @transform_13(%arg0: i32) -> (i32, i32) {
    %c0_i32 = arith.constant 0 : i32
    %c0_i32_0 = arith.constant 0 : i32
    return %arg0, %c0_i32 : i32, i32
  }
  func.func @transform_14(%arg0: i32) -> (i32, i32) {
    %c0_i32 = arith.constant 0 : i32
    %c0_i32_0 = arith.constant 0 : i32
    return %arg0, %c0_i32 : i32, i32
  }
}

</mosaic_0001>

<sc_bundles>
// kernel: kernel.11.cloned.1.call-start
scs
__scs_entry_jumppad:
0x0: {  	(pc) =	sbr.rel $0x88, $3  }
0x1: {  	(tag) =	ssettag $0x0;
	lr =	simm.s32 $0x1  }
0x2: {  	[smem:$0x3F8D] =	sst lr;
	_ =	strace $0xD0000000  }
0x3: {  	_ = 	snop  }
0x4: {  	_ = 	snop  }
0x5: {  	_ = 	snop  }
0x6: {  	_ = 	snop  }
0x7: {  	_ = 	snop  }
__scs_overlays_trampoline_lowered:
0x8: {  	[smem:$0x3F9C] =	sst s0  }
0x9: {  	[smem:$0x3F9D] =	sst s1  }
0xa: {  	[smem:$0x3F9E] =	sst s2  }
0xb: {  	[smem:$0x3F9F] =	sst s3  }
0xc: {  	[smem:$0x3FA0] =	sst s4  }
0xd: {  	[smem:$0x3FA1] =	sst s5  }
0xe: {  	[smem:$0x3FA2] =	sst s6  }
0xf: {  	[smem:$0x3FA3] =	sst s7  }
0x10: {  	[smem:$0x3FA4] =	sst s8  }
0x11: {  	[smem:$0x3FA5] =	sst s9;
	s0 =	simm.s32 @!p0 $0x0  }
0x12: {  	s1 =	sld [smem:$0x3F8B];
	s0 =	simm.s32 @p0 $0x1  }
0x13: {  	[smem:$0x3FA6] =	sst s0;
	s0 =	simm.s32 @!p1 $0x0  }
0x14: {  	s2 =	sld [smem:$0x3F8A];
	s0 =	simm.s32 @p1 $0x1  }
0x15: {  	[smem:$0x3FA7] =	sst s0;
	s0 =	simm.s32 @!p2 $0x0  }
0x16: {  	s3 =	sld [smem:$0x3FDB];
	s0 =	simm.s32 @p2 $0x1  }
0x17: {  	s4 =	simm.s32 $0x1BF5;
	[smem:$0x3FA9] =	sst s0  }
0x18: {  	s0 =	sld [smem:$0x3F8C];
	_ =	swait.ge [sflag:s4], $0x0  }
0x19: {  	s7 =	sld [smem:$0x3F8D]  }
0x1a: {  	s8 =	sadd.s32 $0xFFFFE003, lr  }
0x1b: {  	s9 =	sadd.s32 $0xFFFFFEF7, lr;
	s5 =	simm.s32 $0xFFFFFFFF;
	p2 =	slt.u32 s8, $0xFFFFF086  }
0x1c: {  	p1 =	slt.u32 s9, $0xF7A;
	s5 =	simm.s32 @!p2 $0x0  }
0x1d: {  	s5 =	simm.s32 @p1 $0x1;
	p0 =	seq.s32 s7, s2  }
0x1e: {  	s7 =	smul.u32 @!p0 $0xF7A, s2;
	p2 =	seq.s32 @!p0 s5, $0x0  }
0x1f: {  	s9 =	smul.u32 $0xF7A, s1;
	s8 =	simm.s32 @!p0 $0x1BF5;
	p2 =	por !p2, p0  }
0x20: {  	[sflag:s8] =	ssyncset.s32 @!p0 $0xFFFFF086;
	s6 =	sadd.s32 @!p0 s3, s7;
	s7 =	simm.s32 @!p0 $0x108  }
0x21: {  	s3 =	sadd.s32 s3, s9;
	s6 =	sadd.s32 @!p0 $0x88, s6;
	s7 =	simm.s32 @p2 $0x1082  }
0x22: {  	[simem:s7], [sflag:s8] =	dma.local @!p0 [hbm:s6], $0xF7A  }
0x23: {  	s9 =	sor.u32 $0xD0000000, s2;
	s6 =	simm.s32 $0x108;
	_ =	swait.ge @!p0 [sflag:s8], $0x0  }
0x24: {  	s3 =	sadd.s32 $0x88, s3;
	s6 =	simm.s32 @!p1 $0x1082;
	[sflag:s4] =	ssyncset.s32 $0xFFFFF086  }
0x25: {  	[simem:s6], [sflag:s4] =	dma.local [hbm:s3], $0xF7A  }
0x26: {  	[smem:$0x3F8D] =	sst s1;
	(tag) =	ssettag s2;
	_ =	strace s9  }
0x27: {  	s1 =	sld [smem:$0x3F9D]  }
0x28: {  	s2 =	sld [smem:$0x3F9E]  }
0x29: {  	s4 =	sld [smem:$0x3FA0]  }
0x2a: {  	p0 =	seq.s32 s5, $0x0;
	s5 =	sld [smem:$0x3FA1]  }
0x2b: {  	s6 =	sld [smem:$0x3FA2]  }
0x2c: {  	s7 =	sld [smem:$0x3FA3]  }
0x2d: {  	s3 =	simm.s32 $0x108;
	s8 =	sld [smem:$0x3FA4]  }
0x2e: {  	s3 =	simm.s32 @!p0 $0x1082;
	s9 =	sld [smem:$0x3FA5]  }
0x2f: {  	lr =	sadd.s32 s0, s3;
	s0 =	sld [smem:$0x3F9C]  }
0x30: {  	s3 =	sld [smem:$0x3F9F]  }
0x31: {  	[smem:$0x3FA8] =	sst s10  }
0x32: {  	s10 =	sld [smem:$0x3FA6];
	_ =	sdelay $0x3  }
0x33: {  	p0 =	seq.s32 s10, $0x1;
	s10 =	sld [smem:$0x3FA8];
	_ =	sdelay $0x3  }
0x34: {  	[smem:$0x3FA8] =	sst s10  }
0x35: {  	s10 =	sld [smem:$0x3FA7];
	_ =	sdelay $0x3  }
0x36: {  	p1 =	seq.s32 s10, $0x1;
	s10 =	sld [smem:$0x3FA8];
	_ =	sdelay $0x3  }
0x37: {  	[smem:$0x3FA8] =	sst s10  }
0x38: {  	s10 =	sld [smem:$0x3FA9]  }
0x39: {  	_ = 	snop;
	(pc) =	sbr.ind lr, $3  }
0x3a: {  	_ = 	snop  }
0x3b: {  	_ = 	snop  }
0x3c: {  	p2 =	seq.s32 s10, $0x1;
	s10 =	sld [smem:$0x3FA8]  }
0x3d: {  	_ =	shalt  }
0x3e: {  	_ =	shalt  }
0x3f: {  	_ =	shalt  }
0x40: {  	_ =	shalt  }
0x41: {  	_ =	shalt  }
0x42: {  	_ =	shalt  }
0x43: {  	_ =	shalt  }
0x44: {  	_ =	shalt  }
0x45: {  	_ =	shalt  }
0x46: {  	_ =	shalt  }
0x47: {  	_ =	shalt  }
0x48: {  	_ =	shalt  }
0x49: {  	_ =	shalt  }
0x4a: {  	_ =	shalt  }
0x4b: {  	_ =	shalt  }
0x4c: {  	_ =	shalt  }
0x4d: {  	_ =	shalt  }
0x4e: {  	_ =	shalt  }
0x4f: {  	_ =	shalt  }
0x50: {  	_ =	shalt  }
0x51: {  	_ =	shalt  }
0x52: {  	_ =	shalt  }
0x53: {  	_ =	shalt  }
0x54: {  	_ =	shalt  }
0x55: {  	_ =	shalt  }
0x56: {  	_ =	shalt  }
0x57: {  	_ =	shalt  }
0x58: {  	_ =	shalt  }
0x59: {  	_ =	shalt  }
0x5a: {  	_ =	shalt  }
0x5b: {  	_ =	shalt  }
0x5c: {  	_ =	shalt  }
0x5d: {  	_ =	shalt  }
0x5e: {  	_ =	shalt  }
0x5f: {  	_ =	shalt  }
0x60: {  	_ =	shalt  }
0x61: {  	_ =	shalt  }
0x62: {  	_ =	shalt  }
0x63: {  	_ =	shalt  }
0x64: {  	_ =	shalt  }
0x65: {  	_ =	shalt  }
0x66: {  	_ =	shalt  }
0x67: {  	_ =	shalt  }
0x68: {  	_ =	shalt  }
0x69: {  	_ =	shalt  }
0x6a: {  	_ =	shalt  }
0x6b: {  	_ =	shalt  }
0x6c: {  	_ =	shalt  }
0x6d: {  	_ =	shalt  }
0x6e: {  	_ =	shalt  }
0x6f: {  	_ =	shalt  }
0x70: {  	_ =	shalt  }
0x71: {  	_ =	shalt  }
0x72: {  	_ =	shalt  }
0x73: {  	_ =	shalt  }
0x74: {  	_ =	shalt  }
0x75: {  	_ =	shalt  }
0x76: {  	_ =	shalt  }
0x77: {  	_ =	shalt  }
0x78: {  	_ =	shalt  }
0x79: {  	_ =	shalt  }
0x7a: {  	_ =	shalt  }
0x7b: {  	_ =	shalt  }
0x7c: {  	_ =	shalt  }
0x7d: {  	_ =	shalt  }
0x7e: {  	_ =	shalt  }
0x7f: {  	_ =	shalt  }
0x80: {  	_ =	shalt  }
0x81: {  	_ =	shalt  }
0x82: {  	_ =	shalt  }
0x83: {  	_ =	shalt  }
0x84: {  	_ =	shalt  }
0x85: {  	_ =	shalt  }
0x86: {  	_ =	shalt  }
0x87: {  	_ =	shalt  }
.Lfunc_end0:
.L_simem_size_0:
called_computation_lowered:
.L_overlay_start_0:
0x88: {  	s2 =	sld [smem:$0x3FD9]  }
0x89: {  	s3 =	sld [smem:$0x3FFE];
	_ =	sdelay $0x1  }
0x8a: {  	s1 =	srdreg.scid  }
0x8b: {  	s0 =	sand.u32 $0x1, s1  }
0x8c: {  	s14 =	sshll.u32 s0, $0xA;
	s2 =	sadd.s32 s3, s2  }
0x8d: {  	s2 =	sadd.s32 s2, s14  }
0x8e: {  	[smem:$0x3FB4] =	sst s2  }
0x8f: {  	_ = 	snop  }
0x90: {  	s2 =	sld [smem:$0x3FD0];
	_ =	sdelay $0x2  }
0x91: {  	s15 =	simm.s32 $0xA;
	s4 =	simm.s32 $0x10  }
0x92: {  	[smem:s4], [sflag:s15] =	dma.local [hbm:s2], $0x1  }
0x93: {  	_ =	swait.eq [sflag:s15], $0x1  }
0x94: {  	[sflag:s15] =	ssyncset.done $0x0  }
0x95: {  	s16 =	sld [smem:$0x10];
	[sflag:s15] =	ssyncadd.s32 $0xFFFFFFFF  }
0x96: {  	s17 =	sld [smem:$0x11];
	(tm) =	ssettm $0x1  }
0x97: {  	s18 =	sld [smem:$0x3FFB];
	_ =	sdelay $0x3  }
0x98: {  	_ =	strace s18  }
0x99: {  	s4 =	sld [smem:$0x3FFC];
	_ =	sdelay $0x3  }
0x9a: {  	_ =	strace s4  }
0x9b: {  	s4 =	sld [smem:$0x3FFD];
	_ =	sdelay $0x3  }
0x9c: {  	_ =	strace s4  }
0x9d: {  	_ =	strace $0x8FFFFFFF  }
0x9e: {  	s19 =	sld [smem:$0x3FDB];
	_ =	sdelay $0x1  }
0x9f: {  	s5 =	simm.s32 $_scs_section_size  }
0xa0: {  	s6 =	simm.s32 $_size__tile_overlayer_lowered;
	s7 =	simm.s32 $_tile_overlayer_lowered  }
0xa1: {  	s22 =	simm.s32 $0x1BFF;
	s21 =	sshll.u32 s7, $0x1;
	s4 =	sadd.s32 s5, s19  }
0xa2: {  	s8 =	simm.s32 $0x0;
	s20 =	sshll.u32 s6, $0x1;
	s6 =	sadd.s32 s21, s4  }
0xa3: {  	[timem:s8], [sflag:s22] =	dma.local [hbm:s6], s20  }
0xa4: {  	_ =	swait.ge [sflag:s22], s20  }
0xa5: {  	s5 =	ssub.s32 $0x0, s20;
	[sflag:s22] =	ssyncset.done $0x0  }
0xa6: {  	[sflag:s22] =	ssyncadd.s32 s5;
	_ =	sdelay $0x1  }
0xa7: {  	s23 =	simm.s32 $0x1B8B  }
0xa8: {  	_ =	swait.ge [sflag:s23], $0x1  }
0xa9: {  	[sflag:s23] =	ssyncset.done $0x0  }
0xaa: {  	s25 =	simm.s32 $0x1B8E;
	s24 =	sld [smem:$0x3FFE];
	[sflag:s23] =	ssyncadd.s32 $0xFFFFFFFF  }
0xab: {  	s26 =	simm.s32 $execute0_lowered;
	[smem:$0x3FD2] =	sst s25  }
0xac: {  	s6 =	sshll.u32 s26, $0x1;
	_ =	strace $0x80000046;
	[dreg:$0x1] =	wrdreg $0xFFFFFFFF  }
0xad: {  	s28 =	simm.s32 $_size_execute0_lowered;
	s4 =	sadd.s32 s4, s6;
	[dreg:$0x0] =	wrdreg $0x0  }
0xae: {  	s6 =	sshll.u32 s28, $0x1;
	[dreg:$0x2] =	wrdreg s4  }
0xaf: {  	[dreg:$0x3] =	wrdreg s6  }
0xb0: {  	[dreg:$0x4] =	wrdreg $0xC0  }
0xb1: {  	_ =	task [dreg:s8], $0x5FFFF  }
0xb2: {  	[dreg:$0x1] =	wrdreg $0xFFFFFFFF  }
0xb3: {  	[dreg:$0x0] =	wrdreg $0x60  }
0xb4: {  	[dreg:$0x2] =	wrdreg s24  }
0xb5: {  	[dreg:$0x3] =	wrdreg s16  }
0xb6: {  	[dreg:$0x4] =	wrdreg s17  }
0xb7: {  	[dreg:$0x5] =	wrdreg $0x28800  }
0xb8: {  	[dreg:$0x6] =	wrdreg $0x9  }
0xb9: {  	_ =	task.clear_ibuf [dreg:s8], $0x7FFFF;
	_ =	strace $0x90000046  }
0xba: {  	s29 =	simm.s32 $0x9;
	_ =	strace $0x80000048  }
0xbb: {  	_ =	swait.ge [sflag:s29], $0x1  }
0xbc: {  	[sflag:s29] =	ssyncadd.s32 $0xFFFFFFFF  }
0xbd: {  	_ =	strace $0x90000048  }
0xbe: {  	_ =	sfence  }
0xbf: {  	s30 =	sld [smem:$0x0];
	_ =	sdelay $0x2  }
0xc0: {  	s31 =	sshll.u32 s1, $0xD;
	s1 =	sshrl.u32 s1, $0x2  }
0xc1: {  	s3 =	sand.u32 $0x4000, s31;
	s1 =	sadd.s32 s1, s30  }
0xc2: {  	s0 =	sor.u32 s3, s0;
	s1 =	sshll.u32 s1, $0x11  }
0xc3: {  	s0 =	sor.u32 s1, s0  }
0xc4: {  	s0 =	sadd.s32 $0x8F2B, s0  }
0xc5: {  	[sflag:s0] =	ssyncadd.remote.s32 $0x1  }
0xc6: {  	_ =	sfence.sel $0xFFFF  }
0xc7: {  	[dreg:$0x0] =	wrdreg $0xFFFFFFFF;
	(pc) =	sbr.abs _section_cstart, $3  }
0xc8: {  	[dreg:$0x1] =	wrdreg $0xFFFFFFFF  }
0xc9: {  	_ =	task.clear_ibuf [dreg:s8], $0x2FFFF;
	_ =	strace $0x9FFFFFFF  }
0xca: {  	(tm) =	ssettm $0x7FFFFFFF  }
0xcb: {  	_ =	shalt  }
tec
execute0_lowered:
.L_overlay_start_1:
0x0: {  	(tag) =	ssettag $0x1  }
0x1: {  	s5 =	rddreg [dreg:$0x0]  }
0x2: {  	s1 =	rddreg [dreg:$0x1]  }
0x3: {  	s6 =	rddreg [dreg:$0x2]  }
0x4: {  	s2 =	srdreg.scid;
	s0 =	stileid.u32  }
0x5: {  	s3 =	rddreg [dreg:$0x3];
	s4 =	simm.s32 $0x0;
	s13 =	simm.s32 $0x80  }
0x6: {  	s14 =	simm.s32 $0x1;
	s15 =	simm.s32 $0x2;
	s16 =	simm.s32 $0x20  }
0x7: {  	s17 =	simm.s32 $0x10;
	s18 =	simm.s32 $0x0;
	s7 =	sand.u32 $0x1, s2  }
0x8: {  	s8 =	sshll.u32 s0, $0x1;
	s2 =	rddreg [dreg:$0x4];
	s11 =	smul.u32 $0x500, s0  }
0x9: {  	[smem:$0x7FF] =	sst s4;
	s12 =	smul.u32 $0xA00, s0;
	s31 =	sshll.u32 s0, $0x6  }
0xa: {  	s8 =	sor.u32 s7, s8;
	s9 =	ssub.s32 $0x2, s7;
	_ =	strace $0x80000047  }
0xb: {  	s7 =	sshll.u32 s7, $0x7;
	s8 =	smul.u32 $0x2800, s8;
	s10 =	sshrl.u32 s9, $0x1  }
0xc: {  	s7 =	sor.u32 s7, s11;
	s29 =	sshrl.u32 s12, $0x2;
	s11 =	simm.s32 $0x7D  }
0xd: {  	s12 =	simm.s32 $0x2800;
	s9 =	ssub.s32 s9, s10;
	s7 =	sshrl.u32 s7, $0x3  }
0xe: {  	s30 =	sadd.s32 s29, s3;
	s8 =	sshrl.u32 s8, $0x3;
	s6 =	sadd.s32 s6, s7  }
0xf: {  	s7 =	smax.u32 s9, $0x1;
	s9 =	sor.u32 $0x1C03, s31;
	s5 =	sadd.s32 s5, s8  }
0x10: {  	v0 =	vimm.f32 $1.000000000e+00;
	s10 =	sshrl.u32 s30, $0x3;
	s8 =	simm.s32 $0x3;
	s5 =	sadd.s32 $0xEC00, s5  }
.LBB2_1:
0x11: {  	[tilespmem:$0x2800] =	vst v0  }
0x12: {  	[tilespmem:$0x2810] =	vst v0  }
0x13: {  	[tilespmem:$0x2820] =	vst v0  }
0x14: {  	[tilespmem:$0x2830] =	vst v0  }
0x15: {  	[tilespmem:$0x2840] =	vst v0  }
0x16: {  	[tilespmem:$0x2850] =	vst v0  }
0x17: {  	[tilespmem:$0x2860] =	vst v0  }
0x18: {  	[tilespmem:$0x2870] =	vst v0  }
0x19: {  	[tilespmem:s4], [sflag:$0x3] =	stream.linear.gather [hbm4b:s5+s4], $0x2800, $0x38;
	[tilespmem:$0x2B00] =	vst v63  }
0x1a: {  	_ =	swait.ge [sflag:s8], $0x2800  }
0x1b: {  	[sflag:s8] =	ssyncset.done $0x0  }
0x1c: {  	[sflag:s8] =	ssyncadd.s32 $0xFFFFD800  }
0x1d: {  	[spmem:s10], [sflag:s9] =	dma.local [hbm:s1], $0x50  }
0x1e: {  	_ =	swait.ge [sflag:s8], $0x50  }
0x1f: {  	[sflag:s8] =	ssyncset.done $0x0  }
0x20: {  	[sflag:s8] =	ssyncadd.s32 $0xFFFFFFB0  }
0x21: {  	[bflag:$0x0] =	sbarrier.arrive $0xFFFF  }
0x22: {  	[spmem:s3] =	stream.indirect.scatter.add.f32 [tilespmem:s12], [sflag:$0x1], $0x1, s4, s11, $0xb8;
	[tilespmem:$0x2B00] =	vst v63  }
0x23: {  	_ = 	snop  }
0x24: {  	[spmem:s3] =	stream.indirect.scatter.add.f32 [tilespmem:s12], [sflag:$0x2], $0x1, s13, s11, $0xb8;
	[tilespmem:$0x2B00] =	vst v63  }
0x25: {  	_ =	swait.ge [sflag:s14], $0x7D  }
0x26: {  	[sflag:s14] =	ssyncset.done $0x0  }
0x27: {  	s19 =	simm.s32 $0x100;
	[sflag:s14] =	ssyncadd.s32 $0xFFFFFF83  }
0x28: {  	[spmem:s3] =	stream.indirect.scatter.add.f32 [tilespmem:s12], [sflag:$0x1], $0x1, s19, s11, $0xb8;
	[tilespmem:$0x2B00] =	vst v63  }
0x29: {  	_ =	swait.ge [sflag:s15], $0x7D  }
0x2a: {  	[sflag:s15] =	ssyncset.done $0x0  }
0x2b: {  	s20 =	simm.s32 $0x180;
	s19 =	simm.s32 $0xFFFF6800;
	[sflag:s15] =	ssyncadd.s32 $0xFFFFFF83  }
.LBB2_2:
0x2c: {  	[spmem:s3] =	stream.indirect.scatter.add.f32 [tilespmem:s12], [sflag:$0x2], $0x1, s20, s11, $0xb8;
	[tilespmem:$0x2B00] =	vst v63  }
0x2d: {  	s20 =	smov.u32 s19  }
0x2e: {  	p0 =	sne.s32 s19, $0xFFFFFC00;
	s19 =	sadd.s32 $0x400, s19;
	_ =	swait.ge [sflag:s14], $0x7D  }
0x2f: {  	s20 =	sshra.s32 s20, $0x2;
	[sflag:s14] =	ssyncset.done $0x0  }
.Ltmp0:
0x30: {  	s21 =	sadd.s32 $0x2800, s20;
	[sflag:s14] =	ssyncadd.s32 $0xFFFFFF83;
	(pc) =	sbr.rel @p0 .LBB2_2-.Ltmp0, $4  }
0x31: {  	[spmem:s3] =	stream.indirect.scatter.add.f32 [tilespmem:s12], [sflag:$0x1], $0x1, s21, s11, $0xb8;
	[tilespmem:$0x2B00] =	vst v63  }
0x32: {  	_ =	swait.ge [sflag:s15], $0x7D  }
0x33: {  	[sflag:s15] =	ssyncset.done $0x0  }
0x34: {  	s20 =	sadd.s32 $0x2880, s20;
	[sflag:s15] =	ssyncadd.s32 $0xFFFFFF83  }
0x35: {  	[spmem:s3] =	stream.indirect.scatter.add.f32 [tilespmem:s12], [sflag:$0x2], $0x1, s20, s11, $0xb8;
	[tilespmem:$0x2B00] =	vst v63  }
0x36: {  	_ =	swait.ge [sflag:s14], $0x7D  }
0x37: {  	[sflag:s14] =	ssyncset.done $0x0  }
0x38: {  	[sflag:s14] =	ssyncadd.s32 $0xFFFFFF83  }
0x39: {  	_ =	swait.ge [sflag:s15], $0x7D  }
0x3a: {  	s18 =	sadd.s32 $0x1, s18;
	[sflag:s15] =	ssyncset.done $0x0  }
0x3b: {  	p0 =	sne.s32 s18, s7;
	[sflag:s15] =	ssyncadd.s32 $0xFFFFFF83  }
.Ltmp1:
0x3c: {  	[bflag:$0x0] =	sbarrier.arrive $0xFFFF;
	(pc) =	sbr.rel @p0 .LBB2_1-.Ltmp1, $4  }
0x3d: {  	[hbm:s6@s16], [sflag:s9] =	dma.strided [spmem:s10@s17], $0x50, s14, $0x10   }
0x3e: {  	_ =	swait.ge [sflag:s8], $0x50  }
0x3f: {  	[sflag:s8] =	ssyncset.done $0x0  }
0x40: {  	[sflag:s8] =	ssyncadd.s32 $0xFFFFFFB0  }
0x41: {  	_ =	sfence.sel $0x180000  }
0x42: {  	[bflag:$0x0] =	sbarrier.arrive $0xFFFF  }
0x43: {  	p0 =	sne.s32 s0, $0x0;
	_ =	strace $0x90000047  }
0x44: {  	s0 =	sadd.s32 @!p0 $0x100000, s2;
	[bflag:$0x2] =	sbarrier.arrive $0xFFFF  }
0x45: {  	[sflag:s0] =	ssyncadd.tile.s32 @!p0 $0x1;
	_ =	shalt  }
.Lfunc_end2:
_tile_overlayer_lowered:
.L_overlay_start_2:
0x46: {  	(tag) =	ssettag $0x2  }
0x47: {  	s0 =	rddreg [dreg:$0x0];
	s2 =	stileid.u32  }
0x48: {  	s1 =	rddreg [dreg:$0x1];
	p0 =	sne.s32 s2, $0x0  }
0x49: {  	s3 =	rddreg [dreg:$0x2];
	[bflag:$0x3] =	sbarrier.arrive $0xFFFF;
	s2 =	simm.s32 @!p0 $0x1C03  }
0x4a: {  	[timem:s3], [sflag:s2] =	dma.local @!p0 [hbm:s0], s1  }
0x4b: {  	s0 =	simm.s32 @!p0 $0x3  }
0x4c: {  	_ =	swait.ge @!p0 [sflag:s0], s1  }
0x4d: {  	s1 =	ssub.s32 @!p0 $0x0, s1;
	[sflag:s0] =	ssyncset.done @!p0 $0x0  }
0x4e: {  	[sflag:s0] =	ssyncadd.s32 @!p0 s1  }
0x4f: {  	[bflag:$0x3] =	sbarrier.arrive $0xFFFF  }
0x50: {  	_ =	shalt  }

// kernel: kernel.14.cloned.1.call-start
scs
__scs_entry_jumppad:
0x0: {  	(pc) =	sbr.rel $0x88, $3  }
0x1: {  	(tag) =	ssettag $0x0;
	lr =	simm.s32 $0x1  }
0x2: {  	[smem:$0x3F8D] =	sst lr;
	_ =	strace $0xD0000000  }
0x3: {  	_ = 	snop  }
0x4: {  	_ = 	snop  }
0x5: {  	_ = 	snop  }
0x6: {  	_ = 	snop  }
0x7: {  	_ = 	snop  }
__scs_overlays_trampoline_lowered:
0x8: {  	[smem:$0x3F9C] =	sst s0  }
0x9: {  	[smem:$0x3F9D] =	sst s1  }
0xa: {  	[smem:$0x3F9E] =	sst s2  }
0xb: {  	[smem:$0x3F9F] =	sst s3  }
0xc: {  	[smem:$0x3FA0] =	sst s4  }
0xd: {  	[smem:$0x3FA1] =	sst s5  }
0xe: {  	[smem:$0x3FA2] =	sst s6  }
0xf: {  	[smem:$0x3FA3] =	sst s7  }
0x10: {  	[smem:$0x3FA4] =	sst s8  }
0x11: {  	[smem:$0x3FA5] =	sst s9;
	s0 =	simm.s32 @!p0 $0x0  }
0x12: {  	s1 =	sld [smem:$0x3F8B];
	s0 =	simm.s32 @p0 $0x1  }
0x13: {  	[smem:$0x3FA6] =	sst s0;
	s0 =	simm.s32 @!p1 $0x0  }
0x14: {  	s2 =	sld [smem:$0x3F8A];
	s0 =	simm.s32 @p1 $0x1  }
0x15: {  	[smem:$0x3FA7] =	sst s0;
	s0 =	simm.s32 @!p2 $0x0  }
0x16: {  	s3 =	sld [smem:$0x3FDB];
	s0 =	simm.s32 @p2 $0x1  }
0x17: {  	s4 =	simm.s32 $0x1BF5;
	[smem:$0x3FA9] =	sst s0  }
0x18: {  	s0 =	sld [smem:$0x3F8C];
	_ =	swait.ge [sflag:s4], $0x0  }
0x19: {  	s7 =	sld [smem:$0x3F8D]  }
0x1a: {  	s8 =	sadd.s32 $0xFFFFE003, lr  }
0x1b: {  	s9 =	sadd.s32 $0xFFFFFEF7, lr;
	s5 =	simm.s32 $0xFFFFFFFF;
	p2 =	slt.u32 s8, $0xFFFFF086  }
0x1c: {  	p1 =	slt.u32 s9, $0xF7A;
	s5 =	simm.s32 @!p2 $0x0  }
0x1d: {  	s5 =	simm.s32 @p1 $0x1;
	p0 =	seq.s32 s7, s2  }
0x1e: {  	s7 =	smul.u32 @!p0 $0xF7A, s2;
	p2 =	seq.s32 @!p0 s5, $0x0  }
0x1f: {  	s9 =	smul.u32 $0xF7A, s1;
	s8 =	simm.s32 @!p0 $0x1BF5;
	p2 =	por !p2, p0  }
0x20: {  	[sflag:s8] =	ssyncset.s32 @!p0 $0xFFFFF086;
	s6 =	sadd.s32 @!p0 s3, s7;
	s7 =	simm.s32 @!p0 $0x108  }
0x21: {  	s3 =	sadd.s32 s3, s9;
	s6 =	sadd.s32 @!p0 $0x88, s6;
	s7 =	simm.s32 @p2 $0x1082  }
0x22: {  	[simem:s7], [sflag:s8] =	dma.local @!p0 [hbm:s6], $0xF7A  }
0x23: {  	s9 =	sor.u32 $0xD0000000, s2;
	s6 =	simm.s32 $0x108;
	_ =	swait.ge @!p0 [sflag:s8], $0x0  }
0x24: {  	s3 =	sadd.s32 $0x88, s3;
	s6 =	simm.s32 @!p1 $0x1082;
	[sflag:s4] =	ssyncset.s32 $0xFFFFF086  }
0x25: {  	[simem:s6], [sflag:s4] =	dma.local [hbm:s3], $0xF7A  }
0x26: {  	[smem:$0x3F8D] =	sst s1;
	(tag) =	ssettag s2;
	_ =	strace s9  }
0x27: {  	s1 =	sld [smem:$0x3F9D]  }
0x28: {  	s2 =	sld [smem:$0x3F9E]  }
0x29: {  	s4 =	sld [smem:$0x3FA0]  }
0x2a: {  	p0 =	seq.s32 s5, $0x0;
	s5 =	sld [smem:$0x3FA1]  }
0x2b: {  	s6 =	sld [smem:$0x3FA2]  }
0x2c: {  	s7 =	sld [smem:$0x3FA3]  }
0x2d: {  	s3 =	simm.s32 $0x108;
	s8 =	sld [smem:$0x3FA4]  }
0x2e: {  	s3 =	simm.s32 @!p0 $0x1082;
	s9 =	sld [smem:$0x3FA5]  }
0x2f: {  	lr =	sadd.s32 s0, s3;
	s0 =	sld [smem:$0x3F9C]  }
0x30: {  	s3 =	sld [smem:$0x3F9F]  }
0x31: {  	[smem:$0x3FA8] =	sst s10  }
0x32: {  	s10 =	sld [smem:$0x3FA6];
	_ =	sdelay $0x3  }
0x33: {  	p0 =	seq.s32 s10, $0x1;
	s10 =	sld [smem:$0x3FA8];
	_ =	sdelay $0x3  }
0x34: {  	[smem:$0x3FA8] =	sst s10  }
0x35: {  	s10 =	sld [smem:$0x3FA7];
	_ =	sdelay $0x3  }
0x36: {  	p1 =	seq.s32 s10, $0x1;
	s10 =	sld [smem:$0x3FA8];
	_ =	sdelay $0x3  }
0x37: {  	[smem:$0x3FA8] =	sst s10  }
0x38: {  	s10 =	sld [smem:$0x3FA9]  }
0x39: {  	_ = 	snop;
	(pc) =	sbr.ind lr, $3  }
0x3a: {  	_ = 	snop  }
0x3b: {  	_ = 	snop  }
0x3c: {  	p2 =	seq.s32 s10, $0x1;
	s10 =	sld [smem:$0x3FA8]  }
0x3d: {  	_ =	shalt  }
0x3e: {  	_ =	shalt  }
0x3f: {  	_ =	shalt  }
0x40: {  	_ =	shalt  }
0x41: {  	_ =	shalt  }
0x42: {  	_ =	shalt  }
0x43: {  	_ =	shalt  }
0x44: {  	_ =	shalt  }
0x45: {  	_ =	shalt  }
0x46: {  	_ =	shalt  }
0x47: {  	_ =	shalt  }
0x48: {  	_ =	shalt  }
0x49: {  	_ =	shalt  }
0x4a: {  	_ =	shalt  }
0x4b: {  	_ =	shalt  }
0x4c: {  	_ =	shalt  }
0x4d: {  	_ =	shalt  }
0x4e: {  	_ =	shalt  }
0x4f: {  	_ =	shalt  }
0x50: {  	_ =	shalt  }
0x51: {  	_ =	shalt  }
0x52: {  	_ =	shalt  }
0x53: {  	_ =	shalt  }
0x54: {  	_ =	shalt  }
0x55: {  	_ =	shalt  }
0x56: {  	_ =	shalt  }
0x57: {  	_ =	shalt  }
0x58: {  	_ =	shalt  }
0x59: {  	_ =	shalt  }
0x5a: {  	_ =	shalt  }
0x5b: {  	_ =	shalt  }
0x5c: {  	_ =	shalt  }
0x5d: {  	_ =	shalt  }
0x5e: {  	_ =	shalt  }
0x5f: {  	_ =	shalt  }
0x60: {  	_ =	shalt  }
0x61: {  	_ =	shalt  }
0x62: {  	_ =	shalt  }
0x63: {  	_ =	shalt  }
0x64: {  	_ =	shalt  }
0x65: {  	_ =	shalt  }
0x66: {  	_ =	shalt  }
0x67: {  	_ =	shalt  }
0x68: {  	_ =	shalt  }
0x69: {  	_ =	shalt  }
0x6a: {  	_ =	shalt  }
0x6b: {  	_ =	shalt  }
0x6c: {  	_ =	shalt  }
0x6d: {  	_ =	shalt  }
0x6e: {  	_ =	shalt  }
0x6f: {  	_ =	shalt  }
0x70: {  	_ =	shalt  }
0x71: {  	_ =	shalt  }
0x72: {  	_ =	shalt  }
0x73: {  	_ =	shalt  }
0x74: {  	_ =	shalt  }
0x75: {  	_ =	shalt  }
0x76: {  	_ =	shalt  }
0x77: {  	_ =	shalt  }
0x78: {  	_ =	shalt  }
0x79: {  	_ =	shalt  }
0x7a: {  	_ =	shalt  }
0x7b: {  	_ =	shalt  }
0x7c: {  	_ =	shalt  }
0x7d: {  	_ =	shalt  }
0x7e: {  	_ =	shalt  }
0x7f: {  	_ =	shalt  }
0x80: {  	_ =	shalt  }
0x81: {  	_ =	shalt  }
0x82: {  	_ =	shalt  }
0x83: {  	_ =	shalt  }
0x84: {  	_ =	shalt  }
0x85: {  	_ =	shalt  }
0x86: {  	_ =	shalt  }
0x87: {  	_ =	shalt  }
.Lfunc_end0:
.L_simem_size_0:
called_computation.1_lowered:
.L_overlay_start_0:
0x88: {  	s2 =	sld [smem:$0x3FD9]  }
0x89: {  	s3 =	sld [smem:$0x3FFE];
	_ =	sdelay $0x1  }
0x8a: {  	s1 =	srdreg.scid  }
0x8b: {  	s0 =	sand.u32 $0x1, s1  }
0x8c: {  	s14 =	sshll.u32 s0, $0xA;
	s2 =	sadd.s32 s3, s2  }
0x8d: {  	s2 =	sadd.s32 s2, s14  }
0x8e: {  	[smem:$0x3FB4] =	sst s2  }
0x8f: {  	_ = 	snop  }
0x90: {  	s2 =	sld [smem:$0x3FD0];
	_ =	sdelay $0x2  }
0x91: {  	s15 =	simm.s32 $0xA;
	s4 =	simm.s32 $0x10  }
0x92: {  	[smem:s4], [sflag:s15] =	dma.local [hbm:s2], $0x1  }
0x93: {  	_ =	swait.eq [sflag:s15], $0x1  }
0x94: {  	[sflag:s15] =	ssyncset.done $0x0  }
0x95: {  	s16 =	sld [smem:$0x10];
	[sflag:s15] =	ssyncadd.s32 $0xFFFFFFFF  }
0x96: {  	s17 =	sld [smem:$0x11];
	(tm) =	ssettm $0x1  }
0x97: {  	s18 =	sld [smem:$0x3FFB];
	_ =	sdelay $0x3  }
0x98: {  	_ =	strace s18  }
0x99: {  	s4 =	sld [smem:$0x3FFC];
	_ =	sdelay $0x3  }
0x9a: {  	_ =	strace s4  }
0x9b: {  	s4 =	sld [smem:$0x3FFD];
	_ =	sdelay $0x3  }
0x9c: {  	_ =	strace s4  }
0x9d: {  	_ =	strace $0x8FFFFFFF  }
0x9e: {  	s19 =	sld [smem:$0x3FDB];
	_ =	sdelay $0x1  }
0x9f: {  	s5 =	simm.s32 $_scs_section_size  }
0xa0: {  	s6 =	simm.s32 $_size__tile_overlayer_lowered;
	s7 =	simm.s32 $_tile_overlayer_lowered  }
0xa1: {  	s22 =	simm.s32 $0x1BFF;
	s21 =	sshll.u32 s7, $0x1;
	s4 =	sadd.s32 s5, s19  }
0xa2: {  	s8 =	simm.s32 $0x0;
	s20 =	sshll.u32 s6, $0x1;
	s6 =	sadd.s32 s21, s4  }
0xa3: {  	[timem:s8], [sflag:s22] =	dma.local [hbm:s6], s20  }
0xa4: {  	_ =	swait.ge [sflag:s22], s20  }
0xa5: {  	s5 =	ssub.s32 $0x0, s20;
	[sflag:s22] =	ssyncset.done $0x0  }
0xa6: {  	[sflag:s22] =	ssyncadd.s32 s5;
	_ =	sdelay $0x1  }
0xa7: {  	s23 =	simm.s32 $0x1B8B  }
0xa8: {  	_ =	swait.ge [sflag:s23], $0x1  }
0xa9: {  	[sflag:s23] =	ssyncset.done $0x0  }
0xaa: {  	s25 =	simm.s32 $0x1B8E;
	s24 =	sld [smem:$0x3FFE];
	[sflag:s23] =	ssyncadd.s32 $0xFFFFFFFF  }
0xab: {  	s26 =	simm.s32 $execute0_lowered;
	[smem:$0x3FD2] =	sst s25  }
0xac: {  	s6 =	sshll.u32 s26, $0x1;
	_ =	strace $0x80000049;
	[dreg:$0x1] =	wrdreg $0xFFFFFFFF  }
0xad: {  	s28 =	simm.s32 $_size_execute0_lowered;
	s4 =	sadd.s32 s4, s6;
	[dreg:$0x0] =	wrdreg $0x0  }
0xae: {  	s6 =	sshll.u32 s28, $0x1;
	[dreg:$0x2] =	wrdreg s4  }
0xaf: {  	[dreg:$0x3] =	wrdreg s6  }
0xb0: {  	[dreg:$0x4] =	wrdreg $0xC0  }
0xb1: {  	_ =	task [dreg:s8], $0x5FFFF  }
0xb2: {  	[dreg:$0x1] =	wrdreg $0xFFFFFFFF  }
0xb3: {  	[dreg:$0x0] =	wrdreg $0x60  }
0xb4: {  	[dreg:$0x2] =	wrdreg s16  }
0xb5: {  	[dreg:$0x3] =	wrdreg s24  }
0xb6: {  	[dreg:$0x4] =	wrdreg s17  }
0xb7: {  	[dreg:$0x5] =	wrdreg $0xA9000  }
0xb8: {  	[dreg:$0x6] =	wrdreg $0x9  }
0xb9: {  	_ =	task.clear_ibuf [dreg:s8], $0x7FFFF;
	_ =	strace $0x90000049  }
0xba: {  	s29 =	simm.s32 $0x9;
	_ =	strace $0x8000004B  }
0xbb: {  	_ =	swait.ge [sflag:s29], $0x1  }
0xbc: {  	[sflag:s29] =	ssyncadd.s32 $0xFFFFFFFF  }
0xbd: {  	_ =	strace $0x9000004B  }
0xbe: {  	_ =	sfence  }
0xbf: {  	s30 =	sld [smem:$0x0];
	_ =	sdelay $0x2  }
0xc0: {  	s31 =	sshll.u32 s1, $0xD;
	s1 =	sshrl.u32 s1, $0x2  }
0xc1: {  	s3 =	sand.u32 $0x4000, s31;
	s1 =	sadd.s32 s1, s30  }
0xc2: {  	s0 =	sor.u32 s3, s0;
	s1 =	sshll.u32 s1, $0x11  }
0xc3: {  	s0 =	sor.u32 s1, s0  }
0xc4: {  	s0 =	sadd.s32 $0x8F2B, s0  }
0xc5: {  	[sflag:s0] =	ssyncadd.remote.s32 $0x1  }
0xc6: {  	_ =	sfence.sel $0xFFFF  }
0xc7: {  	[dreg:$0x0] =	wrdreg $0xFFFFFFFF;
	(pc) =	sbr.abs _section_cstart, $3  }
0xc8: {  	[dreg:$0x1] =	wrdreg $0xFFFFFFFF  }
0xc9: {  	_ =	task.clear_ibuf [dreg:s8], $0x2FFFF;
	_ =	strace $0x9FFFFFFF  }
0xca: {  	(tm) =	ssettm $0x7FFFFFFF  }
0xcb: {  	_ =	shalt  }
tec
execute0_lowered:
.L_overlay_start_1:
0x0: {  	(tag) =	ssettag $0x1  }
0x1: {  	s1 =	rddreg [dreg:$0x0]  }
0x2: {  	s0 =	rddreg [dreg:$0x1]  }
0x3: {  	s4 =	rddreg [dreg:$0x3];
	s5 =	simm.s32 $0x0  }
0x4: {  	s2 =	srdreg.scid;
	s18 =	stileid.u32;
	s13 =	simm.s32 $0x7  }
0x5: {  	s14 =	simm.s32 $0x2800;
	s15 =	simm.s32 $0x7D;
	s16 =	simm.s32 $0x2900  }
0x6: {  	s17 =	simm.s32 $0x2880;
	s21 =	simm.s32 $0x1;
	s22 =	simm.s32 $0x3  }
0x7: {  	s23 =	simm.s32 $0x5;
	s24 =	simm.s32 $0x2;
	s25 =	simm.s32 $0x4  }
0x8: {  	s30 =	simm.s32 $0x0;
	s2 =	sand.u32 $0x1, s2;
	s3 =	smul.u32 $0x2800, s18  }
0x9: {  	s6 =	sshll.u32 s18, $0x1;
	[smem:$0x7FF] =	sst s5;
	s7 =	sadd.s32 $0x4C00, s0  }
0xa: {  	s11 =	smul.u32 $0x50000, s18;
	s31 =	sshll.u32 s18, $0x6;
	s18 =	simm.s32 $0x6900  }
0xb: {  	s8 =	smul.u32 $0x28000, s2;
	s6 =	sor.u32 s2, s6;
	_ =	strace $0x8000004A  }
0xc: {  	s2 =	ssub.s32 $0x2, s2;
	s19 =	sor.u32 $0x1C07, s31;
	s6 =	smul.u32 $0x2800, s6  }
0xd: {  	s26 =	sshrl.u32 s2, $0x1;
	s29 =	sshrl.u32 s11, $0x2;
	s3 =	sadd.s32 s3, s8  }
0xe: {  	s2 =	ssub.s32 s2, s26;
	s26 =	simm.s32 $0x6;
	s9 =	sshrl.u32 s6, $0x3  }
0xf: {  	s0 =	sadd.s32 s3, s0;
	s3 =	sadd.s32 s29, s4;
	s8 =	sadd.s32 s7, s9  }
0x10: {  	s12 =	smax.u32 s2, $0x1;
	s11 =	sadd.s32 $0x18C00, s0;
	s28 =	sadd.s32 $0xA000, s8  }
0x11: {  	s20 =	sshrl.u32 s3, $0x3;
	s10 =	sadd.s32 $0x10, s8;
	[dreg:$0x5] =	wrdreg s28  }
.LBB2_1:
0x12: {  	s0 =	rddreg [dreg:$0x5]  }
0x13: {  	[tilespmem:s5], [sflag:$0x7] =	stream.linear.gather [hbm4b:s0+s5], $0x2800, $0x38;
	[tilespmem:$0x1E900] =	vst v63  }
0x14: {  	_ =	swait.ge [sflag:s13], $0x2800  }
0x15: {  	[sflag:s13] =	ssyncset.done $0x0  }
0x16: {  	[sflag:s13] =	ssyncadd.s32 $0xFFFFD800  }
0x17: {  	[tilespmem:s14], [sflag:$0x7] =	stream.linear.gather [hbm4b:s8+s5], $0x80, $0x38;
	[tilespmem:$0x1E900] =	vst v63  }
0x18: {  	_ =	swait.ge [sflag:s13], $0x80  }
0x19: {  	[sflag:s13] =	ssyncset.done $0x0  }
0x1a: {  	[sflag:s13] =	ssyncadd.s32 $0xFFFFFF80  }
0x1b: {  	[tilespmem:s16], [sflag:$0x1] =	stream.indirect.gather [hbm4b:s1+s15], $0x80, s14, s15, $0xb8;
	[tilespmem:$0x1E900] =	vst v63  }
0x1c: {  	_ = 	snop  }
0x1d: {  	[tilespmem:s17], [sflag:$0x7] =	stream.linear.gather [hbm4b:s10+s5], $0x80, $0x38;
	[tilespmem:$0x1E900] =	vst v63  }
0x1e: {  	_ =	swait.ge [sflag:s13], $0x80  }
0x1f: {  	[sflag:s13] =	ssyncset.done $0x0  }
0x20: {  	[sflag:s13] =	ssyncadd.s32 $0xFFFFFF80  }
0x21: {  	[tilespmem:s18], [sflag:$0x2] =	stream.indirect.gather [hbm4b:s1+s15], $0x80, s17, s15, $0xb8;
	[tilespmem:$0x1E900] =	vst v63  }
0x22: {  	s28 =	rddreg [dreg:$0x2]  }
0x23: {  	[spmem:s20], [sflag:s19] =	dma.local [hbm:s28], $0x2800  }
0x24: {  	_ =	swait.ge [sflag:s13], $0x2800  }
0x25: {  	s29 =	simm.s32 $0x100;
	[sflag:s13] =	ssyncset.done $0x0  }
0x26: {  	s2 =	sand.u32 $0x7C00, s29;
	[sflag:s13] =	ssyncadd.s32 $0xFFFFD800  }
0x27: {  	s0 =	sand.u32 $0x300, s29;
	s2 =	sadd.s32 s6, s2;
	[bflag:$0x0] =	sbarrier.arrive $0xFFFF  }
0x28: {  	s0 =	sor.u32 s0, s2;
	_ =	swait.ge [sflag:s21], $0x3E80  }
0x29: {  	s0 =	sshrl.u32 s0, $0x3;
	[sflag:s21] =	ssyncset.done $0x0  }
0x2a: {  	s0 =	sadd.s32 s7, s0;
	[sflag:s21] =	ssyncadd.s32 $0xFFFFC180  }
0x2b: {  	[tilespmem:s14], [sflag:$0x5] =	stream.linear.gather [hbm4b:s0+s5], $0x80, $0x38;
	[tilespmem:$0x1E900] =	vst v63  }
0x2c: {  	s3 =	simm.s32 $0x0  }
0x2d: {  	[spmem:s4] =	stream.indirect.scatter.add.f32 [tilespmem:s16], [sflag:$0x3], $0x80, s3, s15, $0xb8;
	[tilespmem:$0x1E900] =	vst v63  }
0x2e: {  	_ =	swait.ge [sflag:s22], $0x3E80  }
0x2f: {  	[sflag:s22] =	ssyncset.done $0x0  }
0x30: {  	[sflag:s22] =	ssyncadd.s32 $0xFFFFC180  }
0x31: {  	s9 =	simm.s32 $0x180;
	_ =	swait.ge [sflag:s23], $0x80  }
0x32: {  	s28 =	sand.u32 $0x7C00, s9;
	[sflag:s23] =	ssyncset.done $0x0  }
0x33: {  	s2 =	sadd.s32 s6, s28;
	s0 =	sand.u32 $0x380, s9;
	[sflag:s23] =	ssyncadd.s32 $0xFFFFFF80  }
0x34: {  	[tilespmem:s16], [sflag:$0x1] =	stream.indirect.gather [hbm4b:s1+s15], $0x80, s14, s15, $0xb8;
	[tilespmem:$0x1E900] =	vst v63  }
0x35: {  	s0 =	sor.u32 s0, s2;
	_ =	swait.ge [sflag:s24], $0x3E80  }
0x36: {  	s0 =	sshrl.u32 s0, $0x3;
	[sflag:s24] =	ssyncset.done $0x0  }
0x37: {  	s0 =	sadd.s32 s7, s0;
	[sflag:s24] =	ssyncadd.s32 $0xFFFFC180  }
0x38: {  	[tilespmem:s17], [sflag:$0x6] =	stream.linear.gather [hbm4b:s0+s5], $0x80, $0x38;
	[tilespmem:$0x1E900] =	vst v63  }
0x39: {  	s29 =	simm.s32 $0x80  }
0x3a: {  	[spmem:s4] =	stream.indirect.scatter.add.f32 [tilespmem:s18], [sflag:$0x4], $0x80, s29, s15, $0xb8;
	[tilespmem:$0x1E900] =	vst v63  }
0x3b: {  	s31 =	simm.s32 $0x180;
	s2 =	simm.s32 $0x200;
	_ =	swait.ge [sflag:s25], $0x3E80  }
0x3c: {  	s3 =	simm.s32 $0x380;
	s0 =	simm.s32 $0x280;
	[sflag:s25] =	ssyncset.done $0x0  }
.LBB2_2:
0x3d: {  	s29 =	sand.u32 $0x7C00, s2  }
0x3e: {  	[sflag:s25] =	ssyncadd.s32 $0xFFFFC180;
	s9 =	smov.u32 s3;
	s28 =	sadd.s32 $0x100, s3  }
0x3f: {  	s2 =	sand.u32 $0x300, s2;
	s29 =	sadd.s32 s6, s29;
	_ =	swait.ge [sflag:s26], $0x80  }
0x40: {  	p0 =	sne.s32 s3, $0x2780;
	s2 =	sor.u32 s2, s29;
	[sflag:s26] =	ssyncset.done $0x0  }
0x41: {  	s2 =	sshrl.u32 s2, $0x3;
	[sflag:s26] =	ssyncadd.s32 $0xFFFFFF80  }
0x42: {  	[tilespmem:s18], [sflag:$0x2] =	stream.indirect.gather [hbm4b:s1+s15], $0x80, s17, s15, $0xb8;
	[tilespmem:$0x1E900] =	vst v63  }
0x43: {  	_ =	swait.ge [sflag:s21], $0x3E80  }
0x44: {  	[sflag:s21] =	ssyncset.done $0x0  }
0x45: {  	s2 =	sadd.s32 s7, s2;
	[sflag:s21] =	ssyncadd.s32 $0xFFFFC180  }
0x46: {  	[tilespmem:s14], [sflag:$0x5] =	stream.linear.gather [hbm4b:s2+s5], $0x80, $0x38;
	[tilespmem:$0x1E900] =	vst v63  }
0x47: {  	s2 =	sadd.s32 $0xFFFFFF80, s31  }
0x48: {  	[spmem:s4] =	stream.indirect.scatter.add.f32 [tilespmem:s16], [sflag:$0x3], $0x80, s2, s15, $0xb8;
	[tilespmem:$0x1E900] =	vst v63  }
0x49: {  	_ =	swait.ge [sflag:s22], $0x3E80  }
0x4a: {  	[sflag:s22] =	ssyncset.done $0x0  }
0x4b: {  	[sflag:s22] =	ssyncadd.s32 $0xFFFFC180  }
0x4c: {  	_ =	swait.ge [sflag:s23], $0x80  }
0x4d: {  	[sflag:s23] =	ssyncset.done $0x0  }
0x4e: {  	s2 =	sand.u32 $0x7C00, s0;
	[sflag:s23] =	ssyncadd.s32 $0xFFFFFF80  }
0x4f: {  	[tilespmem:s16], [sflag:$0x1] =	stream.indirect.gather [hbm4b:s1+s15], $0x80, s14, s15, $0xb8;
	[tilespmem:$0x1E900] =	vst v63  }
0x50: {  	s3 =	sand.u32 $0x380, s0;
	s0 =	smov.u32 s9;
	s2 =	sadd.s32 s6, s2  }
0x51: {  	s2 =	sor.u32 s3, s2;
	_ =	swait.ge [sflag:s24], $0x3E80  }
0x52: {  	s2 =	sshrl.u32 s2, $0x3;
	[sflag:s24] =	ssyncset.done $0x0  }
0x53: {  	s2 =	sadd.s32 s7, s2;
	[sflag:s24] =	ssyncadd.s32 $0xFFFFC180  }
0x54: {  	[tilespmem:s17], [sflag:$0x6] =	stream.linear.gather [hbm4b:s2+s5], $0x80, $0x38;
	[tilespmem:$0x1E900] =	vst v63  }
.Ltmp0:
0x55: {  	_ = 	snop;
	(pc) =	sbr.rel @p0 .LBB2_2-.Ltmp0, $4  }
0x56: {  	_ = 	snop  }
0x57: {  	[spmem:s4] =	stream.indirect.scatter.add.f32 [tilespmem:s18], [sflag:$0x4], $0x80, s31, s15, $0xb8;
	[tilespmem:$0x1E900] =	vst v63  }
0x58: {  	s3 =	smov.u32 s28;
	_ =	swait.ge [sflag:s25], $0x3E80  }
0x59: {  	s2 =	sadd.s32 $0xFFFFFF80, s0;
	s31 =	sadd.s32 $0x100, s31;
	[sflag:s25] =	ssyncset.done $0x0  }
0x5a: {  	[sflag:s25] =	ssyncadd.s32 $0xFFFFC180  }
0x5b: {  	_ =	swait.ge [sflag:s26], $0x80  }
0x5c: {  	s3 =	sand.u32 $0x7C00, s2;
	[sflag:s26] =	ssyncset.done $0x0  }
0x5d: {  	s29 =	sand.u32 $0x300, s2;
	s3 =	sadd.s32 s6, s3;
	[sflag:s26] =	ssyncadd.s32 $0xFFFFFF80  }
0x5e: {  	[tilespmem:s18], [sflag:$0x2] =	stream.indirect.gather [hbm4b:s1+s15], $0x80, s17, s15, $0xb8;
	[tilespmem:$0x1E900] =	vst v63  }
0x5f: {  	s2 =	sor.u32 s29, s3;
	_ =	swait.ge [sflag:s21], $0x3E80  }
0x60: {  	s2 =	sshrl.u32 s2, $0x3;
	[sflag:s21] =	ssyncset.done $0x0  }
0x61: {  	s2 =	sadd.s32 s7, s2;
	[sflag:s21] =	ssyncadd.s32 $0xFFFFC180  }
0x62: {  	[tilespmem:s14], [sflag:$0x5] =	stream.linear.gather [hbm4b:s2+s5], $0x80, $0x38;
	[tilespmem:$0x1E900] =	vst v63  }
0x63: {  	s3 =	sadd.s32 $0xFFFFFF80, s31  }
0x64: {  	[spmem:s4] =	stream.indirect.scatter.add.f32 [tilespmem:s16], [sflag:$0x3], $0x80, s3, s15, $0xb8;
	[tilespmem:$0x1E900] =	vst v63  }
0x65: {  	_ =	swait.ge [sflag:s22], $0x3E80  }
0x66: {  	[sflag:s22] =	ssyncset.done $0x0  }
0x67: {  	[sflag:s22] =	ssyncadd.s32 $0xFFFFC180  }
0x68: {  	_ =	swait.ge [sflag:s23], $0x80  }
0x69: {  	s9 =	sand.u32 $0x7C00, s0;
	[sflag:s23] =	ssyncset.done $0x0  }
0x6a: {  	s28 =	sand.u32 $0x380, s0;
	s2 =	sadd.s32 s6, s9;
	[sflag:s23] =	ssyncadd.s32 $0xFFFFFF80  }
0x6b: {  	[tilespmem:s16], [sflag:$0x1] =	stream.indirect.gather [hbm4b:s1+s15], $0x80, s14, s15, $0xb8;
	[tilespmem:$0x1E900] =	vst v63  }
0x6c: {  	s0 =	sor.u32 s28, s2;
	_ =	swait.ge [sflag:s24], $0x3E80  }
0x6d: {  	s0 =	sshrl.u32 s0, $0x3;
	[sflag:s24] =	ssyncset.done $0x0  }
0x6e: {  	s0 =	sadd.s32 s7, s0;
	[sflag:s24] =	ssyncadd.s32 $0xFFFFC180  }
0x6f: {  	[tilespmem:s17], [sflag:$0x6] =	stream.linear.gather [hbm4b:s0+s5], $0x80, $0x38;
	[tilespmem:$0x1E900] =	vst v63  }
0x70: {  	_ = 	snop  }
0x71: {  	[spmem:s4] =	stream.indirect.scatter.add.f32 [tilespmem:s18], [sflag:$0x4], $0x80, s31, s15, $0xb8;
	[tilespmem:$0x1E900] =	vst v63  }
0x72: {  	_ =	swait.ge [sflag:s25], $0x3E80  }
0x73: {  	[sflag:s25] =	ssyncset.done $0x0  }
0x74: {  	[sflag:s25] =	ssyncadd.s32 $0xFFFFC180  }
0x75: {  	_ =	swait.ge [sflag:s26], $0x80  }
0x76: {  	[sflag:s26] =	ssyncset.done $0x0  }
0x77: {  	[sflag:s26] =	ssyncadd.s32 $0xFFFFFF80  }
0x78: {  	[tilespmem:s18], [sflag:$0x2] =	stream.indirect.gather [hbm4b:s1+s15], $0x80, s17, s15, $0xb8;
	[tilespmem:$0x1E900] =	vst v63  }
0x79: {  	_ =	swait.ge [sflag:s21], $0x3E80  }
0x7a: {  	[sflag:s21] =	ssyncset.done $0x0  }
0x7b: {  	s29 =	simm.s32 $0x2700;
	[sflag:s21] =	ssyncadd.s32 $0xFFFFC180  }
0x7c: {  	[spmem:s4] =	stream.indirect.scatter.add.f32 [tilespmem:s16], [sflag:$0x3], $0x80, s29, s15, $0xb8;
	[tilespmem:$0x1E900] =	vst v63  }
0x7d: {  	_ =	swait.ge [sflag:s22], $0x3E80  }
0x7e: {  	[sflag:s22] =	ssyncset.done $0x0  }
0x7f: {  	[sflag:s22] =	ssyncadd.s32 $0xFFFFC180  }
0x80: {  	_ =	swait.ge [sflag:s24], $0x3E80  }
0x81: {  	[sflag:s24] =	ssyncset.done $0x0  }
0x82: {  	s31 =	simm.s32 $0x2780;
	[sflag:s24] =	ssyncadd.s32 $0xFFFFC180  }
0x83: {  	[spmem:s4] =	stream.indirect.scatter.add.f32 [tilespmem:s18], [sflag:$0x4], $0x80, s31, s15, $0xb8;
	[tilespmem:$0x1E900] =	vst v63  }
0x84: {  	_ =	swait.ge [sflag:s25], $0x3E80  }
0x85: {  	s30 =	sadd.s32 $0x1, s30;
	[sflag:s25] =	ssyncset.done $0x0  }
0x86: {  	p0 =	sne.s32 s30, s12;
	[sflag:s25] =	ssyncadd.s32 $0xFFFFC180  }
.Ltmp1:
0x87: {  	[bflag:$0x0] =	sbarrier.arrive $0xFFFF;
	(pc) =	sbr.rel @p0 .LBB2_1-.Ltmp1, $4  }
0x88: {  	[hbm:s11], [sflag:s19] =	dma.local [spmem:s20], $0x2800  }
0x89: {  	_ =	swait.ge [sflag:s13], $0x2800  }
0x8a: {  	[sflag:s13] =	ssyncset.done $0x0  }
0x8b: {  	[sflag:s13] =	ssyncadd.s32 $0xFFFFD800  }
0x8c: {  	_ =	sfence.sel $0x180000  }
0x8d: {  	[bflag:$0x0] =	sbarrier.arrive $0xFFFF  }
0x8e: {  	_ =	strace $0x9000004A  }
0x8f: {  	s0 =	stileid.u32;
	[bflag:$0x2] =	sbarrier.arrive $0xFFFF  }
0x90: {  	p0 =	sne.s32 s0, $0x0;
	s0 =	rddreg [dreg:$0x4]  }
0x91: {  	s0 =	sadd.s32 @!p0 $0x100000, s0  }
0x92: {  	[sflag:s0] =	ssyncadd.tile.s32 @!p0 $0x1;
	_ =	shalt  }
.Lfunc_end2:
_tile_overlayer_lowered:
.L_overlay_start_2:
0x93: {  	(tag) =	ssettag $0x2  }
0x94: {  	s0 =	rddreg [dreg:$0x0];
	s2 =	stileid.u32  }
0x95: {  	s1 =	rddreg [dreg:$0x1];
	p0 =	sne.s32 s2, $0x0  }
0x96: {  	s3 =	rddreg [dreg:$0x2];
	[bflag:$0x3] =	sbarrier.arrive $0xFFFF;
	s2 =	simm.s32 @!p0 $0x1C07  }
0x97: {  	[timem:s3], [sflag:s2] =	dma.local @!p0 [hbm:s0], s1  }
0x98: {  	s0 =	simm.s32 @!p0 $0x7  }
0x99: {  	_ =	swait.ge @!p0 [sflag:s0], s1  }
0x9a: {  	s1 =	ssub.s32 @!p0 $0x0, s1;
	[sflag:s0] =	ssyncset.done @!p0 $0x0  }
0x9b: {  	[sflag:s0] =	ssyncadd.s32 @!p0 s1  }
0x9c: {  	[bflag:$0x3] =	sbarrier.arrive $0xFFFF  }
0x9d: {  	_ =	shalt  }

// kernel: kernel.17.cloned.1.call-start
scs
__scs_entry_jumppad:
0x0: {  	(pc) =	sbr.rel $0x88, $3  }
0x1: {  	(tag) =	ssettag $0x0;
	lr =	simm.s32 $0x1  }
0x2: {  	[smem:$0x3F8D] =	sst lr;
	_ =	strace $0xD0000000  }
0x3: {  	_ = 	snop  }
0x4: {  	_ = 	snop  }
0x5: {  	_ = 	snop  }
0x6: {  	_ = 	snop  }
0x7: {  	_ = 	snop  }
__scs_overlays_trampoline_lowered:
0x8: {  	[smem:$0x3F9C] =	sst s0  }
0x9: {  	[smem:$0x3F9D] =	sst s1  }
0xa: {  	[smem:$0x3F9E] =	sst s2  }
0xb: {  	[smem:$0x3F9F] =	sst s3  }
0xc: {  	[smem:$0x3FA0] =	sst s4  }
0xd: {  	[smem:$0x3FA1] =	sst s5  }
0xe: {  	[smem:$0x3FA2] =	sst s6  }
0xf: {  	[smem:$0x3FA3] =	sst s7  }
0x10: {  	[smem:$0x3FA4] =	sst s8  }
0x11: {  	[smem:$0x3FA5] =	sst s9;
	s0 =	simm.s32 @!p0 $0x0  }
0x12: {  	s1 =	sld [smem:$0x3F8B];
	s0 =	simm.s32 @p0 $0x1  }
0x13: {  	[smem:$0x3FA6] =	sst s0;
	s0 =	simm.s32 @!p1 $0x0  }
0x14: {  	s2 =	sld [smem:$0x3F8A];
	s0 =	simm.s32 @p1 $0x1  }
0x15: {  	[smem:$0x3FA7] =	sst s0;
	s0 =	simm.s32 @!p2 $0x0  }
0x16: {  	s3 =	sld [smem:$0x3FDB];
	s0 =	simm.s32 @p2 $0x1  }
0x17: {  	s4 =	simm.s32 $0x1BF5;
	[smem:$0x3FA9] =	sst s0  }
0x18: {  	s0 =	sld [smem:$0x3F8C];
	_ =	swait.ge [sflag:s4], $0x0  }
0x19: {  	s7 =	sld [smem:$0x3F8D]  }
0x1a: {  	s8 =	sadd.s32 $0xFFFFE003, lr  }
0x1b: {  	s9 =	sadd.s32 $0xFFFFFEF7, lr;
	s5 =	simm.s32 $0xFFFFFFFF;
	p2 =	slt.u32 s8, $0xFFFFF086  }
0x1c: {  	p1 =	slt.u32 s9, $0xF7A;
	s5 =	simm.s32 @!p2 $0x0  }
0x1d: {  	s5 =	simm.s32 @p1 $0x1;
	p0 =	seq.s32 s7, s2  }
0x1e: {  	s7 =	smul.u32 @!p0 $0xF7A, s2;
	p2 =	seq.s32 @!p0 s5, $0x0  }
0x1f: {  	s9 =	smul.u32 $0xF7A, s1;
	s8 =	simm.s32 @!p0 $0x1BF5;
	p2 =	por !p2, p0  }
0x20: {  	[sflag:s8] =	ssyncset.s32 @!p0 $0xFFFFF086;
	s6 =	sadd.s32 @!p0 s3, s7;
	s7 =	simm.s32 @!p0 $0x108  }
0x21: {  	s3 =	sadd.s32 s3, s9;
	s6 =	sadd.s32 @!p0 $0x88, s6;
	s7 =	simm.s32 @p2 $0x1082  }
0x22: {  	[simem:s7], [sflag:s8] =	dma.local @!p0 [hbm:s6], $0xF7A  }
0x23: {  	s9 =	sor.u32 $0xD0000000, s2;
	s6 =	simm.s32 $0x108;
	_ =	swait.ge @!p0 [sflag:s8], $0x0  }
0x24: {  	s3 =	sadd.s32 $0x88, s3;
	s6 =	simm.s32 @!p1 $0x1082;
	[sflag:s4] =	ssyncset.s32 $0xFFFFF086  }
0x25: {  	[simem:s6], [sflag:s4] =	dma.local [hbm:s3], $0xF7A  }
0x26: {  	[smem:$0x3F8D] =	sst s1;
	(tag) =	ssettag s2;
	_ =	strace s9  }
0x27: {  	s1 =	sld [smem:$0x3F9D]  }
0x28: {  	s2 =	sld [smem:$0x3F9E]  }
0x29: {  	s4 =	sld [smem:$0x3FA0]  }
0x2a: {  	p0 =	seq.s32 s5, $0x0;
	s5 =	sld [smem:$0x3FA1]  }
0x2b: {  	s6 =	sld [smem:$0x3FA2]  }
0x2c: {  	s7 =	sld [smem:$0x3FA3]  }
0x2d: {  	s3 =	simm.s32 $0x108;
	s8 =	sld [smem:$0x3FA4]  }
0x2e: {  	s3 =	simm.s32 @!p0 $0x1082;
	s9 =	sld [smem:$0x3FA5]  }
0x2f: {  	lr =	sadd.s32 s0, s3;
	s0 =	sld [smem:$0x3F9C]  }
0x30: {  	s3 =	sld [smem:$0x3F9F]  }
0x31: {  	[smem:$0x3FA8] =	sst s10  }
0x32: {  	s10 =	sld [smem:$0x3FA6];
	_ =	sdelay $0x3  }
0x33: {  	p0 =	seq.s32 s10, $0x1;
	s10 =	sld [smem:$0x3FA8];
	_ =	sdelay $0x3  }
0x34: {  	[smem:$0x3FA8] =	sst s10  }
0x35: {  	s10 =	sld [smem:$0x3FA7];
	_ =	sdelay $0x3  }
0x36: {  	p1 =	seq.s32 s10, $0x1;
	s10 =	sld [smem:$0x3FA8];
	_ =	sdelay $0x3  }
0x37: {  	[smem:$0x3FA8] =	sst s10  }
0x38: {  	s10 =	sld [smem:$0x3FA9]  }
0x39: {  	_ = 	snop;
	(pc) =	sbr.ind lr, $3  }
0x3a: {  	_ = 	snop  }
0x3b: {  	_ = 	snop  }
0x3c: {  	p2 =	seq.s32 s10, $0x1;
	s10 =	sld [smem:$0x3FA8]  }
0x3d: {  	_ =	shalt  }
0x3e: {  	_ =	shalt  }
0x3f: {  	_ =	shalt  }
0x40: {  	_ =	shalt  }
0x41: {  	_ =	shalt  }
0x42: {  	_ =	shalt  }
0x43: {  	_ =	shalt  }
0x44: {  	_ =	shalt  }
0x45: {  	_ =	shalt  }
0x46: {  	_ =	shalt  }
0x47: {  	_ =	shalt  }
0x48: {  	_ =	shalt  }
0x49: {  	_ =	shalt  }
0x4a: {  	_ =	shalt  }
0x4b: {  	_ =	shalt  }
0x4c: {  	_ =	shalt  }
0x4d: {  	_ =	shalt  }
0x4e: {  	_ =	shalt  }
0x4f: {  	_ =	shalt  }
0x50: {  	_ =	shalt  }
0x51: {  	_ =	shalt  }
0x52: {  	_ =	shalt  }
0x53: {  	_ =	shalt  }
0x54: {  	_ =	shalt  }
0x55: {  	_ =	shalt  }
0x56: {  	_ =	shalt  }
0x57: {  	_ =	shalt  }
0x58: {  	_ =	shalt  }
0x59: {  	_ =	shalt  }
0x5a: {  	_ =	shalt  }
0x5b: {  	_ =	shalt  }
0x5c: {  	_ =	shalt  }
0x5d: {  	_ =	shalt  }
0x5e: {  	_ =	shalt  }
0x5f: {  	_ =	shalt  }
0x60: {  	_ =	shalt  }
0x61: {  	_ =	shalt  }
0x62: {  	_ =	shalt  }
0x63: {  	_ =	shalt  }
0x64: {  	_ =	shalt  }
0x65: {  	_ =	shalt  }
0x66: {  	_ =	shalt  }
0x67: {  	_ =	shalt  }
0x68: {  	_ =	shalt  }
0x69: {  	_ =	shalt  }
0x6a: {  	_ =	shalt  }
0x6b: {  	_ =	shalt  }
0x6c: {  	_ =	shalt  }
0x6d: {  	_ =	shalt  }
0x6e: {  	_ =	shalt  }
0x6f: {  	_ =	shalt  }
0x70: {  	_ =	shalt  }
0x71: {  	_ =	shalt  }
0x72: {  	_ =	shalt  }
0x73: {  	_ =	shalt  }
0x74: {  	_ =	shalt  }
0x75: {  	_ =	shalt  }
0x76: {  	_ =	shalt  }
0x77: {  	_ =	shalt  }
0x78: {  	_ =	shalt  }
0x79: {  	_ =	shalt  }
0x7a: {  	_ =	shalt  }
0x7b: {  	_ =	shalt  }
0x7c: {  	_ =	shalt  }
0x7d: {  	_ =	shalt  }
0x7e: {  	_ =	shalt  }
0x7f: {  	_ =	shalt  }
0x80: {  	_ =	shalt  }
0x81: {  	_ =	shalt  }
0x82: {  	_ =	shalt  }
0x83: {  	_ =	shalt  }
0x84: {  	_ =	shalt  }
0x85: {  	_ =	shalt  }
0x86: {  	_ =	shalt  }
0x87: {  	_ =	shalt  }
.Lfunc_end0:
.L_simem_size_0:
called_computation.2_lowered:
.L_overlay_start_0:
0x88: {  	s2 =	sld [smem:$0x3FD9]  }
0x89: {  	s3 =	sld [smem:$0x3FFE];
	_ =	sdelay $0x1  }
0x8a: {  	s1 =	srdreg.scid  }
0x8b: {  	s0 =	sand.u32 $0x1, s1  }
0x8c: {  	s14 =	sshll.u32 s0, $0xA;
	s2 =	sadd.s32 s3, s2  }
0x8d: {  	s2 =	sadd.s32 s2, s14  }
0x8e: {  	[smem:$0x3FB4] =	sst s2  }
0x8f: {  	_ = 	snop  }
0x90: {  	s2 =	sld [smem:$0x3FD0];
	_ =	sdelay $0x2  }
0x91: {  	s15 =	simm.s32 $0xA;
	s4 =	simm.s32 $0x10  }
0x92: {  	[smem:s4], [sflag:s15] =	dma.local [hbm:s2], $0x1  }
0x93: {  	_ =	swait.eq [sflag:s15], $0x1  }
0x94: {  	[sflag:s15] =	ssyncset.done $0x0  }
0x95: {  	s16 =	sld [smem:$0x10];
	[sflag:s15] =	ssyncadd.s32 $0xFFFFFFFF  }
0x96: {  	s17 =	sld [smem:$0x11];
	(tm) =	ssettm $0x1  }
0x97: {  	s18 =	sld [smem:$0x3FFB];
	_ =	sdelay $0x3  }
0x98: {  	_ =	strace s18  }
0x99: {  	s4 =	sld [smem:$0x3FFC];
	_ =	sdelay $0x3  }
0x9a: {  	_ =	strace s4  }
0x9b: {  	s4 =	sld [smem:$0x3FFD];
	_ =	sdelay $0x3  }
0x9c: {  	_ =	strace s4  }
0x9d: {  	_ =	strace $0x8FFFFFFF  }
0x9e: {  	s19 =	sld [smem:$0x3FDB];
	_ =	sdelay $0x1  }
0x9f: {  	s5 =	simm.s32 $_scs_section_size  }
0xa0: {  	s6 =	simm.s32 $_size__tile_overlayer_lowered;
	s7 =	simm.s32 $_tile_overlayer_lowered  }
0xa1: {  	s22 =	simm.s32 $0x1BFF;
	s21 =	sshll.u32 s7, $0x1;
	s4 =	sadd.s32 s5, s19  }
0xa2: {  	s8 =	simm.s32 $0x0;
	s20 =	sshll.u32 s6, $0x1;
	s6 =	sadd.s32 s21, s4  }
0xa3: {  	[timem:s8], [sflag:s22] =	dma.local [hbm:s6], s20  }
0xa4: {  	_ =	swait.ge [sflag:s22], s20  }
0xa5: {  	s5 =	ssub.s32 $0x0, s20;
	[sflag:s22] =	ssyncset.done $0x0  }
0xa6: {  	[sflag:s22] =	ssyncadd.s32 s5;
	_ =	sdelay $0x1  }
0xa7: {  	s23 =	simm.s32 $0x1B8B  }
0xa8: {  	_ =	swait.ge [sflag:s23], $0x1  }
0xa9: {  	[sflag:s23] =	ssyncset.done $0x0  }
0xaa: {  	s25 =	simm.s32 $0x1B8E;
	s24 =	sld [smem:$0x3FFE];
	[sflag:s23] =	ssyncadd.s32 $0xFFFFFFFF  }
0xab: {  	s26 =	simm.s32 $execute0_lowered;
	[smem:$0x3FD2] =	sst s25  }
0xac: {  	s6 =	sshll.u32 s26, $0x1;
	_ =	strace $0x8000004C;
	[dreg:$0x1] =	wrdreg $0xFFFFFFFF  }
0xad: {  	s28 =	simm.s32 $_size_execute0_lowered;
	s4 =	sadd.s32 s4, s6;
	[dreg:$0x0] =	wrdreg $0x0  }
0xae: {  	s6 =	sshll.u32 s28, $0x1;
	[dreg:$0x2] =	wrdreg s4  }
0xaf: {  	[dreg:$0x3] =	wrdreg s6  }
0xb0: {  	[dreg:$0x4] =	wrdreg $0xC0  }
0xb1: {  	_ =	task [dreg:s8], $0x5FFFF  }
0xb2: {  	[dreg:$0x1] =	wrdreg $0xFFFFFFFF  }
0xb3: {  	[dreg:$0x0] =	wrdreg $0x60  }
0xb4: {  	[dreg:$0x2] =	wrdreg s16  }
0xb5: {  	[dreg:$0x3] =	wrdreg s24  }
0xb6: {  	[dreg:$0x4] =	wrdreg s17  }
0xb7: {  	[dreg:$0x5] =	wrdreg $0xA9000  }
0xb8: {  	[dreg:$0x6] =	wrdreg $0x9  }
0xb9: {  	_ =	task.clear_ibuf [dreg:s8], $0x7FFFF;
	_ =	strace $0x9000004C  }
0xba: {  	s29 =	simm.s32 $0x9;
	_ =	strace $0x8000004E  }
0xbb: {  	_ =	swait.ge [sflag:s29], $0x1  }
0xbc: {  	[sflag:s29] =	ssyncadd.s32 $0xFFFFFFFF  }
0xbd: {  	_ =	strace $0x9000004E  }
0xbe: {  	_ =	sfence  }
0xbf: {  	s30 =	sld [smem:$0x0];
	_ =	sdelay $0x2  }
0xc0: {  	s31 =	sshll.u32 s1, $0xD;
	s1 =	sshrl.u32 s1, $0x2  }
0xc1: {  	s3 =	sand.u32 $0x4000, s31;
	s1 =	sadd.s32 s1, s30  }
0xc2: {  	s0 =	sor.u32 s3, s0;
	s1 =	sshll.u32 s1, $0x11  }
0xc3: {  	s0 =	sor.u32 s1, s0  }
0xc4: {  	s0 =	sadd.s32 $0x8F2B, s0  }
0xc5: {  	[sflag:s0] =	ssyncadd.remote.s32 $0x1  }
0xc6: {  	_ =	sfence.sel $0xFFFF  }
0xc7: {  	[dreg:$0x0] =	wrdreg $0xFFFFFFFF;
	(pc) =	sbr.abs _section_cstart, $3  }
0xc8: {  	[dreg:$0x1] =	wrdreg $0xFFFFFFFF  }
0xc9: {  	_ =	task.clear_ibuf [dreg:s8], $0x2FFFF;
	_ =	strace $0x9FFFFFFF  }
0xca: {  	(tm) =	ssettm $0x7FFFFFFF  }
0xcb: {  	_ =	shalt  }
tec
execute0_lowered:
.L_overlay_start_1:
0x0: {  	(tag) =	ssettag $0x1  }
0x1: {  	s1 =	rddreg [dreg:$0x0]  }
0x2: {  	s0 =	rddreg [dreg:$0x1]  }
0x3: {  	s4 =	rddreg [dreg:$0x3];
	s5 =	simm.s32 $0x0  }
0x4: {  	s2 =	srdreg.scid;
	s18 =	stileid.u32;
	s13 =	simm.s32 $0x7  }
0x5: {  	s14 =	simm.s32 $0x2800;
	s15 =	simm.s32 $0x7D;
	s16 =	simm.s32 $0x2900  }
0x6: {  	s17 =	simm.s32 $0x2880;
	s21 =	simm.s32 $0x1;
	s22 =	simm.s32 $0x3  }
0x7: {  	s23 =	simm.s32 $0x5;
	s24 =	simm.s32 $0x2;
	s25 =	simm.s32 $0x4  }
0x8: {  	s30 =	simm.s32 $0x0;
	s2 =	sand.u32 $0x1, s2;
	s3 =	smul.u32 $0x2800, s18  }
0x9: {  	s6 =	sshll.u32 s18, $0x1;
	[smem:$0x7FF] =	sst s5;
	s7 =	sadd.s32 $0x4C00, s0  }
0xa: {  	s11 =	smul.u32 $0x50000, s18;
	s31 =	sshll.u32 s18, $0x6;
	s18 =	simm.s32 $0x6900  }
0xb: {  	s8 =	smul.u32 $0x28000, s2;
	s6 =	sor.u32 s2, s6;
	_ =	strace $0x8000004D  }
0xc: {  	s2 =	ssub.s32 $0x2, s2;
	s19 =	sor.u32 $0x1C07, s31;
	s6 =	smul.u32 $0x2800, s6  }
0xd: {  	s26 =	sshrl.u32 s2, $0x1;
	s29 =	sshrl.u32 s11, $0x2;
	s3 =	sadd.s32 s3, s8  }
0xe: {  	s2 =	ssub.s32 s2, s26;
	s26 =	simm.s32 $0x6;
	s9 =	sshrl.u32 s6, $0x3  }
0xf: {  	s0 =	sadd.s32 s3, s0;
	s3 =	sadd.s32 s29, s4;
	s8 =	sadd.s32 s7, s9  }
0x10: {  	s12 =	smax.u32 s2, $0x1;
	s11 =	sadd.s32 $0x18C00, s0;
	s28 =	sadd.s32 $0xA000, s8  }
0x11: {  	s20 =	sshrl.u32 s3, $0x3;
	s10 =	sadd.s32 $0x10, s8;
	[dreg:$0x5] =	wrdreg s28  }
.LBB2_1:
0x12: {  	s0 =	rddreg [dreg:$0x5]  }
0x13: {  	[tilespmem:s5], [sflag:$0x7] =	stream.linear.gather [hbm4b:s0+s5], $0x2800, $0x38;
	[tilespmem:$0x1E900] =	vst v63  }
0x14: {  	_ =	swait.ge [sflag:s13], $0x2800  }
0x15: {  	[sflag:s13] =	ssyncset.done $0x0  }
0x16: {  	[sflag:s13] =	ssyncadd.s32 $0xFFFFD800  }
0x17: {  	[tilespmem:s14], [sflag:$0x7] =	stream.linear.gather [hbm4b:s8+s5], $0x80, $0x38;
	[tilespmem:$0x1E900] =	vst v63  }
0x18: {  	_ =	swait.ge [sflag:s13], $0x80  }
0x19: {  	[sflag:s13] =	ssyncset.done $0x0  }
0x1a: {  	[sflag:s13] =	ssyncadd.s32 $0xFFFFFF80  }
0x1b: {  	[tilespmem:s16], [sflag:$0x1] =	stream.indirect.gather [hbm4b:s1+s15], $0x80, s14, s15, $0xb8;
	[tilespmem:$0x1E900] =	vst v63  }
0x1c: {  	_ = 	snop  }
0x1d: {  	[tilespmem:s17], [sflag:$0x7] =	stream.linear.gather [hbm4b:s10+s5], $0x80, $0x38;
	[tilespmem:$0x1E900] =	vst v63  }
0x1e: {  	_ =	swait.ge [sflag:s13], $0x80  }
0x1f: {  	[sflag:s13] =	ssyncset.done $0x0  }
0x20: {  	[sflag:s13] =	ssyncadd.s32 $0xFFFFFF80  }
0x21: {  	[tilespmem:s18], [sflag:$0x2] =	stream.indirect.gather [hbm4b:s1+s15], $0x80, s17, s15, $0xb8;
	[tilespmem:$0x1E900] =	vst v63  }
0x22: {  	s28 =	rddreg [dreg:$0x2]  }
0x23: {  	[spmem:s20], [sflag:s19] =	dma.local [hbm:s28], $0x2800  }
0x24: {  	_ =	swait.ge [sflag:s13], $0x2800  }
0x25: {  	s29 =	simm.s32 $0x100;
	[sflag:s13] =	ssyncset.done $0x0  }
0x26: {  	s2 =	sand.u32 $0x7C00, s29;
	[sflag:s13] =	ssyncadd.s32 $0xFFFFD800  }
0x27: {  	s0 =	sand.u32 $0x300, s29;
	s2 =	sadd.s32 s6, s2;
	[bflag:$0x0] =	sbarrier.arrive $0xFFFF  }
0x28: {  	s0 =	sor.u32 s0, s2;
	_ =	swait.ge [sflag:s21], $0x3E80  }
0x29: {  	s0 =	sshrl.u32 s0, $0x3;
	[sflag:s21] =	ssyncset.done $0x0  }
0x2a: {  	s0 =	sadd.s32 s7, s0;
	[sflag:s21] =	ssyncadd.s32 $0xFFFFC180  }
0x2b: {  	[tilespmem:s14], [sflag:$0x5] =	stream.linear.gather [hbm4b:s0+s5], $0x80, $0x38;
	[tilespmem:$0x1E900] =	vst v63  }
0x2c: {  	s3 =	simm.s32 $0x0  }
0x2d: {  	[spmem:s4] =	stream.indirect.scatter.add.f32 [tilespmem:s16], [sflag:$0x3], $0x80, s3, s15, $0xb8;
	[tilespmem:$0x1E900] =	vst v63  }
0x2e: {  	_ =	swait.ge [sflag:s22], $0x3E80  }
0x2f: {  	[sflag:s22] =	ssyncset.done $0x0  }
0x30: {  	[sflag:s22] =	ssyncadd.s32 $0xFFFFC180  }
0x31: {  	s9 =	simm.s32 $0x180;
	_ =	swait.ge [sflag:s23], $0x80  }
0x32: {  	s28 =	sand.u32 $0x7C00, s9;
	[sflag:s23] =	ssyncset.done $0x0  }
0x33: {  	s2 =	sadd.s32 s6, s28;
	s0 =	sand.u32 $0x380, s9;
	[sflag:s23] =	ssyncadd.s32 $0xFFFFFF80  }
0x34: {  	[tilespmem:s16], [sflag:$0x1] =	stream.indirect.gather [hbm4b:s1+s15], $0x80, s14, s15, $0xb8;
	[tilespmem:$0x1E900] =	vst v63  }
0x35: {  	s0 =	sor.u32 s0, s2;
	_ =	swait.ge [sflag:s24], $0x3E80  }
0x36: {  	s0 =	sshrl.u32 s0, $0x3;
	[sflag:s24] =	ssyncset.done $0x0  }
0x37: {  	s0 =	sadd.s32 s7, s0;
	[sflag:s24] =	ssyncadd.s32 $0xFFFFC180  }
0x38: {  	[tilespmem:s17], [sflag:$0x6] =	stream.linear.gather [hbm4b:s0+s5], $0x80, $0x38;
	[tilespmem:$0x1E900] =	vst v63  }
0x39: {  	s29 =	simm.s32 $0x80  }
0x3a: {  	[spmem:s4] =	stream.indirect.scatter.add.f32 [tilespmem:s18], [sflag:$0x4], $0x80, s29, s15, $0xb8;
	[tilespmem:$0x1E900] =	vst v63  }
0x3b: {  	s31 =	simm.s32 $0x180;
	s2 =	simm.s32 $0x200;
	_ =	swait.ge [sflag:s25], $0x3E80  }
0x3c: {  	s3 =	simm.s32 $0x380;
	s0 =	simm.s32 $0x280;
	[sflag:s25] =	ssyncset.done $0x0  }
.LBB2_2:
0x3d: {  	s29 =	sand.u32 $0x7C00, s2  }
0x3e: {  	[sflag:s25] =	ssyncadd.s32 $0xFFFFC180;
	s9 =	smov.u32 s3;
	s28 =	sadd.s32 $0x100, s3  }
0x3f: {  	s2 =	sand.u32 $0x300, s2;
	s29 =	sadd.s32 s6, s29;
	_ =	swait.ge [sflag:s26], $0x80  }
0x40: {  	p0 =	sne.s32 s3, $0x2780;
	s2 =	sor.u32 s2, s29;
	[sflag:s26] =	ssyncset.done $0x0  }
0x41: {  	s2 =	sshrl.u32 s2, $0x3;
	[sflag:s26] =	ssyncadd.s32 $0xFFFFFF80  }
0x42: {  	[tilespmem:s18], [sflag:$0x2] =	stream.indirect.gather [hbm4b:s1+s15], $0x80, s17, s15, $0xb8;
	[tilespmem:$0x1E900] =	vst v63  }
0x43: {  	_ =	swait.ge [sflag:s21], $0x3E80  }
0x44: {  	[sflag:s21] =	ssyncset.done $0x0  }
0x45: {  	s2 =	sadd.s32 s7, s2;
	[sflag:s21] =	ssyncadd.s32 $0xFFFFC180  }
0x46: {  	[tilespmem:s14], [sflag:$0x5] =	stream.linear.gather [hbm4b:s2+s5], $0x80, $0x38;
	[tilespmem:$0x1E900] =	vst v63  }
0x47: {  	s2 =	sadd.s32 $0xFFFFFF80, s31  }
0x48: {  	[spmem:s4] =	stream.indirect.scatter.add.f32 [tilespmem:s16], [sflag:$0x3], $0x80, s2, s15, $0xb8;
	[tilespmem:$0x1E900] =	vst v63  }
0x49: {  	_ =	swait.ge [sflag:s22], $0x3E80  }
0x4a: {  	[sflag:s22] =	ssyncset.done $0x0  }
0x4b: {  	[sflag:s22] =	ssyncadd.s32 $0xFFFFC180  }
0x4c: {  	_ =	swait.ge [sflag:s23], $0x80  }
0x4d: {  	[sflag:s23] =	ssyncset.done $0x0  }
0x4e: {  	s2 =	sand.u32 $0x7C00, s0;
	[sflag:s23] =	ssyncadd.s32 $0xFFFFFF80  }
0x4f: {  	[tilespmem:s16], [sflag:$0x1] =	stream.indirect.gather [hbm4b:s1+s15], $0x80, s14, s15, $0xb8;
	[tilespmem:$0x1E900] =	vst v63  }
0x50: {  	s3 =	sand.u32 $0x380, s0;
	s0 =	smov.u32 s9;
	s2 =	sadd.s32 s6, s2  }
0x51: {  	s2 =	sor.u32 s3, s2;
	_ =	swait.ge [sflag:s24], $0x3E80  }
0x52: {  	s2 =	sshrl.u32 s2, $0x3;
	[sflag:s24] =	ssyncset.done $0x0  }
0x53: {  	s2 =	sadd.s32 s7, s2;
	[sflag:s24] =	ssyncadd.s32 $0xFFFFC180  }
0x54: {  	[tilespmem:s17], [sflag:$0x6] =	stream.linear.gather [hbm4b:s2+s5], $0x80, $0x38;
	[tilespmem:$0x1E900] =	vst v63  }
.Ltmp0:
0x55: {  	_ = 	snop;
	(pc) =	sbr.rel @p0 .LBB2_2-.Ltmp0, $4  }
0x56: {  	_ = 	snop  }
0x57: {  	[spmem:s4] =	stream.indirect.scatter.add.f32 [tilespmem:s18], [sflag:$0x4], $0x80, s31, s15, $0xb8;
	[tilespmem:$0x1E900] =	vst v63  }
0x58: {  	s3 =	smov.u32 s28;
	_ =	swait.ge [sflag:s25], $0x3E80  }
0x59: {  	s2 =	sadd.s32 $0xFFFFFF80, s0;
	s31 =	sadd.s32 $0x100, s31;
	[sflag:s25] =	ssyncset.done $0x0  }
0x5a: {  	[sflag:s25] =	ssyncadd.s32 $0xFFFFC180  }
0x5b: {  	_ =	swait.ge [sflag:s26], $0x80  }
0x5c: {  	s3 =	sand.u32 $0x7C00, s2;
	[sflag:s26] =	ssyncset.done $0x0  }
0x5d: {  	s29 =	sand.u32 $0x300, s2;
	s3 =	sadd.s32 s6, s3;
	[sflag:s26] =	ssyncadd.s32 $0xFFFFFF80  }
0x5e: {  	[tilespmem:s18], [sflag:$0x2] =	stream.indirect.gather [hbm4b:s1+s15], $0x80, s17, s15, $0xb8;
	[tilespmem:$0x1E900] =	vst v63  }
0x5f: {  	s2 =	sor.u32 s29, s3;
	_ =	swait.ge [sflag:s21], $0x3E80  }
0x60: {  	s2 =	sshrl.u32 s2, $0x3;
	[sflag:s21] =	ssyncset.done $0x0  }
0x61: {  	s2 =	sadd.s32 s7, s2;
	[sflag:s21] =	ssyncadd.s32 $0xFFFFC180  }
0x62: {  	[tilespmem:s14], [sflag:$0x5] =	stream.linear.gather [hbm4b:s2+s5], $0x80, $0x38;
	[tilespmem:$0x1E900] =	vst v63  }
0x63: {  	s3 =	sadd.s32 $0xFFFFFF80, s31  }
0x64: {  	[spmem:s4] =	stream.indirect.scatter.add.f32 [tilespmem:s16], [sflag:$0x3], $0x80, s3, s15, $0xb8;
	[tilespmem:$0x1E900] =	vst v63  }
0x65: {  	_ =	swait.ge [sflag:s22], $0x3E80  }
0x66: {  	[sflag:s22] =	ssyncset.done $0x0  }
0x67: {  	[sflag:s22] =	ssyncadd.s32 $0xFFFFC180  }
0x68: {  	_ =	swait.ge [sflag:s23], $0x80  }
0x69: {  	s9 =	sand.u32 $0x7C00, s0;
	[sflag:s23] =	ssyncset.done $0x0  }
0x6a: {  	s28 =	sand.u32 $0x380, s0;
	s2 =	sadd.s32 s6, s9;
	[sflag:s23] =	ssyncadd.s32 $0xFFFFFF80  }
0x6b: {  	[tilespmem:s16], [sflag:$0x1] =	stream.indirect.gather [hbm4b:s1+s15], $0x80, s14, s15, $0xb8;
	[tilespmem:$0x1E900] =	vst v63  }
0x6c: {  	s0 =	sor.u32 s28, s2;
	_ =	swait.ge [sflag:s24], $0x3E80  }
0x6d: {  	s0 =	sshrl.u32 s0, $0x3;
	[sflag:s24] =	ssyncset.done $0x0  }
0x6e: {  	s0 =	sadd.s32 s7, s0;
	[sflag:s24] =	ssyncadd.s32 $0xFFFFC180  }
0x6f: {  	[tilespmem:s17], [sflag:$0x6] =	stream.linear.gather [hbm4b:s0+s5], $0x80, $0x38;
	[tilespmem:$0x1E900] =	vst v63  }
0x70: {  	_ = 	snop  }
0x71: {  	[spmem:s4] =	stream.indirect.scatter.add.f32 [tilespmem:s18], [sflag:$0x4], $0x80, s31, s15, $0xb8;
	[tilespmem:$0x1E900] =	vst v63  }
0x72: {  	_ =	swait.ge [sflag:s25], $0x3E80  }
0x73: {  	[sflag:s25] =	ssyncset.done $0x0  }
0x74: {  	[sflag:s25] =	ssyncadd.s32 $0xFFFFC180  }
0x75: {  	_ =	swait.ge [sflag:s26], $0x80  }
0x76: {  	[sflag:s26] =	ssyncset.done $0x0  }
0x77: {  	[sflag:s26] =	ssyncadd.s32 $0xFFFFFF80  }
0x78: {  	[tilespmem:s18], [sflag:$0x2] =	stream.indirect.gather [hbm4b:s1+s15], $0x80, s17, s15, $0xb8;
	[tilespmem:$0x1E900] =	vst v63  }
0x79: {  	_ =	swait.ge [sflag:s21], $0x3E80  }
0x7a: {  	[sflag:s21] =	ssyncset.done $0x0  }
0x7b: {  	s29 =	simm.s32 $0x2700;
	[sflag:s21] =	ssyncadd.s32 $0xFFFFC180  }
0x7c: {  	[spmem:s4] =	stream.indirect.scatter.add.f32 [tilespmem:s16], [sflag:$0x3], $0x80, s29, s15, $0xb8;
	[tilespmem:$0x1E900] =	vst v63  }
0x7d: {  	_ =	swait.ge [sflag:s22], $0x3E80  }
0x7e: {  	[sflag:s22] =	ssyncset.done $0x0  }
0x7f: {  	[sflag:s22] =	ssyncadd.s32 $0xFFFFC180  }
0x80: {  	_ =	swait.ge [sflag:s24], $0x3E80  }
0x81: {  	[sflag:s24] =	ssyncset.done $0x0  }
0x82: {  	s31 =	simm.s32 $0x2780;
	[sflag:s24] =	ssyncadd.s32 $0xFFFFC180  }
0x83: {  	[spmem:s4] =	stream.indirect.scatter.add.f32 [tilespmem:s18], [sflag:$0x4], $0x80, s31, s15, $0xb8;
	[tilespmem:$0x1E900] =	vst v63  }
0x84: {  	_ =	swait.ge [sflag:s25], $0x3E80  }
0x85: {  	s30 =	sadd.s32 $0x1, s30;
	[sflag:s25] =	ssyncset.done $0x0  }
0x86: {  	p0 =	sne.s32 s30, s12;
	[sflag:s25] =	ssyncadd.s32 $0xFFFFC180  }
.Ltmp1:
0x87: {  	[bflag:$0x0] =	sbarrier.arrive $0xFFFF;
	(pc) =	sbr.rel @p0 .LBB2_1-.Ltmp1, $4  }
0x88: {  	[hbm:s11], [sflag:s19] =	dma.local [spmem:s20], $0x2800  }
0x89: {  	_ =	swait.ge [sflag:s13], $0x2800  }
0x8a: {  	[sflag:s13] =	ssyncset.done $0x0  }
0x8b: {  	[sflag:s13] =	ssyncadd.s32 $0xFFFFD800  }
0x8c: {  	_ =	sfence.sel $0x180000  }
0x8d: {  	[bflag:$0x0] =	sbarrier.arrive $0xFFFF  }
0x8e: {  	_ =	strace $0x9000004D  }
0x8f: {  	s0 =	stileid.u32;
	[bflag:$0x2] =	sbarrier.arrive $0xFFFF  }
0x90: {  	p0 =	sne.s32 s0, $0x0;
	s0 =	rddreg [dreg:$0x4]  }
0x91: {  	s0 =	sadd.s32 @!p0 $0x100000, s0  }
0x92: {  	[sflag:s0] =	ssyncadd.tile.s32 @!p0 $0x1;
	_ =	shalt  }
.Lfunc_end2:
_tile_overlayer_lowered:
.L_overlay_start_2:
0x93: {  	(tag) =	ssettag $0x2  }
0x94: {  	s0 =	rddreg [dreg:$0x0];
	s2 =	stileid.u32  }
0x95: {  	s1 =	rddreg [dreg:$0x1];
	p0 =	sne.s32 s2, $0x0  }
0x96: {  	s3 =	rddreg [dreg:$0x2];
	[bflag:$0x3] =	sbarrier.arrive $0xFFFF;
	s2 =	simm.s32 @!p0 $0x1C07  }
0x97: {  	[timem:s3], [sflag:s2] =	dma.local @!p0 [hbm:s0], s1  }
0x98: {  	s0 =	simm.s32 @!p0 $0x7  }
0x99: {  	_ =	swait.ge @!p0 [sflag:s0], s1  }
0x9a: {  	s1 =	ssub.s32 @!p0 $0x0, s1;
	[sflag:s0] =	ssyncset.done @!p0 $0x0  }
0x9b: {  	[sflag:s0] =	ssyncadd.s32 @!p0 s1  }
0x9c: {  	[bflag:$0x3] =	sbarrier.arrive $0xFFFF  }
0x9d: {  	_ =	shalt  }

// kernel: kernel.20.cloned.1.call-start
scs
__scs_entry_jumppad:
0x0: {  	(pc) =	sbr.rel $0x88, $3  }
0x1: {  	(tag) =	ssettag $0x0;
	lr =	simm.s32 $0x1  }
0x2: {  	[smem:$0x3F8D] =	sst lr;
	_ =	strace $0xD0000000  }
0x3: {  	_ = 	snop  }
0x4: {  	_ = 	snop  }
0x5: {  	_ = 	snop  }
0x6: {  	_ = 	snop  }
0x7: {  	_ = 	snop  }
__scs_overlays_trampoline_lowered:
0x8: {  	[smem:$0x3F9C] =	sst s0  }
0x9: {  	[smem:$0x3F9D] =	sst s1  }
0xa: {  	[smem:$0x3F9E] =	sst s2  }
0xb: {  	[smem:$0x3F9F] =	sst s3  }
0xc: {  	[smem:$0x3FA0] =	sst s4  }
0xd: {  	[smem:$0x3FA1] =	sst s5  }
0xe: {  	[smem:$0x3FA2] =	sst s6  }
0xf: {  	[smem:$0x3FA3] =	sst s7  }
0x10: {  	[smem:$0x3FA4] =	sst s8  }
0x11: {  	[smem:$0x3FA5] =	sst s9;
	s0 =	simm.s32 @!p0 $0x0  }
0x12: {  	s1 =	sld [smem:$0x3F8B];
	s0 =	simm.s32 @p0 $0x1  }
0x13: {  	[smem:$0x3FA6] =	sst s0;
	s0 =	simm.s32 @!p1 $0x0  }
0x14: {  	s2 =	sld [smem:$0x3F8A];
	s0 =	simm.s32 @p1 $0x1  }
0x15: {  	[smem:$0x3FA7] =	sst s0;
	s0 =	simm.s32 @!p2 $0x0  }
0x16: {  	s3 =	sld [smem:$0x3FDB];
	s0 =	simm.s32 @p2 $0x1  }
0x17: {  	s4 =	simm.s32 $0x1BF5;
	[smem:$0x3FA9] =	sst s0  }
0x18: {  	s0 =	sld [smem:$0x3F8C];
	_ =	swait.ge [sflag:s4], $0x0  }
0x19: {  	s7 =	sld [smem:$0x3F8D]  }
0x1a: {  	s8 =	sadd.s32 $0xFFFFE003, lr  }
0x1b: {  	s9 =	sadd.s32 $0xFFFFFEF7, lr;
	s5 =	simm.s32 $0xFFFFFFFF;
	p2 =	slt.u32 s8, $0xFFFFF086  }
0x1c: {  	p1 =	slt.u32 s9, $0xF7A;
	s5 =	simm.s32 @!p2 $0x0  }
0x1d: {  	s5 =	simm.s32 @p1 $0x1;
	p0 =	seq.s32 s7, s2  }
0x1e: {  	s7 =	smul.u32 @!p0 $0xF7A, s2;
	p2 =	seq.s32 @!p0 s5, $0x0  }
0x1f: {  	s9 =	smul.u32 $0xF7A, s1;
	s8 =	simm.s32 @!p0 $0x1BF5;
	p2 =	por !p2, p0  }
0x20: {  	[sflag:s8] =	ssyncset.s32 @!p0 $0xFFFFF086;
	s6 =	sadd.s32 @!p0 s3, s7;
	s7 =	simm.s32 @!p0 $0x108  }
0x21: {  	s3 =	sadd.s32 s3, s9;
	s6 =	sadd.s32 @!p0 $0x88, s6;
	s7 =	simm.s32 @p2 $0x1082  }
0x22: {  	[simem:s7], [sflag:s8] =	dma.local @!p0 [hbm:s6], $0xF7A  }
0x23: {  	s9 =	sor.u32 $0xD0000000, s2;
	s6 =	simm.s32 $0x108;
	_ =	swait.ge @!p0 [sflag:s8], $0x0  }
0x24: {  	s3 =	sadd.s32 $0x88, s3;
	s6 =	simm.s32 @!p1 $0x1082;
	[sflag:s4] =	ssyncset.s32 $0xFFFFF086  }
0x25: {  	[simem:s6], [sflag:s4] =	dma.local [hbm:s3], $0xF7A  }
0x26: {  	[smem:$0x3F8D] =	sst s1;
	(tag) =	ssettag s2;
	_ =	strace s9  }
0x27: {  	s1 =	sld [smem:$0x3F9D]  }
0x28: {  	s2 =	sld [smem:$0x3F9E]  }
0x29: {  	s4 =	sld [smem:$0x3FA0]  }
0x2a: {  	p0 =	seq.s32 s5, $0x0;
	s5 =	sld [smem:$0x3FA1]  }
0x2b: {  	s6 =	sld [smem:$0x3FA2]  }
0x2c: {  	s7 =	sld [smem:$0x3FA3]  }
0x2d: {  	s3 =	simm.s32 $0x108;
	s8 =	sld [smem:$0x3FA4]  }
0x2e: {  	s3 =	simm.s32 @!p0 $0x1082;
	s9 =	sld [smem:$0x3FA5]  }
0x2f: {  	lr =	sadd.s32 s0, s3;
	s0 =	sld [smem:$0x3F9C]  }
0x30: {  	s3 =	sld [smem:$0x3F9F]  }
0x31: {  	[smem:$0x3FA8] =	sst s10  }
0x32: {  	s10 =	sld [smem:$0x3FA6];
	_ =	sdelay $0x3  }
0x33: {  	p0 =	seq.s32 s10, $0x1;
	s10 =	sld [smem:$0x3FA8];
	_ =	sdelay $0x3  }
0x34: {  	[smem:$0x3FA8] =	sst s10  }
0x35: {  	s10 =	sld [smem:$0x3FA7];
	_ =	sdelay $0x3  }
0x36: {  	p1 =	seq.s32 s10, $0x1;
	s10 =	sld [smem:$0x3FA8];
	_ =	sdelay $0x3  }
0x37: {  	[smem:$0x3FA8] =	sst s10  }
0x38: {  	s10 =	sld [smem:$0x3FA9]  }
0x39: {  	_ = 	snop;
	(pc) =	sbr.ind lr, $3  }
0x3a: {  	_ = 	snop  }
0x3b: {  	_ = 	snop  }
0x3c: {  	p2 =	seq.s32 s10, $0x1;
	s10 =	sld [smem:$0x3FA8]  }
0x3d: {  	_ =	shalt  }
0x3e: {  	_ =	shalt  }
0x3f: {  	_ =	shalt  }
0x40: {  	_ =	shalt  }
0x41: {  	_ =	shalt  }
0x42: {  	_ =	shalt  }
0x43: {  	_ =	shalt  }
0x44: {  	_ =	shalt  }
0x45: {  	_ =	shalt  }
0x46: {  	_ =	shalt  }
0x47: {  	_ =	shalt  }
0x48: {  	_ =	shalt  }
0x49: {  	_ =	shalt  }
0x4a: {  	_ =	shalt  }
0x4b: {  	_ =	shalt  }
0x4c: {  	_ =	shalt  }
0x4d: {  	_ =	shalt  }
0x4e: {  	_ =	shalt  }
0x4f: {  	_ =	shalt  }
0x50: {  	_ =	shalt  }
0x51: {  	_ =	shalt  }
0x52: {  	_ =	shalt  }
0x53: {  	_ =	shalt  }
0x54: {  	_ =	shalt  }
0x55: {  	_ =	shalt  }
0x56: {  	_ =	shalt  }
0x57: {  	_ =	shalt  }
0x58: {  	_ =	shalt  }
0x59: {  	_ =	shalt  }
0x5a: {  	_ =	shalt  }
0x5b: {  	_ =	shalt  }
0x5c: {  	_ =	shalt  }
0x5d: {  	_ =	shalt  }
0x5e: {  	_ =	shalt  }
0x5f: {  	_ =	shalt  }
0x60: {  	_ =	shalt  }
0x61: {  	_ =	shalt  }
0x62: {  	_ =	shalt  }
0x63: {  	_ =	shalt  }
0x64: {  	_ =	shalt  }
0x65: {  	_ =	shalt  }
0x66: {  	_ =	shalt  }
0x67: {  	_ =	shalt  }
0x68: {  	_ =	shalt  }
0x69: {  	_ =	shalt  }
0x6a: {  	_ =	shalt  }
0x6b: {  	_ =	shalt  }
0x6c: {  	_ =	shalt  }
0x6d: {  	_ =	shalt  }
0x6e: {  	_ =	shalt  }
0x6f: {  	_ =	shalt  }
0x70: {  	_ =	shalt  }
0x71: {  	_ =	shalt  }
0x72: {  	_ =	shalt  }
0x73: {  	_ =	shalt  }
0x74: {  	_ =	shalt  }
0x75: {  	_ =	shalt  }
0x76: {  	_ =	shalt  }
0x77: {  	_ =	shalt  }
0x78: {  	_ =	shalt  }
0x79: {  	_ =	shalt  }
0x7a: {  	_ =	shalt  }
0x7b: {  	_ =	shalt  }
0x7c: {  	_ =	shalt  }
0x7d: {  	_ =	shalt  }
0x7e: {  	_ =	shalt  }
0x7f: {  	_ =	shalt  }
0x80: {  	_ =	shalt  }
0x81: {  	_ =	shalt  }
0x82: {  	_ =	shalt  }
0x83: {  	_ =	shalt  }
0x84: {  	_ =	shalt  }
0x85: {  	_ =	shalt  }
0x86: {  	_ =	shalt  }
0x87: {  	_ =	shalt  }
.Lfunc_end0:
.L_simem_size_0:
called_computation.3_lowered:
.L_overlay_start_0:
0x88: {  	s2 =	sld [smem:$0x3FD9]  }
0x89: {  	s3 =	sld [smem:$0x3FFE];
	_ =	sdelay $0x1  }
0x8a: {  	s1 =	srdreg.scid  }
0x8b: {  	s0 =	sand.u32 $0x1, s1  }
0x8c: {  	s14 =	sshll.u32 s0, $0xA;
	s2 =	sadd.s32 s3, s2  }
0x8d: {  	s2 =	sadd.s32 s2, s14  }
0x8e: {  	[smem:$0x3FB4] =	sst s2  }
0x8f: {  	_ = 	snop  }
0x90: {  	s2 =	sld [smem:$0x3FD0];
	_ =	sdelay $0x2  }
0x91: {  	s15 =	simm.s32 $0xA;
	s4 =	simm.s32 $0x10  }
0x92: {  	[smem:s4], [sflag:s15] =	dma.local [hbm:s2], $0x1  }
0x93: {  	_ =	swait.eq [sflag:s15], $0x1  }
0x94: {  	[sflag:s15] =	ssyncset.done $0x0  }
0x95: {  	s16 =	sld [smem:$0x10];
	[sflag:s15] =	ssyncadd.s32 $0xFFFFFFFF  }
0x96: {  	s17 =	sld [smem:$0x11];
	(tm) =	ssettm $0x1  }
0x97: {  	s18 =	sld [smem:$0x3FFB];
	_ =	sdelay $0x3  }
0x98: {  	_ =	strace s18  }
0x99: {  	s4 =	sld [smem:$0x3FFC];
	_ =	sdelay $0x3  }
0x9a: {  	_ =	strace s4  }
0x9b: {  	s4 =	sld [smem:$0x3FFD];
	_ =	sdelay $0x3  }
0x9c: {  	_ =	strace s4  }
0x9d: {  	_ =	strace $0x8FFFFFFF  }
0x9e: {  	s19 =	sld [smem:$0x3FDB];
	_ =	sdelay $0x1  }
0x9f: {  	s5 =	simm.s32 $_scs_section_size  }
0xa0: {  	s6 =	simm.s32 $_size__tile_overlayer_lowered;
	s7 =	simm.s32 $_tile_overlayer_lowered  }
0xa1: {  	s22 =	simm.s32 $0x1BFF;
	s21 =	sshll.u32 s7, $0x1;
	s4 =	sadd.s32 s5, s19  }
0xa2: {  	s8 =	simm.s32 $0x0;
	s20 =	sshll.u32 s6, $0x1;
	s6 =	sadd.s32 s21, s4  }
0xa3: {  	[timem:s8], [sflag:s22] =	dma.local [hbm:s6], s20  }
0xa4: {  	_ =	swait.ge [sflag:s22], s20  }
0xa5: {  	s5 =	ssub.s32 $0x0, s20;
	[sflag:s22] =	ssyncset.done $0x0  }
0xa6: {  	[sflag:s22] =	ssyncadd.s32 s5;
	_ =	sdelay $0x1  }
0xa7: {  	s23 =	simm.s32 $0x1B8B  }
0xa8: {  	_ =	swait.ge [sflag:s23], $0x1  }
0xa9: {  	[sflag:s23] =	ssyncset.done $0x0  }
0xaa: {  	s25 =	simm.s32 $0x1B8E;
	s24 =	sld [smem:$0x3FFE];
	[sflag:s23] =	ssyncadd.s32 $0xFFFFFFFF  }
0xab: {  	s26 =	simm.s32 $execute0_lowered;
	[smem:$0x3FD2] =	sst s25  }
0xac: {  	s6 =	sshll.u32 s26, $0x1;
	_ =	strace $0x8000004F;
	[dreg:$0x1] =	wrdreg $0xFFFFFFFF  }
0xad: {  	s28 =	simm.s32 $_size_execute0_lowered;
	s4 =	sadd.s32 s4, s6;
	[dreg:$0x0] =	wrdreg $0x0  }
0xae: {  	s6 =	sshll.u32 s28, $0x1;
	[dreg:$0x2] =	wrdreg s4  }
0xaf: {  	[dreg:$0x3] =	wrdreg s6  }
0xb0: {  	[dreg:$0x4] =	wrdreg $0xC0  }
0xb1: {  	_ =	task [dreg:s8], $0x5FFFF  }
0xb2: {  	[dreg:$0x1] =	wrdreg $0xFFFFFFFF  }
0xb3: {  	[dreg:$0x0] =	wrdreg $0x60  }
0xb4: {  	[dreg:$0x2] =	wrdreg s16  }
0xb5: {  	[dreg:$0x3] =	wrdreg s24  }
0xb6: {  	[dreg:$0x4] =	wrdreg s17  }
0xb7: {  	[dreg:$0x5] =	wrdreg $0xA9000  }
0xb8: {  	[dreg:$0x6] =	wrdreg $0x9  }
0xb9: {  	_ =	task.clear_ibuf [dreg:s8], $0x7FFFF;
	_ =	strace $0x9000004F  }
0xba: {  	s29 =	simm.s32 $0x9;
	_ =	strace $0x80000051  }
0xbb: {  	_ =	swait.ge [sflag:s29], $0x1  }
0xbc: {  	[sflag:s29] =	ssyncadd.s32 $0xFFFFFFFF  }
0xbd: {  	_ =	strace $0x90000051  }
0xbe: {  	_ =	sfence  }
0xbf: {  	s30 =	sld [smem:$0x0];
	_ =	sdelay $0x2  }
0xc0: {  	s31 =	sshll.u32 s1, $0xD;
	s1 =	sshrl.u32 s1, $0x2  }
0xc1: {  	s3 =	sand.u32 $0x4000, s31;
	s1 =	sadd.s32 s1, s30  }
0xc2: {  	s0 =	sor.u32 s3, s0;
	s1 =	sshll.u32 s1, $0x11  }
0xc3: {  	s0 =	sor.u32 s1, s0  }
0xc4: {  	s0 =	sadd.s32 $0x8F2B, s0  }
0xc5: {  	[sflag:s0] =	ssyncadd.remote.s32 $0x1  }
0xc6: {  	_ =	sfence.sel $0xFFFF  }
0xc7: {  	[dreg:$0x0] =	wrdreg $0xFFFFFFFF;
	(pc) =	sbr.abs _section_cstart, $3  }
0xc8: {  	[dreg:$0x1] =	wrdreg $0xFFFFFFFF  }
0xc9: {  	_ =	task.clear_ibuf [dreg:s8], $0x2FFFF;
	_ =	strace $0x9FFFFFFF  }
0xca: {  	(tm) =	ssettm $0x7FFFFFFF  }
0xcb: {  	_ =	shalt  }
tec
execute0_lowered:
.L_overlay_start_1:
0x0: {  	(tag) =	ssettag $0x1  }
0x1: {  	s1 =	rddreg [dreg:$0x0]  }
0x2: {  	s0 =	rddreg [dreg:$0x1]  }
0x3: {  	s4 =	rddreg [dreg:$0x3];
	s5 =	simm.s32 $0x0  }
0x4: {  	s2 =	srdreg.scid;
	s18 =	stileid.u32;
	s13 =	simm.s32 $0x7  }
0x5: {  	s14 =	simm.s32 $0x2800;
	s15 =	simm.s32 $0x7D;
	s16 =	simm.s32 $0x2900  }
0x6: {  	s17 =	simm.s32 $0x2880;
	s21 =	simm.s32 $0x1;
	s22 =	simm.s32 $0x3  }
0x7: {  	s23 =	simm.s32 $0x5;
	s24 =	simm.s32 $0x2;
	s25 =	simm.s32 $0x4  }
0x8: {  	s30 =	simm.s32 $0x0;
	s2 =	sand.u32 $0x1, s2;
	s3 =	smul.u32 $0x2800, s18  }
0x9: {  	s6 =	sshll.u32 s18, $0x1;
	[smem:$0x7FF] =	sst s5;
	s7 =	sadd.s32 $0x4C00, s0  }
0xa: {  	s11 =	smul.u32 $0x50000, s18;
	s31 =	sshll.u32 s18, $0x6;
	s18 =	simm.s32 $0x6900  }
0xb: {  	s8 =	smul.u32 $0x28000, s2;
	s6 =	sor.u32 s2, s6;
	_ =	strace $0x80000050  }
0xc: {  	s2 =	ssub.s32 $0x2, s2;
	s19 =	sor.u32 $0x1C07, s31;
	s6 =	smul.u32 $0x2800, s6  }
0xd: {  	s26 =	sshrl.u32 s2, $0x1;
	s29 =	sshrl.u32 s11, $0x2;
	s3 =	sadd.s32 s3, s8  }
0xe: {  	s2 =	ssub.s32 s2, s26;
	s26 =	simm.s32 $0x6;
	s9 =	sshrl.u32 s6, $0x3  }
0xf: {  	s0 =	sadd.s32 s3, s0;
	s3 =	sadd.s32 s29, s4;
	s8 =	sadd.s32 s7, s9  }
0x10: {  	s12 =	smax.u32 s2, $0x1;
	s11 =	sadd.s32 $0x18C00, s0;
	s28 =	sadd.s32 $0xA000, s8  }
0x11: {  	s20 =	sshrl.u32 s3, $0x3;
	s10 =	sadd.s32 $0x10, s8;
	[dreg:$0x5] =	wrdreg s28  }
.LBB2_1:
0x12: {  	s0 =	rddreg [dreg:$0x5]  }
0x13: {  	[tilespmem:s5], [sflag:$0x7] =	stream.linear.gather [hbm4b:s0+s5], $0x2800, $0x38;
	[tilespmem:$0x1E900] =	vst v63  }
0x14: {  	_ =	swait.ge [sflag:s13], $0x2800  }
0x15: {  	[sflag:s13] =	ssyncset.done $0x0  }
0x16: {  	[sflag:s13] =	ssyncadd.s32 $0xFFFFD800  }
0x17: {  	[tilespmem:s14], [sflag:$0x7] =	stream.linear.gather [hbm4b:s8+s5], $0x80, $0x38;
	[tilespmem:$0x1E900] =	vst v63  }
0x18: {  	_ =	swait.ge [sflag:s13], $0x80  }
0x19: {  	[sflag:s13] =	ssyncset.done $0x0  }
0x1a: {  	[sflag:s13] =	ssyncadd.s32 $0xFFFFFF80  }
0x1b: {  	[tilespmem:s16], [sflag:$0x1] =	stream.indirect.gather [hbm4b:s1+s15], $0x80, s14, s15, $0xb8;
	[tilespmem:$0x1E900] =	vst v63  }
0x1c: {  	_ = 	snop  }
0x1d: {  	[tilespmem:s17], [sflag:$0x7] =	stream.linear.gather [hbm4b:s10+s5], $0x80, $0x38;
	[tilespmem:$0x1E900] =	vst v63  }
0x1e: {  	_ =	swait.ge [sflag:s13], $0x80  }
0x1f: {  	[sflag:s13] =	ssyncset.done $0x0  }
0x20: {  	[sflag:s13] =	ssyncadd.s32 $0xFFFFFF80  }
0x21: {  	[tilespmem:s18], [sflag:$0x2] =	stream.indirect.gather [hbm4b:s1+s15], $0x80, s17, s15, $0xb8;
	[tilespmem:$0x1E900] =	vst v63  }
0x22: {  	s28 =	rddreg [dreg:$0x2]  }
0x23: {  	[spmem:s20], [sflag:s19] =	dma.local [hbm:s28], $0x2800  }
0x24: {  	_ =	swait.ge [sflag:s13], $0x2800  }
0x25: {  	s29 =	simm.s32 $0x100;
	[sflag:s13] =	ssyncset.done $0x0  }
0x26: {  	s2 =	sand.u32 $0x7C00, s29;
	[sflag:s13] =	ssyncadd.s32 $0xFFFFD800  }
0x27: {  	s0 =	sand.u32 $0x300, s29;
	s2 =	sadd.s32 s6, s2;
	[bflag:$0x0] =	sbarrier.arrive $0xFFFF  }
0x28: {  	s0 =	sor.u32 s0, s2;
	_ =	swait.ge [sflag:s21], $0x3E80  }
0x29: {  	s0 =	sshrl.u32 s0, $0x3;
	[sflag:s21] =	ssyncset.done $0x0  }
0x2a: {  	s0 =	sadd.s32 s7, s0;
	[sflag:s21] =	ssyncadd.s32 $0xFFFFC180  }
0x2b: {  	[tilespmem:s14], [sflag:$0x5] =	stream.linear.gather [hbm4b:s0+s5], $0x80, $0x38;
	[tilespmem:$0x1E900] =	vst v63  }
0x2c: {  	s3 =	simm.s32 $0x0  }
0x2d: {  	[spmem:s4] =	stream.indirect.scatter.add.f32 [tilespmem:s16], [sflag:$0x3], $0x80, s3, s15, $0xb8;
	[tilespmem:$0x1E900] =	vst v63  }
0x2e: {  	_ =	swait.ge [sflag:s22], $0x3E80  }
0x2f: {  	[sflag:s22] =	ssyncset.done $0x0  }
0x30: {  	[sflag:s22] =	ssyncadd.s32 $0xFFFFC180  }
0x31: {  	s9 =	simm.s32 $0x180;
	_ =	swait.ge [sflag:s23], $0x80  }
0x32: {  	s28 =	sand.u32 $0x7C00, s9;
	[sflag:s23] =	ssyncset.done $0x0  }
0x33: {  	s2 =	sadd.s32 s6, s28;
	s0 =	sand.u32 $0x380, s9;
	[sflag:s23] =	ssyncadd.s32 $0xFFFFFF80  }
0x34: {  	[tilespmem:s16], [sflag:$0x1] =	stream.indirect.gather [hbm4b:s1+s15], $0x80, s14, s15, $0xb8;
	[tilespmem:$0x1E900] =	vst v63  }
0x35: {  	s0 =	sor.u32 s0, s2;
	_ =	swait.ge [sflag:s24], $0x3E80  }
0x36: {  	s0 =	sshrl.u32 s0, $0x3;
	[sflag:s24] =	ssyncset.done $0x0  }
0x37: {  	s0 =	sadd.s32 s7, s0;
	[sflag:s24] =	ssyncadd.s32 $0xFFFFC180  }
0x38: {  	[tilespmem:s17], [sflag:$0x6] =	stream.linear.gather [hbm4b:s0+s5], $0x80, $0x38;
	[tilespmem:$0x1E900] =	vst v63  }
0x39: {  	s29 =	simm.s32 $0x80  }
0x3a: {  	[spmem:s4] =	stream.indirect.scatter.add.f32 [tilespmem:s18], [sflag:$0x4], $0x80, s29, s15, $0xb8;
	[tilespmem:$0x1E900] =	vst v63  }
0x3b: {  	s31 =	simm.s32 $0x180;
	s2 =	simm.s32 $0x200;
	_ =	swait.ge [sflag:s25], $0x3E80  }
0x3c: {  	s3 =	simm.s32 $0x380;
	s0 =	simm.s32 $0x280;
	[sflag:s25] =	ssyncset.done $0x0  }
.LBB2_2:
0x3d: {  	s29 =	sand.u32 $0x7C00, s2  }
0x3e: {  	[sflag:s25] =	ssyncadd.s32 $0xFFFFC180;
	s9 =	smov.u32 s3;
	s28 =	sadd.s32 $0x100, s3  }
0x3f: {  	s2 =	sand.u32 $0x300, s2;
	s29 =	sadd.s32 s6, s29;
	_ =	swait.ge [sflag:s26], $0x80  }
0x40: {  	p0 =	sne.s32 s3, $0x2780;
	s2 =	sor.u32 s2, s29;
	[sflag:s26] =	ssyncset.done $0x0  }
0x41: {  	s2 =	sshrl.u32 s2, $0x3;
	[sflag:s26] =	ssyncadd.s32 $0xFFFFFF80  }
0x42: {  	[tilespmem:s18], [sflag:$0x2] =	stream.indirect.gather [hbm4b:s1+s15], $0x80, s17, s15, $0xb8;
	[tilespmem:$0x1E900] =	vst v63  }
0x43: {  	_ =	swait.ge [sflag:s21], $0x3E80  }
0x44: {  	[sflag:s21] =	ssyncset.done $0x0  }
0x45: {  	s2 =	sadd.s32 s7, s2;
	[sflag:s21] =	ssyncadd.s32 $0xFFFFC180  }
0x46: {  	[tilespmem:s14], [sflag:$0x5] =	stream.linear.gather [hbm4b:s2+s5], $0x80, $0x38;
	[tilespmem:$0x1E900] =	vst v63  }
0x47: {  	s2 =	sadd.s32 $0xFFFFFF80, s31  }
0x48: {  	[spmem:s4] =	stream.indirect.scatter.add.f32 [tilespmem:s16], [sflag:$0x3], $0x80, s2, s15, $0xb8;
	[tilespmem:$0x1E900] =	vst v63  }
0x49: {  	_ =	swait.ge [sflag:s22], $0x3E80  }
0x4a: {  	[sflag:s22] =	ssyncset.done $0x0  }
0x4b: {  	[sflag:s22] =	ssyncadd.s32 $0xFFFFC180  }
0x4c: {  	_ =	swait.ge [sflag:s23], $0x80  }
0x4d: {  	[sflag:s23] =	ssyncset.done $0x0  }
0x4e: {  	s2 =	sand.u32 $0x7C00, s0;
	[sflag:s23] =	ssyncadd.s32 $0xFFFFFF80  }
0x4f: {  	[tilespmem:s16], [sflag:$0x1] =	stream.indirect.gather [hbm4b:s1+s15], $0x80, s14, s15, $0xb8;
	[tilespmem:$0x1E900] =	vst v63  }
0x50: {  	s3 =	sand.u32 $0x380, s0;
	s0 =	smov.u32 s9;
	s2 =	sadd.s32 s6, s2  }
0x51: {  	s2 =	sor.u32 s3, s2;
	_ =	swait.ge [sflag:s24], $0x3E80  }
0x52: {  	s2 =	sshrl.u32 s2, $0x3;
	[sflag:s24] =	ssyncset.done $0x0  }
0x53: {  	s2 =	sadd.s32 s7, s2;
	[sflag:s24] =	ssyncadd.s32 $0xFFFFC180  }
0x54: {  	[tilespmem:s17], [sflag:$0x6] =	stream.linear.gather [hbm4b:s2+s5], $0x80, $0x38;
	[tilespmem:$0x1E900] =	vst v63  }
.Ltmp0:
0x55: {  	_ = 	snop;
	(pc) =	sbr.rel @p0 .LBB2_2-.Ltmp0, $4  }
0x56: {  	_ = 	snop  }
0x57: {  	[spmem:s4] =	stream.indirect.scatter.add.f32 [tilespmem:s18], [sflag:$0x4], $0x80, s31, s15, $0xb8;
	[tilespmem:$0x1E900] =	vst v63  }
0x58: {  	s3 =	smov.u32 s28;
	_ =	swait.ge [sflag:s25], $0x3E80  }
0x59: {  	s2 =	sadd.s32 $0xFFFFFF80, s0;
	s31 =	sadd.s32 $0x100, s31;
	[sflag:s25] =	ssyncset.done $0x0  }
0x5a: {  	[sflag:s25] =	ssyncadd.s32 $0xFFFFC180  }
0x5b: {  	_ =	swait.ge [sflag:s26], $0x80  }
0x5c: {  	s3 =	sand.u32 $0x7C00, s2;
	[sflag:s26] =	ssyncset.done $0x0  }
0x5d: {  	s29 =	sand.u32 $0x300, s2;
	s3 =	sadd.s32 s6, s3;
	[sflag:s26] =	ssyncadd.s32 $0xFFFFFF80  }
0x5e: {  	[tilespmem:s18], [sflag:$0x2] =	stream.indirect.gather [hbm4b:s1+s15], $0x80, s17, s15, $0xb8;
	[tilespmem:$0x1E900] =	vst v63  }
0x5f: {  	s2 =	sor.u32 s29, s3;
	_ =	swait.ge [sflag:s21], $0x3E80  }
0x60: {  	s2 =	sshrl.u32 s2, $0x3;
	[sflag:s21] =	ssyncset.done $0x0  }
0x61: {  	s2 =	sadd.s32 s7, s2;
	[sflag:s21] =	ssyncadd.s32 $0xFFFFC180  }
0x62: {  	[tilespmem:s14], [sflag:$0x5] =	stream.linear.gather [hbm4b:s2+s5], $0x80, $0x38;
	[tilespmem:$0x1E900] =	vst v63  }
0x63: {  	s3 =	sadd.s32 $0xFFFFFF80, s31  }
0x64: {  	[spmem:s4] =	stream.indirect.scatter.add.f32 [tilespmem:s16], [sflag:$0x3], $0x80, s3, s15, $0xb8;
	[tilespmem:$0x1E900] =	vst v63  }
0x65: {  	_ =	swait.ge [sflag:s22], $0x3E80  }
0x66: {  	[sflag:s22] =	ssyncset.done $0x0  }
0x67: {  	[sflag:s22] =	ssyncadd.s32 $0xFFFFC180  }
0x68: {  	_ =	swait.ge [sflag:s23], $0x80  }
0x69: {  	s9 =	sand.u32 $0x7C00, s0;
	[sflag:s23] =	ssyncset.done $0x0  }
0x6a: {  	s28 =	sand.u32 $0x380, s0;
	s2 =	sadd.s32 s6, s9;
	[sflag:s23] =	ssyncadd.s32 $0xFFFFFF80  }
0x6b: {  	[tilespmem:s16], [sflag:$0x1] =	stream.indirect.gather [hbm4b:s1+s15], $0x80, s14, s15, $0xb8;
	[tilespmem:$0x1E900] =	vst v63  }
0x6c: {  	s0 =	sor.u32 s28, s2;
	_ =	swait.ge [sflag:s24], $0x3E80  }
0x6d: {  	s0 =	sshrl.u32 s0, $0x3;
	[sflag:s24] =	ssyncset.done $0x0  }
0x6e: {  	s0 =	sadd.s32 s7, s0;
	[sflag:s24] =	ssyncadd.s32 $0xFFFFC180  }
0x6f: {  	[tilespmem:s17], [sflag:$0x6] =	stream.linear.gather [hbm4b:s0+s5], $0x80, $0x38;
	[tilespmem:$0x1E900] =	vst v63  }
0x70: {  	_ = 	snop  }
0x71: {  	[spmem:s4] =	stream.indirect.scatter.add.f32 [tilespmem:s18], [sflag:$0x4], $0x80, s31, s15, $0xb8;
	[tilespmem:$0x1E900] =	vst v63  }
0x72: {  	_ =	swait.ge [sflag:s25], $0x3E80  }
0x73: {  	[sflag:s25] =	ssyncset.done $0x0  }
0x74: {  	[sflag:s25] =	ssyncadd.s32 $0xFFFFC180  }
0x75: {  	_ =	swait.ge [sflag:s26], $0x80  }
0x76: {  	[sflag:s26] =	ssyncset.done $0x0  }
0x77: {  	[sflag:s26] =	ssyncadd.s32 $0xFFFFFF80  }
0x78: {  	[tilespmem:s18], [sflag:$0x2] =	stream.indirect.gather [hbm4b:s1+s15], $0x80, s17, s15, $0xb8;
	[tilespmem:$0x1E900] =	vst v63  }
0x79: {  	_ =	swait.ge [sflag:s21], $0x3E80  }
0x7a: {  	[sflag:s21] =	ssyncset.done $0x0  }
0x7b: {  	s29 =	simm.s32 $0x2700;
	[sflag:s21] =	ssyncadd.s32 $0xFFFFC180  }
0x7c: {  	[spmem:s4] =	stream.indirect.scatter.add.f32 [tilespmem:s16], [sflag:$0x3], $0x80, s29, s15, $0xb8;
	[tilespmem:$0x1E900] =	vst v63  }
0x7d: {  	_ =	swait.ge [sflag:s22], $0x3E80  }
0x7e: {  	[sflag:s22] =	ssyncset.done $0x0  }
0x7f: {  	[sflag:s22] =	ssyncadd.s32 $0xFFFFC180  }
0x80: {  	_ =	swait.ge [sflag:s24], $0x3E80  }
0x81: {  	[sflag:s24] =	ssyncset.done $0x0  }
0x82: {  	s31 =	simm.s32 $0x2780;
	[sflag:s24] =	ssyncadd.s32 $0xFFFFC180  }
0x83: {  	[spmem:s4] =	stream.indirect.scatter.add.f32 [tilespmem:s18], [sflag:$0x4], $0x80, s31, s15, $0xb8;
	[tilespmem:$0x1E900] =	vst v63  }
0x84: {  	_ =	swait.ge [sflag:s25], $0x3E80  }
0x85: {  	s30 =	sadd.s32 $0x1, s30;
	[sflag:s25] =	ssyncset.done $0x0  }
0x86: {  	p0 =	sne.s32 s30, s12;
	[sflag:s25] =	ssyncadd.s32 $0xFFFFC180  }
.Ltmp1:
0x87: {  	[bflag:$0x0] =	sbarrier.arrive $0xFFFF;
	(pc) =	sbr.rel @p0 .LBB2_1-.Ltmp1, $4  }
0x88: {  	[hbm:s11], [sflag:s19] =	dma.local [spmem:s20], $0x2800  }
0x89: {  	_ =	swait.ge [sflag:s13], $0x2800  }
0x8a: {  	[sflag:s13] =	ssyncset.done $0x0  }
0x8b: {  	[sflag:s13] =	ssyncadd.s32 $0xFFFFD800  }
0x8c: {  	_ =	sfence.sel $0x180000  }
0x8d: {  	[bflag:$0x0] =	sbarrier.arrive $0xFFFF  }
0x8e: {  	_ =	strace $0x90000050  }
0x8f: {  	s0 =	stileid.u32;
	[bflag:$0x2] =	sbarrier.arrive $0xFFFF  }
0x90: {  	p0 =	sne.s32 s0, $0x0;
	s0 =	rddreg [dreg:$0x4]  }
0x91: {  	s0 =	sadd.s32 @!p0 $0x100000, s0  }
0x92: {  	[sflag:s0] =	ssyncadd.tile.s32 @!p0 $0x1;
	_ =	shalt  }
.Lfunc_end2:
_tile_overlayer_lowered:
.L_overlay_start_2:
0x93: {  	(tag) =	ssettag $0x2  }
0x94: {  	s0 =	rddreg [dreg:$0x0];
	s2 =	stileid.u32  }
0x95: {  	s1 =	rddreg [dreg:$0x1];
	p0 =	sne.s32 s2, $0x0  }
0x96: {  	s3 =	rddreg [dreg:$0x2];
	[bflag:$0x3] =	sbarrier.arrive $0xFFFF;
	s2 =	simm.s32 @!p0 $0x1C07  }
0x97: {  	[timem:s3], [sflag:s2] =	dma.local @!p0 [hbm:s0], s1  }
0x98: {  	s0 =	simm.s32 @!p0 $0x7  }
0x99: {  	_ =	swait.ge @!p0 [sflag:s0], s1  }
0x9a: {  	s1 =	ssub.s32 @!p0 $0x0, s1;
	[sflag:s0] =	ssyncset.done @!p0 $0x0  }
0x9b: {  	[sflag:s0] =	ssyncadd.s32 @!p0 s1  }
0x9c: {  	[bflag:$0x3] =	sbarrier.arrive $0xFFFF  }
0x9d: {  	_ =	shalt  }

</sc_bundles>
